<compile_context>
chip_gen: v7x
topology: tpu7x:2x2x1
jax: 0.10.2.dev20260603
libtpu: 0.0.44.dev20260713+nightly
codegen_flags: <defaults>
</compile_context>

<pallas_src>
import functools

import jax
import jax.numpy as jnp
from jax import lax
from jax.experimental import pallas as pl
from jax.experimental.pallas import tpu as pltpu
from jax.experimental.pallas import tpu_sc as plsc

_S6 = 1.0
_S8 = 0.7875
_A1 = 0.4289
_A2 = 4.4407
_CUTOFF = 15.0
_SMOOTH_ON = 12.0
_K1 = 16.0
_K2 = 4.0 / 3.0
_K3 = 4.0

_N = 256
_NZ = 95
_KAB = 25
_VP = 128
_UP = 96
_SLAB = _KAB * _VP

_NW = 32
_SC_CHUNK = 8


def _sc_gather_slabs(tbl, idx):
    n_rows = idx.shape[0]
    rpw = n_rows // _NW
    mesh = plsc.VectorSubcoreMesh(core_axis_name="c", subcore_axis_name="s")

    @functools.partial(
        pl.kernel,
        mesh=mesh,
        out_type=jax.ShapeDtypeStruct((n_rows, _SLAB), jnp.float32),
        scratch_types=[
            pltpu.VMEM((rpw,), jnp.int32),
            pltpu.VMEM((_SC_CHUNK, _SLAB), jnp.float32),
            pltpu.SemaphoreType.DMA,
        ],
    )
    def k(tbl_hbm, idx_hbm, out_hbm, idx_v, rows_v, sem):
        wid = lax.axis_index("s") * 2 + lax.axis_index("c")
        base = wid * rpw
        pltpu.sync_copy(idx_hbm.at[pl.ds(base, rpw)], idx_v)

        @pl.loop(0, rpw, step=_SC_CHUNK)
        def _(c0):
            pltpu.async_copy(tbl_hbm.at[idx_v.at[pl.ds(c0, _SC_CHUNK)]],
                             rows_v, sem).wait()
            pltpu.sync_copy(rows_v, out_hbm.at[pl.ds(base + c0, _SC_CHUNK)])

    return k(tbl, idx)


def _dftd3_body(zrow_ref, zcol_ref, crow_ref, ccol_ref, asc_ref, tstk_ref,
                pstk_ref, prow_ref, out_ref):
    f32 = jnp.float32
    bf16 = jnp.bfloat16
    z_row = zrow_ref[0]
    z_col = zcol_ref[0]

    iu2 = jax.lax.broadcasted_iota(jnp.int32, (2 * _VP, _N), 0)
    um2 = jnp.bitwise_and(iu2, _VP - 1)
    ot2 = (um2 == z_row).astype(bf16)
    ic = jax.lax.broadcasted_iota(jnp.int32, (_N, 2 * _UP), 1)
    uc = jnp.where(ic >= _UP, ic - _UP, ic)
    ostk = (uc == z_col).astype(bf16)

    dn = (((1,), (0,)), ((), ()))

    pcol = jax.lax.dot_general(ostk, pstk_ref[...], dn, preferred_element_type=f32)
    rc_col = pcol[:, 0:1]
    r4_col = pcol[:, 1:2]
    prow = jax.lax.dot_general(prow_ref[...], ot2, dn, preferred_element_type=f32)
    rc_row = prow[0:1, :]
    r4_row = prow[1:2, :]

    d2 = jnp.zeros((_N, _N), f32)
    for c in range(3):
        xr = crow_ref[0, c:c + 1, :]
        xc = ccol_ref[0, :, c:c + 1]
        dx = xc - xr
        d2 = d2 + dx * dx
    ii = jax.lax.broadcasted_iota(jnp.int32, (_N, _N), 0)
    jj = jax.lax.broadcasted_iota(jnp.int32, (_N, _N), 1)
    eye = ii == jj
    d2s = jnp.where(eye, 1.0, d2)
    d = jnp.sqrt(d2s)
    pair_mask = jnp.logical_and(jnp.logical_not(eye), d < _CUTOFF)

    rco = rc_col + rc_row
    cnc = 1.0 / (1.0 + jnp.exp(-_K1 * (_K2 * rco / d - 1.0)))
    cnc = jnp.where(pair_mask, cnc, 0.0)
    cn_col = jnp.sum(cnc, axis=1, keepdims=True)
    cn_row = jnp.sum(cnc, axis=0, keepdims=True)

    tstk = tstk_ref[...]

    def _stage2(a_s):
        a_hi = a_s.astype(bf16)
        a_lo = (a_s - a_hi.astype(f32)).astype(bf16)
        lhs = jnp.concatenate([a_hi, a_lo], axis=1)
        return jax.lax.dot_general(lhs, ot2, dn, preferred_element_type=f32)

    wi = []
    for ab in range(_KAB):
        cni = _stage2(asc_ref[:, ab * _VP:(ab + 1) * _VP])
        di = cn_col - cni
        wi.append(jnp.exp(-_K3 * (di * di)))
    num = jnp.zeros((_N, _N), f32)
    den = jnp.zeros((_N, _N), f32)
    for a in range(5):
        for b in range(5):
            ab = a * 5 + b
            a_s = jax.lax.dot_general(ostk, tstk[:, ab * _VP:(ab + 1) * _VP],
                                      dn, preferred_element_type=f32)
            c6s = _stage2(a_s)
            lw = wi[ab] * jnp.transpose(wi[b * 5 + a])
            lw = jnp.where(c6s > 0.0, lw, 0.0)
            num = num + lw * c6s
            den = den + lw
    c6 = num / (den + 1e-12)

    qq = 3.0 * r4_col * r4_row
    c8 = c6 * qq
    r0 = jnp.sqrt(qq)
    fbj = _A1 * r0 + _A2
    f2 = fbj * fbj
    f6 = f2 * f2 * f2
    f8 = f6 * f2
    d6 = d2s * d2s * d2s
    d8 = d6 * d2s
    e_pair = _S6 * c6 / (d6 + f6) + _S8 * c8 / (d8 + f8)
    x = jnp.clip((d - _SMOOTH_ON) / (_CUTOFF - _SMOOTH_ON), 0.0, 1.0)
    sw = 1.0 - x * x * (3.0 - 2.0 * x)
    e = -0.5 * jnp.sum(jnp.where(pair_mask, e_pair * sw, 0.0))
    out_ref[...] = jnp.full((1, 1, 128), e, f32)


def _hi_lo(v):
    hi = v.astype(jnp.bfloat16).astype(jnp.float32)
    return hi, v - hi


def _build_tables(rcov, r4r2, c6ab, cn_ref):
    tcn = jnp.transpose(cn_ref.reshape(_NZ, _NZ, _KAB), (0, 2, 1))
    tcn = jnp.pad(tcn, ((0, 0), (0, 0), (0, _VP - _NZ)))
    tg = tcn.reshape(_NZ, _SLAB)

    tc6 = jnp.transpose(c6ab.reshape(_NZ, _NZ, _KAB), (0, 2, 1))
    tc6 = jnp.pad(tc6, ((0, _UP - _NZ), (0, 0), (0, _VP - _NZ)))
    tc6 = tc6.reshape(_UP, _SLAB)
    hi, lo = _hi_lo(tc6)
    tstk = jnp.concatenate([hi, lo], axis=0).astype(jnp.bfloat16)

    rch, rcl = _hi_lo(rcov)
    r4h, r4l = _hi_lo(r4r2)
    pc = jnp.stack([rch, r4h], axis=1)
    pcl = jnp.stack([rcl, r4l], axis=1)
    pc = jnp.pad(pc, ((0, _UP - _NZ), (0, _VP - 2)))
    pcl = jnp.pad(pcl, ((0, _UP - _NZ), (0, _VP - 2)))
    pstk = jnp.concatenate([pc, pcl], axis=0).astype(jnp.bfloat16)

    def _rowpack(h, l):
        return jnp.concatenate([jnp.pad(h, (0, _VP - _NZ)),
                                jnp.pad(l, (0, _VP - _NZ))])
    prow_t = jnp.stack([_rowpack(rch, rcl), _rowpack(r4h, r4l)], axis=0)
    prow_t = jnp.pad(prow_t, ((0, 6), (0, 0))).astype(jnp.bfloat16)
    return tg, tstk, pstk, prow_t


def _tc_chunk(zrow, zcol, crow, ccol, asc, tstk, pstk, prow_t):
    bc = zrow.shape[0]
    out = pl.pallas_call(
        _dftd3_body,
        grid=(bc,),
        in_specs=[
            pl.BlockSpec((1, 1, _N), lambda b: (b, 0, 0)),
            pl.BlockSpec((1, _N, 1), lambda b: (b, 0, 0)),
            pl.BlockSpec((1, 8, _N), lambda b: (b, 0, 0)),
            pl.BlockSpec((1, _N, 8), lambda b: (b, 0, 0)),
            pl.BlockSpec((_N, _SLAB), lambda b: (b, 0)),
            pl.BlockSpec(tstk.shape, lambda b: (0, 0)),
            pl.BlockSpec(pstk.shape, lambda b: (0, 0)),
            pl.BlockSpec(prow_t.shape, lambda b: (0, 0)),
        ],
        out_specs=pl.BlockSpec((1, 1, 128), lambda b: (b, 0, 0)),
        out_shape=jax.ShapeDtypeStruct((bc, 1, 128), jnp.float32),
        compiler_params=pltpu.CompilerParams(
            dimension_semantics=("arbitrary",)),
    )(zrow, zcol, crow, ccol, asc, tstk, pstk, prow_t)
    return out[:, 0, 0]


def kernel(coord, numbers, rcov, r4r2, c6ab, cn_ref):
    B = coord.shape[0]
    coord = coord.astype(jnp.float32)
    tg, tstk, pstk, prow_t = _build_tables(rcov.astype(jnp.float32),
                                           r4r2.astype(jnp.float32),
                                           c6ab.astype(jnp.float32),
                                           cn_ref.astype(jnp.float32))
    z = numbers.astype(jnp.int32)
    zrow = z.reshape(B, 1, _N)
    zcol = z.reshape(B, _N, 1)
    crow = jnp.pad(jnp.transpose(coord, (0, 2, 1)), ((0, 0), (0, 5), (0, 0)))
    ccol = jnp.pad(coord, ((0, 0), (0, 0), (0, 5)))

    n_chunks = 4
    bc = B // n_chunks
    ascs = [_sc_gather_slabs(tg, z[i * bc:(i + 1) * bc].reshape(-1))
            for i in range(n_chunks)]
    outs = [_tc_chunk(zrow[i * bc:(i + 1) * bc], zcol[i * bc:(i + 1) * bc],
                      crow[i * bc:(i + 1) * bc], ccol[i * bc:(i + 1) * bc],
                      ascs[i], tstk, pstk, prow_t)
            for i in range(n_chunks)]
    return jnp.concatenate(outs, axis=0)

# --- scband reference (transcript-rebuilt; emitter-appended) ---
"""Pipeline reference for scband-dftd3-18580028522578 (READ-ONLY COPY).

The authoritative reference and input builder live on the scoring server;
editing this copy changes nothing except your own understanding.
"""

import jax, jax.numpy as jnp
import numpy as np

S6 = 1.0
S8 = 0.7875
A1 = 0.4289
A2 = 4.4407
CUTOFF = 15.0
SMOOTH_ON = 12.0  # cutoff * (1 - smoothing_fraction)
K1 = 16.0
K2 = 4.0 / 3.0
K3 = 4.0


def setup_inputs(seed: int = 0) -> dict:
    key = jax.random.key(seed)
    ks = jax.random.split(key, 6)
    B, N = 8, 256
    coord = jax.random.normal(ks[0], (B, N, 3), dtype=jnp.float32) * 6.0
    numbers = jax.random.randint(ks[1], (B, N), 1, 87)
    # Buffers normally loaded from dftd3_data.pt; materialize with plausible ranges.
    rcov = jax.random.uniform(ks[2], (95,), dtype=jnp.float32, minval=0.8, maxval=2.0)
    r4r2 = jax.random.uniform(ks[3], (95,), dtype=jnp.float32, minval=2.0, maxval=10.0)
    c6ab = jax.random.uniform(ks[4], (95, 95, 5, 5), dtype=jnp.float32, minval=1.0, maxval=50.0)
    cn_ref = jax.random.uniform(ks[5], (95, 95, 5, 5), dtype=jnp.float32, minval=0.0, maxval=8.0)
    return {"coord": coord, "numbers": numbers, "rcov": rcov, "r4r2": r4r2, "c6ab": c6ab, "cn_ref": cn_ref}


def _system_energy(coord, z, rcov, r4r2, c6ab, cn_ref):
    # DFT-D3(BJ) two-body energy for one system (nb_mode 0 dense all-pairs).
    N = coord.shape[0]
    diff = coord[:, None, :] - coord[None, :, :]
    d2 = jnp.sum(diff * diff, axis=-1)
    eye = jnp.eye(N, dtype=bool)
    d = jnp.sqrt(jnp.where(eye, 1.0, d2))
    pair_mask = (~eye) & (d < CUTOFF)
    # Coordination numbers (counting function)
    rc = rcov[z]
    rco = rc[:, None] + rc[None, :]
    cn_contrib = 1.0 / (1.0 + jnp.exp(-K1 * (K2 * rco / d - 1.0)))
    cn = jnp.sum(jnp.where(pair_mask, cn_contrib, 0.0), axis=1)
    # C6 interpolation over reference coordination numbers (gathers from [95,95,5,5] tables)
    c6ref = c6ab[z[:, None], z[None, :]]           # [N,N,5,5]
    cnref_i = cn_ref[z[:, None], z[None, :]]       # cn_ref[zi,zj,a,b]
    cnref_j = jnp.transpose(cnref_i, (1, 0, 3, 2)) # cn_ref[zj,zi,b,a]
    dcn_i = cn[:, None, None, None] - cnref_i
    dcn_j = cn[None, :, None, None] - cnref_j
    lw = jnp.exp(-K3 * (dcn_i * dcn_i + dcn_j * dcn_j))
    lw = jnp.where(c6ref > 0.0, lw, 0.0)
    wsum = jnp.sum(lw, axis=(-2, -1))
    c6 = jnp.sum(lw * c6ref, axis=(-2, -1)) / (wsum + 1e-12)
    # C8 and BJ damping
    qq = 3.0 * r4r2[z][:, None] * r4r2[z][None, :]
    c8 = c6 * qq
    r0 = jnp.sqrt(qq)
    fbj = A1 * r0 + A2
    d6 = d ** 6
    d8 = d ** 8
    e_pair = S6 * c6 / (d6 + fbj ** 6) + S8 * c8 / (d8 + fbj ** 8)
    # Smoothing window from SMOOTH_ON to CUTOFF (smoothstep turn-off)
    x = jnp.clip((d - SMOOTH_ON) / (CUTOFF - SMOOTH_ON), 0.0, 1.0)
    sw = 1.0 - x * x * (3.0 - 2.0 * x)
    return -0.5 * jnp.sum(jnp.where(pair_mask, e_pair * sw, 0.0))


def reference(coord, numbers, rcov, r4r2, c6ab, cn_ref):
    energy = jax.vmap(lambda c, z: _system_energy(c, z, rcov, r4r2, c6ab, cn_ref))(coord, numbers)
    return energy  # [B] dispersion energy per system

if __name__ == "__main__":
    import jax
    _d = setup_inputs()
    print(jax.jit(kernel)(*tuple(_d.values())))

</pallas_src>

<mosaic_0001>
#map = affine_map<(d0, d1) -> (0, 0)>
#map1 = affine_map<(d0, d1) -> (0)>
module attributes {stable_mosaic.version = 14 : i64} {
  func.func @k(%arg0: i32, %arg1: i32, %arg2: memref<95x3200xf32, #tpu.memory_space<hbm>>, %arg3: memref<512xi32, #tpu.memory_space<hbm>>, %arg4: memref<512x3200xf32, #tpu.memory_space<hbm>>, %arg5: memref<16xi32, #tpu.memory_space<vmem>>, %arg6: memref<8x3200xf32, #tpu.memory_space<vmem>>, %arg7: memref<!tpu.dma_semaphore, #tpu.memory_space<semaphore_mem>>) attributes {dimension_semantics = [#tpu.dimension_semantics<core_parallel>, #tpu.dimension_semantics<subcore_parallel>], iteration_bounds = array<i64: 2, 16>, scalar_prefetch = 0 : i64, scratch_operands = 3 : i64, tpu.core_type = #tpu.core_type<sc_vector_subcore>, window_params = [{transform_indices = #map}, {transform_indices = #map1}, {transform_indices = #map}]} {
    %mul3A = arith.constant 2 : i32
    %mul3A_0 = arith.muli %arg1, %mul3A : i32
    %add3A = arith.addi %mul3A_0, %arg0 : i32
    %mul3A_1 = arith.constant 16 : i32
    %mul3A_2 = arith.muli %add3A, %mul3A_1 : i32
    "tpu.region"() ({
      %run_scoped3A = tpu.sem_alloc : memref<!tpu.dma_semaphore, #tpu.memory_space<semaphore_mem>>
      %dma_start3A = tpu.memref_slice %arg3[%mul3A_2] : memref<512xi32, #tpu.memory_space<hbm>> -> memref<16xi32, #tpu.memory_space<hbm>>
      %dma_start3A_7 = tpu.memref_slice %arg3[%mul3A_2] : memref<512xi32, #tpu.memory_space<hbm>> -> memref<16xi32, #tpu.memory_space<hbm>>
      tpu.enqueue_dma source(%dma_start3A_7 : memref<16xi32, #tpu.memory_space<hbm>>) target(%arg5 : memref<16xi32, #tpu.memory_space<vmem>>) target_semaphore(%run_scoped3A : memref<!tpu.dma_semaphore, #tpu.memory_space<semaphore_mem>>)
      %dma_wait3A = tpu.memref_slice %arg3[%mul3A_2] : memref<512xi32, #tpu.memory_space<hbm>> -> memref<16xi32, #tpu.memory_space<hbm>>
      %dma_wait3A_8 = tpu.memref_slice %arg3[%mul3A_2] : memref<512xi32, #tpu.memory_space<hbm>> -> memref<16xi32, #tpu.memory_space<hbm>>
      tpu.wait_dma2 semaphore(%run_scoped3A : memref<!tpu.dma_semaphore, #tpu.memory_space<semaphore_mem>>) src(%dma_wait3A_8 : memref<16xi32, #tpu.memory_space<hbm>>) dst(%arg5 : memref<16xi32, #tpu.memory_space<vmem>>)
      tpu.yield
    }) : () -> ()
    %scan3A = arith.constant 0 : i32
    %scan3A_3 = arith.constant 2 : i32
    %scan3A_4 = arith.addi %scan3A, %scan3A_3 : i32
    %scan3A_5 = arith.constant 1 : i32
    scf.for %scan3A_7 = %scan3A to %scan3A_4 step %scan3A_5  : i32 {
      %mul3A_8 = arith.constant 8 : i32
      %mul3A_9 = arith.muli %scan3A_7, %mul3A_8 : i32
      %add3A_10 = arith.constant 0 : i32
      %add3A_11 = arith.addi %add3A_10, %mul3A_9 : i32
      %dma_start3A = tpu.memref_slice %arg5[%add3A_11] : memref<16xi32, #tpu.memory_space<vmem>> -> memref<8xi32, #tpu.memory_space<vmem>>
      %dma_start3A_12 = arith.constant 0 : i32
      %dma_start3A_13 = arith.constant 0 : i32
      %dma_start3A_14 = tpu.memref_slice %arg2[%dma_start3A_12, %dma_start3A_13] : memref<95x3200xf32, #tpu.memory_space<hbm>> -> memref<95x3200xf32, #tpu.memory_space<hbm>>
      tpu.enqueue_indirect_dma source(%dma_start3A_14 : memref<95x3200xf32, #tpu.memory_space<hbm>>) target(%arg6 : memref<8x3200xf32, #tpu.memory_space<vmem>>) offsets(%dma_start3A : memref<8xi32, #tpu.memory_space<vmem>>) semaphore(%arg7 : memref<!tpu.dma_semaphore, #tpu.memory_space<semaphore_mem>>)
      %dma_wait3A = tpu.memref_slice %arg5[%add3A_11] : memref<16xi32, #tpu.memory_space<vmem>> -> memref<8xi32, #tpu.memory_space<vmem>>
      %dma_wait3A_15 = arith.constant 0 : i32
      %dma_wait3A_16 = arith.constant 0 : i32
      %dma_wait3A_17 = tpu.memref_slice %arg2[%dma_wait3A_15, %dma_wait3A_16] : memref<95x3200xf32, #tpu.memory_space<hbm>> -> memref<95x3200xf32, #tpu.memory_space<hbm>>
      tpu.wait_indirect_dma semaphore(%arg7 : memref<!tpu.dma_semaphore, #tpu.memory_space<semaphore_mem>>) src(%dma_wait3A_17 : memref<95x3200xf32, #tpu.memory_space<hbm>>) dst(%arg6 : memref<8x3200xf32, #tpu.memory_space<vmem>>)
      %add3A_18 = arith.addi %mul3A_2, %add3A_11 : i32
      "tpu.region"() ({
        %run_scoped3A = tpu.sem_alloc : memref<!tpu.dma_semaphore, #tpu.memory_space<semaphore_mem>>
        %dma_start3A_19 = arith.constant 0 : i32
        %dma_start3A_20 = tpu.memref_slice %arg4[%add3A_18, %dma_start3A_19] : memref<512x3200xf32, #tpu.memory_space<hbm>> -> memref<8x3200xf32, #tpu.memory_space<hbm>>
        %dma_start3A_21 = arith.constant 0 : i32
        %dma_start3A_22 = tpu.memref_slice %arg4[%add3A_18, %dma_start3A_21] : memref<512x3200xf32, #tpu.memory_space<hbm>> -> memref<8x3200xf32, #tpu.memory_space<hbm>>
        tpu.enqueue_dma source(%arg6 : memref<8x3200xf32, #tpu.memory_space<vmem>>) target(%dma_start3A_22 : memref<8x3200xf32, #tpu.memory_space<hbm>>) target_semaphore(%run_scoped3A : memref<!tpu.dma_semaphore, #tpu.memory_space<semaphore_mem>>)
        %dma_wait3A_23 = arith.constant 0 : i32
        %dma_wait3A_24 = tpu.memref_slice %arg4[%add3A_18, %dma_wait3A_23] : memref<512x3200xf32, #tpu.memory_space<hbm>> -> memref<8x3200xf32, #tpu.memory_space<hbm>>
        %dma_wait3A_25 = arith.constant 0 : i32
        %dma_wait3A_26 = tpu.memref_slice %arg4[%add3A_18, %dma_wait3A_25] : memref<512x3200xf32, #tpu.memory_space<hbm>> -> memref<8x3200xf32, #tpu.memory_space<hbm>>
        tpu.wait_dma2 semaphore(%run_scoped3A : memref<!tpu.dma_semaphore, #tpu.memory_space<semaphore_mem>>) src(%arg6 : memref<8x3200xf32, #tpu.memory_space<vmem>>) dst(%dma_wait3A_26 : memref<8x3200xf32, #tpu.memory_space<hbm>>)
        tpu.yield
      }) : () -> ()
    }
    %scan3A_6 = arith.constant 2 : i32
    return
  }
}

#map = affine_map<(d0, d1) -> (0, 0)>
#map1 = affine_map<(d0, d1) -> (0)>
module attributes {stable_mosaic.version = 14 : i64} {
  func.func @k(%arg0: i32, %arg1: i32, %arg2: memref<95x3200xf32, #tpu.memory_space<hbm>>, %arg3: memref<512xi32, #tpu.memory_space<hbm>>, %arg4: memref<512x3200xf32, #tpu.memory_space<hbm>>, %arg5: memref<16xi32, #tpu.memory_space<vmem>>, %arg6: memref<8x3200xf32, #tpu.memory_space<vmem>>, %arg7: memref<!tpu.dma_semaphore, #tpu.memory_space<semaphore_mem>>) attributes {dimension_semantics = [#tpu.dimension_semantics<core_parallel>, #tpu.dimension_semantics<subcore_parallel>], iteration_bounds = array<i64: 2, 16>, scalar_prefetch = 0 : i64, scratch_operands = 3 : i64, tpu.core_type = #tpu.core_type<sc_vector_subcore>, window_params = [{transform_indices = #map}, {transform_indices = #map1}, {transform_indices = #map}]} {
    %mul3A = arith.constant 2 : i32
    %mul3A_0 = arith.muli %arg1, %mul3A : i32
    %add3A = arith.addi %mul3A_0, %arg0 : i32
    %mul3A_1 = arith.constant 16 : i32
    %mul3A_2 = arith.muli %add3A, %mul3A_1 : i32
    "tpu.region"() ({
      %run_scoped3A = tpu.sem_alloc : memref<!tpu.dma_semaphore, #tpu.memory_space<semaphore_mem>>
      %dma_start3A = tpu.memref_slice %arg3[%mul3A_2] : memref<512xi32, #tpu.memory_space<hbm>> -> memref<16xi32, #tpu.memory_space<hbm>>
      %dma_start3A_7 = tpu.memref_slice %arg3[%mul3A_2] : memref<512xi32, #tpu.memory_space<hbm>> -> memref<16xi32, #tpu.memory_space<hbm>>
      tpu.enqueue_dma source(%dma_start3A_7 : memref<16xi32, #tpu.memory_space<hbm>>) target(%arg5 : memref<16xi32, #tpu.memory_space<vmem>>) target_semaphore(%run_scoped3A : memref<!tpu.dma_semaphore, #tpu.memory_space<semaphore_mem>>)
      %dma_wait3A = tpu.memref_slice %arg3[%mul3A_2] : memref<512xi32, #tpu.memory_space<hbm>> -> memref<16xi32, #tpu.memory_space<hbm>>
      %dma_wait3A_8 = tpu.memref_slice %arg3[%mul3A_2] : memref<512xi32, #tpu.memory_space<hbm>> -> memref<16xi32, #tpu.memory_space<hbm>>
      tpu.wait_dma2 semaphore(%run_scoped3A : memref<!tpu.dma_semaphore, #tpu.memory_space<semaphore_mem>>) src(%dma_wait3A_8 : memref<16xi32, #tpu.memory_space<hbm>>) dst(%arg5 : memref<16xi32, #tpu.memory_space<vmem>>)
      tpu.yield
    }) : () -> ()
    %scan3A = arith.constant 0 : i32
    %scan3A_3 = arith.constant 2 : i32
    %scan3A_4 = arith.addi %scan3A, %scan3A_3 : i32
    %scan3A_5 = arith.constant 1 : i32
    scf.for %scan3A_7 = %scan3A to %scan3A_4 step %scan3A_5  : i32 {
      %mul3A_8 = arith.constant 8 : i32
      %mul3A_9 = arith.muli %scan3A_7, %mul3A_8 : i32
      %add3A_10 = arith.constant 0 : i32
      %add3A_11 = arith.addi %add3A_10, %mul3A_9 : i32
      %dma_start3A = tpu.memref_slice %arg5[%add3A_11] : memref<16xi32, #tpu.memory_space<vmem>> -> memref<8xi32, #tpu.memory_space<vmem>>
      %dma_start3A_12 = arith.constant 0 : i32
      %dma_start3A_13 = arith.constant 0 : i32
      %dma_start3A_14 = tpu.memref_slice %arg2[%dma_start3A_12, %dma_start3A_13] : memref<95x3200xf32, #tpu.memory_space<hbm>> -> memref<95x3200xf32, #tpu.memory_space<hbm>>
      tpu.enqueue_indirect_dma source(%dma_start3A_14 : memref<95x3200xf32, #tpu.memory_space<hbm>>) target(%arg6 : memref<8x3200xf32, #tpu.memory_space<vmem>>) offsets(%dma_start3A : memref<8xi32, #tpu.memory_space<vmem>>) semaphore(%arg7 : memref<!tpu.dma_semaphore, #tpu.memory_space<semaphore_mem>>)
      %dma_wait3A = tpu.memref_slice %arg5[%add3A_11] : memref<16xi32, #tpu.memory_space<vmem>> -> memref<8xi32, #tpu.memory_space<vmem>>
      %dma_wait3A_15 = arith.constant 0 : i32
      %dma_wait3A_16 = arith.constant 0 : i32
      %dma_wait3A_17 = tpu.memref_slice %arg2[%dma_wait3A_15, %dma_wait3A_16] : memref<95x3200xf32, #tpu.memory_space<hbm>> -> memref<95x3200xf32, #tpu.memory_space<hbm>>
      tpu.wait_indirect_dma semaphore(%arg7 : memref<!tpu.dma_semaphore, #tpu.memory_space<semaphore_mem>>) src(%dma_wait3A_17 : memref<95x3200xf32, #tpu.memory_space<hbm>>) dst(%arg6 : memref<8x3200xf32, #tpu.memory_space<vmem>>)
      %add3A_18 = arith.addi %mul3A_2, %add3A_11 : i32
      "tpu.region"() ({
        %run_scoped3A = tpu.sem_alloc : memref<!tpu.dma_semaphore, #tpu.memory_space<semaphore_mem>>
        %dma_start3A_19 = arith.constant 0 : i32
        %dma_start3A_20 = tpu.memref_slice %arg4[%add3A_18, %dma_start3A_19] : memref<512x3200xf32, #tpu.memory_space<hbm>> -> memref<8x3200xf32, #tpu.memory_space<hbm>>
        %dma_start3A_21 = arith.constant 0 : i32
        %dma_start3A_22 = tpu.memref_slice %arg4[%add3A_18, %dma_start3A_21] : memref<512x3200xf32, #tpu.memory_space<hbm>> -> memref<8x3200xf32, #tpu.memory_space<hbm>>
        tpu.enqueue_dma source(%arg6 : memref<8x3200xf32, #tpu.memory_space<vmem>>) target(%dma_start3A_22 : memref<8x3200xf32, #tpu.memory_space<hbm>>) target_semaphore(%run_scoped3A : memref<!tpu.dma_semaphore, #tpu.memory_space<semaphore_mem>>)
        %dma_wait3A_23 = arith.constant 0 : i32
        %dma_wait3A_24 = tpu.memref_slice %arg4[%add3A_18, %dma_wait3A_23] : memref<512x3200xf32, #tpu.memory_space<hbm>> -> memref<8x3200xf32, #tpu.memory_space<hbm>>
        %dma_wait3A_25 = arith.constant 0 : i32
        %dma_wait3A_26 = tpu.memref_slice %arg4[%add3A_18, %dma_wait3A_25] : memref<512x3200xf32, #tpu.memory_space<hbm>> -> memref<8x3200xf32, #tpu.memory_space<hbm>>
        tpu.wait_dma2 semaphore(%run_scoped3A : memref<!tpu.dma_semaphore, #tpu.memory_space<semaphore_mem>>) src(%arg6 : memref<8x3200xf32, #tpu.memory_space<vmem>>) dst(%dma_wait3A_26 : memref<8x3200xf32, #tpu.memory_space<hbm>>)
        tpu.yield
      }) : () -> ()
    }
    %scan3A_6 = arith.constant 2 : i32
    return
  }
}

#map = affine_map<(d0, d1) -> (0, 0)>
#map1 = affine_map<(d0, d1) -> (0)>
module attributes {stable_mosaic.version = 14 : i64} {
  func.func @k(%arg0: i32, %arg1: i32, %arg2: memref<95x3200xf32, #tpu.memory_space<hbm>>, %arg3: memref<512xi32, #tpu.memory_space<hbm>>, %arg4: memref<512x3200xf32, #tpu.memory_space<hbm>>, %arg5: memref<16xi32, #tpu.memory_space<vmem>>, %arg6: memref<8x3200xf32, #tpu.memory_space<vmem>>, %arg7: memref<!tpu.dma_semaphore, #tpu.memory_space<semaphore_mem>>) attributes {dimension_semantics = [#tpu.dimension_semantics<core_parallel>, #tpu.dimension_semantics<subcore_parallel>], iteration_bounds = array<i64: 2, 16>, scalar_prefetch = 0 : i64, scratch_operands = 3 : i64, tpu.core_type = #tpu.core_type<sc_vector_subcore>, window_params = [{transform_indices = #map}, {transform_indices = #map1}, {transform_indices = #map}]} {
    %mul3A = arith.constant 2 : i32
    %mul3A_0 = arith.muli %arg1, %mul3A : i32
    %add3A = arith.addi %mul3A_0, %arg0 : i32
    %mul3A_1 = arith.constant 16 : i32
    %mul3A_2 = arith.muli %add3A, %mul3A_1 : i32
    "tpu.region"() ({
      %run_scoped3A = tpu.sem_alloc : memref<!tpu.dma_semaphore, #tpu.memory_space<semaphore_mem>>
      %dma_start3A = tpu.memref_slice %arg3[%mul3A_2] : memref<512xi32, #tpu.memory_space<hbm>> -> memref<16xi32, #tpu.memory_space<hbm>>
      %dma_start3A_7 = tpu.memref_slice %arg3[%mul3A_2] : memref<512xi32, #tpu.memory_space<hbm>> -> memref<16xi32, #tpu.memory_space<hbm>>
      tpu.enqueue_dma source(%dma_start3A_7 : memref<16xi32, #tpu.memory_space<hbm>>) target(%arg5 : memref<16xi32, #tpu.memory_space<vmem>>) target_semaphore(%run_scoped3A : memref<!tpu.dma_semaphore, #tpu.memory_space<semaphore_mem>>)
      %dma_wait3A = tpu.memref_slice %arg3[%mul3A_2] : memref<512xi32, #tpu.memory_space<hbm>> -> memref<16xi32, #tpu.memory_space<hbm>>
      %dma_wait3A_8 = tpu.memref_slice %arg3[%mul3A_2] : memref<512xi32, #tpu.memory_space<hbm>> -> memref<16xi32, #tpu.memory_space<hbm>>
      tpu.wait_dma2 semaphore(%run_scoped3A : memref<!tpu.dma_semaphore, #tpu.memory_space<semaphore_mem>>) src(%dma_wait3A_8 : memref<16xi32, #tpu.memory_space<hbm>>) dst(%arg5 : memref<16xi32, #tpu.memory_space<vmem>>)
      tpu.yield
    }) : () -> ()
    %scan3A = arith.constant 0 : i32
    %scan3A_3 = arith.constant 2 : i32
    %scan3A_4 = arith.addi %scan3A, %scan3A_3 : i32
    %scan3A_5 = arith.constant 1 : i32
    scf.for %scan3A_7 = %scan3A to %scan3A_4 step %scan3A_5  : i32 {
      %mul3A_8 = arith.constant 8 : i32
      %mul3A_9 = arith.muli %scan3A_7, %mul3A_8 : i32
      %add3A_10 = arith.constant 0 : i32
      %add3A_11 = arith.addi %add3A_10, %mul3A_9 : i32
      %dma_start3A = tpu.memref_slice %arg5[%add3A_11] : memref<16xi32, #tpu.memory_space<vmem>> -> memref<8xi32, #tpu.memory_space<vmem>>
      %dma_start3A_12 = arith.constant 0 : i32
      %dma_start3A_13 = arith.constant 0 : i32
      %dma_start3A_14 = tpu.memref_slice %arg2[%dma_start3A_12, %dma_start3A_13] : memref<95x3200xf32, #tpu.memory_space<hbm>> -> memref<95x3200xf32, #tpu.memory_space<hbm>>
      tpu.enqueue_indirect_dma source(%dma_start3A_14 : memref<95x3200xf32, #tpu.memory_space<hbm>>) target(%arg6 : memref<8x3200xf32, #tpu.memory_space<vmem>>) offsets(%dma_start3A : memref<8xi32, #tpu.memory_space<vmem>>) semaphore(%arg7 : memref<!tpu.dma_semaphore, #tpu.memory_space<semaphore_mem>>)
      %dma_wait3A = tpu.memref_slice %arg5[%add3A_11] : memref<16xi32, #tpu.memory_space<vmem>> -> memref<8xi32, #tpu.memory_space<vmem>>
      %dma_wait3A_15 = arith.constant 0 : i32
      %dma_wait3A_16 = arith.constant 0 : i32
      %dma_wait3A_17 = tpu.memref_slice %arg2[%dma_wait3A_15, %dma_wait3A_16] : memref<95x3200xf32, #tpu.memory_space<hbm>> -> memref<95x3200xf32, #tpu.memory_space<hbm>>
      tpu.wait_indirect_dma semaphore(%arg7 : memref<!tpu.dma_semaphore, #tpu.memory_space<semaphore_mem>>) src(%dma_wait3A_17 : memref<95x3200xf32, #tpu.memory_space<hbm>>) dst(%arg6 : memref<8x3200xf32, #tpu.memory_space<vmem>>)
      %add3A_18 = arith.addi %mul3A_2, %add3A_11 : i32
      "tpu.region"() ({
        %run_scoped3A = tpu.sem_alloc : memref<!tpu.dma_semaphore, #tpu.memory_space<semaphore_mem>>
        %dma_start3A_19 = arith.constant 0 : i32
        %dma_start3A_20 = tpu.memref_slice %arg4[%add3A_18, %dma_start3A_19] : memref<512x3200xf32, #tpu.memory_space<hbm>> -> memref<8x3200xf32, #tpu.memory_space<hbm>>
        %dma_start3A_21 = arith.constant 0 : i32
        %dma_start3A_22 = tpu.memref_slice %arg4[%add3A_18, %dma_start3A_21] : memref<512x3200xf32, #tpu.memory_space<hbm>> -> memref<8x3200xf32, #tpu.memory_space<hbm>>
        tpu.enqueue_dma source(%arg6 : memref<8x3200xf32, #tpu.memory_space<vmem>>) target(%dma_start3A_22 : memref<8x3200xf32, #tpu.memory_space<hbm>>) target_semaphore(%run_scoped3A : memref<!tpu.dma_semaphore, #tpu.memory_space<semaphore_mem>>)
        %dma_wait3A_23 = arith.constant 0 : i32
        %dma_wait3A_24 = tpu.memref_slice %arg4[%add3A_18, %dma_wait3A_23] : memref<512x3200xf32, #tpu.memory_space<hbm>> -> memref<8x3200xf32, #tpu.memory_space<hbm>>
        %dma_wait3A_25 = arith.constant 0 : i32
        %dma_wait3A_26 = tpu.memref_slice %arg4[%add3A_18, %dma_wait3A_25] : memref<512x3200xf32, #tpu.memory_space<hbm>> -> memref<8x3200xf32, #tpu.memory_space<hbm>>
        tpu.wait_dma2 semaphore(%run_scoped3A : memref<!tpu.dma_semaphore, #tpu.memory_space<semaphore_mem>>) src(%arg6 : memref<8x3200xf32, #tpu.memory_space<vmem>>) dst(%dma_wait3A_26 : memref<8x3200xf32, #tpu.memory_space<hbm>>)
        tpu.yield
      }) : () -> ()
    }
    %scan3A_6 = arith.constant 2 : i32
    return
  }
}

#map = affine_map<(d0, d1) -> (0, 0)>
#map1 = affine_map<(d0, d1) -> (0)>
module attributes {stable_mosaic.version = 14 : i64} {
  func.func @k(%arg0: i32, %arg1: i32, %arg2: memref<95x3200xf32, #tpu.memory_space<hbm>>, %arg3: memref<512xi32, #tpu.memory_space<hbm>>, %arg4: memref<512x3200xf32, #tpu.memory_space<hbm>>, %arg5: memref<16xi32, #tpu.memory_space<vmem>>, %arg6: memref<8x3200xf32, #tpu.memory_space<vmem>>, %arg7: memref<!tpu.dma_semaphore, #tpu.memory_space<semaphore_mem>>) attributes {dimension_semantics = [#tpu.dimension_semantics<core_parallel>, #tpu.dimension_semantics<subcore_parallel>], iteration_bounds = array<i64: 2, 16>, scalar_prefetch = 0 : i64, scratch_operands = 3 : i64, tpu.core_type = #tpu.core_type<sc_vector_subcore>, window_params = [{transform_indices = #map}, {transform_indices = #map1}, {transform_indices = #map}]} {
    %mul3A = arith.constant 2 : i32
    %mul3A_0 = arith.muli %arg1, %mul3A : i32
    %add3A = arith.addi %mul3A_0, %arg0 : i32
    %mul3A_1 = arith.constant 16 : i32
    %mul3A_2 = arith.muli %add3A, %mul3A_1 : i32
    "tpu.region"() ({
      %run_scoped3A = tpu.sem_alloc : memref<!tpu.dma_semaphore, #tpu.memory_space<semaphore_mem>>
      %dma_start3A = tpu.memref_slice %arg3[%mul3A_2] : memref<512xi32, #tpu.memory_space<hbm>> -> memref<16xi32, #tpu.memory_space<hbm>>
      %dma_start3A_7 = tpu.memref_slice %arg3[%mul3A_2] : memref<512xi32, #tpu.memory_space<hbm>> -> memref<16xi32, #tpu.memory_space<hbm>>
      tpu.enqueue_dma source(%dma_start3A_7 : memref<16xi32, #tpu.memory_space<hbm>>) target(%arg5 : memref<16xi32, #tpu.memory_space<vmem>>) target_semaphore(%run_scoped3A : memref<!tpu.dma_semaphore, #tpu.memory_space<semaphore_mem>>)
      %dma_wait3A = tpu.memref_slice %arg3[%mul3A_2] : memref<512xi32, #tpu.memory_space<hbm>> -> memref<16xi32, #tpu.memory_space<hbm>>
      %dma_wait3A_8 = tpu.memref_slice %arg3[%mul3A_2] : memref<512xi32, #tpu.memory_space<hbm>> -> memref<16xi32, #tpu.memory_space<hbm>>
      tpu.wait_dma2 semaphore(%run_scoped3A : memref<!tpu.dma_semaphore, #tpu.memory_space<semaphore_mem>>) src(%dma_wait3A_8 : memref<16xi32, #tpu.memory_space<hbm>>) dst(%arg5 : memref<16xi32, #tpu.memory_space<vmem>>)
      tpu.yield
    }) : () -> ()
    %scan3A = arith.constant 0 : i32
    %scan3A_3 = arith.constant 2 : i32
    %scan3A_4 = arith.addi %scan3A, %scan3A_3 : i32
    %scan3A_5 = arith.constant 1 : i32
    scf.for %scan3A_7 = %scan3A to %scan3A_4 step %scan3A_5  : i32 {
      %mul3A_8 = arith.constant 8 : i32
      %mul3A_9 = arith.muli %scan3A_7, %mul3A_8 : i32
      %add3A_10 = arith.constant 0 : i32
      %add3A_11 = arith.addi %add3A_10, %mul3A_9 : i32
      %dma_start3A = tpu.memref_slice %arg5[%add3A_11] : memref<16xi32, #tpu.memory_space<vmem>> -> memref<8xi32, #tpu.memory_space<vmem>>
      %dma_start3A_12 = arith.constant 0 : i32
      %dma_start3A_13 = arith.constant 0 : i32
      %dma_start3A_14 = tpu.memref_slice %arg2[%dma_start3A_12, %dma_start3A_13] : memref<95x3200xf32, #tpu.memory_space<hbm>> -> memref<95x3200xf32, #tpu.memory_space<hbm>>
      tpu.enqueue_indirect_dma source(%dma_start3A_14 : memref<95x3200xf32, #tpu.memory_space<hbm>>) target(%arg6 : memref<8x3200xf32, #tpu.memory_space<vmem>>) offsets(%dma_start3A : memref<8xi32, #tpu.memory_space<vmem>>) semaphore(%arg7 : memref<!tpu.dma_semaphore, #tpu.memory_space<semaphore_mem>>)
      %dma_wait3A = tpu.memref_slice %arg5[%add3A_11] : memref<16xi32, #tpu.memory_space<vmem>> -> memref<8xi32, #tpu.memory_space<vmem>>
      %dma_wait3A_15 = arith.constant 0 : i32
      %dma_wait3A_16 = arith.constant 0 : i32
      %dma_wait3A_17 = tpu.memref_slice %arg2[%dma_wait3A_15, %dma_wait3A_16] : memref<95x3200xf32, #tpu.memory_space<hbm>> -> memref<95x3200xf32, #tpu.memory_space<hbm>>
      tpu.wait_indirect_dma semaphore(%arg7 : memref<!tpu.dma_semaphore, #tpu.memory_space<semaphore_mem>>) src(%dma_wait3A_17 : memref<95x3200xf32, #tpu.memory_space<hbm>>) dst(%arg6 : memref<8x3200xf32, #tpu.memory_space<vmem>>)
      %add3A_18 = arith.addi %mul3A_2, %add3A_11 : i32
      "tpu.region"() ({
        %run_scoped3A = tpu.sem_alloc : memref<!tpu.dma_semaphore, #tpu.memory_space<semaphore_mem>>
        %dma_start3A_19 = arith.constant 0 : i32
        %dma_start3A_20 = tpu.memref_slice %arg4[%add3A_18, %dma_start3A_19] : memref<512x3200xf32, #tpu.memory_space<hbm>> -> memref<8x3200xf32, #tpu.memory_space<hbm>>
        %dma_start3A_21 = arith.constant 0 : i32
        %dma_start3A_22 = tpu.memref_slice %arg4[%add3A_18, %dma_start3A_21] : memref<512x3200xf32, #tpu.memory_space<hbm>> -> memref<8x3200xf32, #tpu.memory_space<hbm>>
        tpu.enqueue_dma source(%arg6 : memref<8x3200xf32, #tpu.memory_space<vmem>>) target(%dma_start3A_22 : memref<8x3200xf32, #tpu.memory_space<hbm>>) target_semaphore(%run_scoped3A : memref<!tpu.dma_semaphore, #tpu.memory_space<semaphore_mem>>)
        %dma_wait3A_23 = arith.constant 0 : i32
        %dma_wait3A_24 = tpu.memref_slice %arg4[%add3A_18, %dma_wait3A_23] : memref<512x3200xf32, #tpu.memory_space<hbm>> -> memref<8x3200xf32, #tpu.memory_space<hbm>>
        %dma_wait3A_25 = arith.constant 0 : i32
        %dma_wait3A_26 = tpu.memref_slice %arg4[%add3A_18, %dma_wait3A_25] : memref<512x3200xf32, #tpu.memory_space<hbm>> -> memref<8x3200xf32, #tpu.memory_space<hbm>>
        tpu.wait_dma2 semaphore(%run_scoped3A : memref<!tpu.dma_semaphore, #tpu.memory_space<semaphore_mem>>) src(%arg6 : memref<8x3200xf32, #tpu.memory_space<vmem>>) dst(%dma_wait3A_26 : memref<8x3200xf32, #tpu.memory_space<hbm>>)
        tpu.yield
      }) : () -> ()
    }
    %scan3A_6 = arith.constant 2 : i32
    return
  }
}

module attributes {stable_mosaic.version = 14 : i64} {
  func.func @_dftd3_body(%arg0: i32, %arg1: memref<1x1x256xi32, #tpu.memory_space<vmem>>, %arg2: memref<1x256x1xi32, #tpu.memory_space<vmem>>, %arg3: memref<1x8x256xf32, #tpu.memory_space<vmem>>, %arg4: memref<1x256x8xf32, #tpu.memory_space<vmem>>, %arg5: memref<256x3200xf32, #tpu.memory_space<vmem>>, %arg6: memref<192x3200xbf16, #tpu.memory_space<vmem>>, %arg7: memref<192x128xbf16, #tpu.memory_space<vmem>>, %arg8: memref<8x256xbf16, #tpu.memory_space<vmem>>, %arg9: memref<1x1x128xf32, #tpu.memory_space<vmem>>) attributes {dimension_semantics = [#tpu.dimension_semantics<arbitrary>], iteration_bounds = array<i64: 2>, scalar_prefetch = 0 : i64, scratch_operands = 0 : i64, tpu.core_type = #tpu.core_type<tc>, window_params = [{transform_indices = @transform_0, window_bounds = array<i64: 1, 1, 256>}, {transform_indices = @transform_1, window_bounds = array<i64: 1, 256, 1>}, {transform_indices = @transform_2, window_bounds = array<i64: 1, 8, 256>}, {transform_indices = @transform_3, window_bounds = array<i64: 1, 256, 8>}, {transform_indices = @transform_4, window_bounds = array<i64: 256, 3200>}, {pipeline_mode = #tpu.pipeline_mode<synchronous>, transform_indices = @transform_5, window_bounds = array<i64: 192, 3200>}, {pipeline_mode = #tpu.pipeline_mode<synchronous>, transform_indices = @transform_6, window_bounds = array<i64: 192, 128>}, {pipeline_mode = #tpu.pipeline_mode<synchronous>, transform_indices = @transform_7, window_bounds = array<i64: 8, 256>}, {transform_indices = @transform_8, window_bounds = array<i64: 1, 1, 128>}]} {
    %get3A = arith.constant 0 : index
    %get3A_0 = arith.constant 0 : index
    %get3A_1 = arith.constant 0 : index
    %get3A_2 = vector.load %arg1[%get3A, %get3A_0, %get3A_1] : memref<1x1x256xi32, #tpu.memory_space<vmem>>, vector<1x1x256xi32>
    %get3A_3 = vector.shape_cast %get3A_2 : vector<1x1x256xi32> to vector<1x256xi32>
    %get3A_4 = arith.constant 0 : index
    %get3A_5 = arith.constant 0 : index
    %get3A_6 = arith.constant 0 : index
    %get3A_7 = vector.load %arg2[%get3A_4, %get3A_5, %get3A_6] : memref<1x256x1xi32, #tpu.memory_space<vmem>>, vector<1x256x1xi32>
    %get3A_8 = vector.shape_cast %get3A_7 : vector<1x256x1xi32> to vector<256x1xi32>
    %iota3A = tpu.iota {dimensions = array<i32: 0>} : vector<256x256xi32>
    %and3A = arith.constant 127 : i32
    %and3A_9 = vector.broadcast %and3A : i32 to vector<256x256xi32>
    %and3A_10 = arith.andi %iota3A, %and3A_9 : vector<256x256xi32>
    %eq3A = vector.broadcast %get3A_3 : vector<1x256xi32> to vector<256x256xi32>
    %eq3A_11 = arith.cmpi eq, %and3A_10, %eq3A : vector<256x256xi32>
    %convert_element_type3A = arith.extui %eq3A_11 : vector<256x256xi1> to vector<256x256xi32>
    %convert_element_type3A_12 = arith.sitofp %convert_element_type3A : vector<256x256xi32> to vector<256x256xf32>
    %convert_element_type3A_13 = arith.truncf %convert_element_type3A_12 : vector<256x256xf32> to vector<256x256xbf16>
    %iota3A_14 = tpu.iota {dimensions = array<i32: 1>} : vector<256x192xi32>
    %ge3A = arith.constant 96 : i32
    %ge3A_15 = vector.broadcast %ge3A : i32 to vector<256x192xi32>
    %ge3A_16 = arith.cmpi sge, %iota3A_14, %ge3A_15 : vector<256x192xi32>
    %sub3A = arith.constant 96 : i32
    %sub3A_17 = vector.broadcast %sub3A : i32 to vector<256x192xi32>
    %sub3A_18 = arith.subi %iota3A_14, %sub3A_17 : vector<256x192xi32>
    %select_n3A = arith.select %ge3A_16, %sub3A_18, %iota3A_14 : vector<256x192xi1>, vector<256x192xi32>
    %eq3A_19 = vector.broadcast %get3A_8 : vector<256x1xi32> to vector<256x192xi32>
    %eq3A_20 = arith.cmpi eq, %select_n3A, %eq3A_19 : vector<256x192xi32>
    %convert_element_type3A_21 = arith.extui %eq3A_20 : vector<256x192xi1> to vector<256x192xi32>
    %convert_element_type3A_22 = arith.sitofp %convert_element_type3A_21 : vector<256x192xi32> to vector<256x192xf32>
    %convert_element_type3A_23 = arith.truncf %convert_element_type3A_22 : vector<256x192xf32> to vector<256x192xbf16>
    %get3A_24 = arith.constant 0 : index
    %get3A_25 = arith.constant 0 : index
    %get3A_26 = vector.load %arg7[%get3A_24, %get3A_25] : memref<192x128xbf16, #tpu.memory_space<vmem>>, vector<192x128xbf16>
    %dot_general3A = arith.constant dense<0.000000e+00> : vector<256x128xf32>
    %dot_general3A_27 = tpu.matmul %convert_element_type3A_23, %get3A_26, %dot_general3A {dimension_numbers = #tpu.dot_dimension_numbers<[1], [0], [0], [1], [0, 0, 1, 1], [], []>, transpose_lhs_hint = false} : vector<256x192xbf16>, vector<192x128xbf16>, vector<256x128xf32> -> vector<256x128xf32>
    %slice3A = vector.extract_strided_slice %dot_general3A_27 {offsets = [0, 0], sizes = [256, 1], strides = [1, 1]} : vector<256x128xf32> to vector<256x1xf32>
    %slice3A_28 = vector.extract_strided_slice %dot_general3A_27 {offsets = [0, 1], sizes = [256, 1], strides = [1, 1]} : vector<256x128xf32> to vector<256x1xf32>
    %get3A_29 = arith.constant 0 : index
    %get3A_30 = arith.constant 0 : index
    %get3A_31 = vector.load %arg8[%get3A_29, %get3A_30] : memref<8x256xbf16, #tpu.memory_space<vmem>>, vector<8x256xbf16>
    %dot_general3A_32 = arith.constant dense<0.000000e+00> : vector<8x256xf32>
    %dot_general3A_33 = tpu.matmul %get3A_31, %convert_element_type3A_13, %dot_general3A_32 {dimension_numbers = #tpu.dot_dimension_numbers<[1], [0], [0], [1], [0, 0, 1, 1], [], []>, transpose_lhs_hint = false} : vector<8x256xbf16>, vector<256x256xbf16>, vector<8x256xf32> -> vector<8x256xf32>
    %slice3A_34 = vector.extract_strided_slice %dot_general3A_33 {offsets = [0, 0], sizes = [1, 256], strides = [1, 1]} : vector<8x256xf32> to vector<1x256xf32>
    %slice3A_35 = vector.extract_strided_slice %dot_general3A_33 {offsets = [1, 0], sizes = [1, 256], strides = [1, 1]} : vector<8x256xf32> to vector<1x256xf32>
    %broadcast_in_dim3A = arith.constant 0.000000e+00 : f32
    %broadcast_in_dim3A_36 = vector.broadcast %broadcast_in_dim3A : f32 to vector<256x256xf32>
    %get3A_37 = arith.constant 0 : index
    %get3A_38 = arith.constant 0 : index
    %get3A_39 = arith.constant 0 : index
    %get3A_40 = vector.load %arg3[%get3A_37, %get3A_38, %get3A_39] : memref<1x8x256xf32, #tpu.memory_space<vmem>>, vector<1x1x256xf32>
    %get3A_41 = vector.shape_cast %get3A_40 : vector<1x1x256xf32> to vector<1x256xf32>
    %get3A_42 = arith.constant 0 : index
    %get3A_43 = arith.constant 0 : index
    %get3A_44 = arith.constant 0 : index
    %get3A_45 = vector.load %arg4[%get3A_42, %get3A_43, %get3A_44] : memref<1x256x8xf32, #tpu.memory_space<vmem>>, vector<1x256x1xf32>
    %get3A_46 = vector.shape_cast %get3A_45 : vector<1x256x1xf32> to vector<256x1xf32>
    %sub3A_47 = vector.broadcast %get3A_46 : vector<256x1xf32> to vector<256x256xf32>
    %sub3A_48 = vector.broadcast %get3A_41 : vector<1x256xf32> to vector<256x256xf32>
    %sub3A_49 = arith.subf %sub3A_47, %sub3A_48 : vector<256x256xf32>
    %mul3A = arith.mulf %sub3A_49, %sub3A_49 : vector<256x256xf32>
    %add3A = arith.addf %broadcast_in_dim3A_36, %mul3A : vector<256x256xf32>
    %get3A_50 = arith.constant 0 : index
    %get3A_51 = arith.constant 1 : index
    %get3A_52 = arith.constant 0 : index
    %get3A_53 = vector.load %arg3[%get3A_50, %get3A_51, %get3A_52] : memref<1x8x256xf32, #tpu.memory_space<vmem>>, vector<1x1x256xf32>
    %get3A_54 = vector.shape_cast %get3A_53 : vector<1x1x256xf32> to vector<1x256xf32>
    %get3A_55 = arith.constant 0 : index
    %get3A_56 = arith.constant 0 : index
    %get3A_57 = arith.constant 1 : index
    %get3A_58 = vector.load %arg4[%get3A_55, %get3A_56, %get3A_57] : memref<1x256x8xf32, #tpu.memory_space<vmem>>, vector<1x256x1xf32>
    %get3A_59 = vector.shape_cast %get3A_58 : vector<1x256x1xf32> to vector<256x1xf32>
    %sub3A_60 = vector.broadcast %get3A_59 : vector<256x1xf32> to vector<256x256xf32>
    %sub3A_61 = vector.broadcast %get3A_54 : vector<1x256xf32> to vector<256x256xf32>
    %sub3A_62 = arith.subf %sub3A_60, %sub3A_61 : vector<256x256xf32>
    %mul3A_63 = arith.mulf %sub3A_62, %sub3A_62 : vector<256x256xf32>
    %add3A_64 = arith.addf %add3A, %mul3A_63 : vector<256x256xf32>
    %get3A_65 = arith.constant 0 : index
    %get3A_66 = arith.constant 2 : index
    %get3A_67 = arith.constant 0 : index
    %get3A_68 = vector.load %arg3[%get3A_65, %get3A_66, %get3A_67] : memref<1x8x256xf32, #tpu.memory_space<vmem>>, vector<1x1x256xf32>
    %get3A_69 = vector.shape_cast %get3A_68 : vector<1x1x256xf32> to vector<1x256xf32>
    %get3A_70 = arith.constant 0 : index
    %get3A_71 = arith.constant 0 : index
    %get3A_72 = arith.constant 2 : index
    %get3A_73 = vector.load %arg4[%get3A_70, %get3A_71, %get3A_72] : memref<1x256x8xf32, #tpu.memory_space<vmem>>, vector<1x256x1xf32>
    %get3A_74 = vector.shape_cast %get3A_73 : vector<1x256x1xf32> to vector<256x1xf32>
    %sub3A_75 = vector.broadcast %get3A_74 : vector<256x1xf32> to vector<256x256xf32>
    %sub3A_76 = vector.broadcast %get3A_69 : vector<1x256xf32> to vector<256x256xf32>
    %sub3A_77 = arith.subf %sub3A_75, %sub3A_76 : vector<256x256xf32>
    %mul3A_78 = arith.mulf %sub3A_77, %sub3A_77 : vector<256x256xf32>
    %add3A_79 = arith.addf %add3A_64, %mul3A_78 : vector<256x256xf32>
    %iota3A_80 = tpu.iota {dimensions = array<i32: 0>} : vector<256x256xi32>
    %iota3A_81 = tpu.iota {dimensions = array<i32: 1>} : vector<256x256xi32>
    %eq3A_82 = arith.cmpi eq, %iota3A_80, %iota3A_81 : vector<256x256xi32>
    %jit3A = arith.constant 1.000000e+00 : f32
    %broadcast_in_dim3A_83 = vector.broadcast %jit3A : f32 to vector<256x256xf32>
    %select_n3A_84 = arith.select %eq3A_82, %broadcast_in_dim3A_83, %add3A_79 : vector<256x256xi1>, vector<256x256xf32>
    %sqrt3A = math.sqrt %select_n3A_84 : vector<256x256xf32>
    %not3A = arith.constant dense<true> : vector<256x256xi1>
    %not3A_85 = arith.xori %eq3A_82, %not3A : vector<256x256xi1>
    %lt3A = arith.constant 1.500000e+01 : f32
    %lt3A_86 = vector.broadcast %lt3A : f32 to vector<256x256xf32>
    %lt3A_87 = arith.cmpf olt, %sqrt3A, %lt3A_86 : vector<256x256xf32>
    %and3A_88 = arith.andi %not3A_85, %lt3A_87 : vector<256x256xi1>
    %add3A_89 = vector.broadcast %slice3A : vector<256x1xf32> to vector<256x256xf32>
    %add3A_90 = vector.broadcast %slice3A_34 : vector<1x256xf32> to vector<256x256xf32>
    %add3A_91 = arith.addf %add3A_89, %add3A_90 : vector<256x256xf32>
    %mul3A_92 = arith.constant 1.33333337 : f32
    %mul3A_93 = vector.broadcast %mul3A_92 : f32 to vector<256x256xf32>
    %mul3A_94 = arith.mulf %mul3A_93, %add3A_91 : vector<256x256xf32>
    %div3A = arith.divf %mul3A_94, %sqrt3A : vector<256x256xf32>
    %sub3A_95 = arith.constant 1.000000e+00 : f32
    %sub3A_96 = vector.broadcast %sub3A_95 : f32 to vector<256x256xf32>
    %sub3A_97 = arith.subf %div3A, %sub3A_96 : vector<256x256xf32>
    %mul3A_98 = arith.constant -1.600000e+01 : f32
    %mul3A_99 = vector.broadcast %mul3A_98 : f32 to vector<256x256xf32>
    %mul3A_100 = arith.mulf %mul3A_99, %sub3A_97 : vector<256x256xf32>
    %exp3A = math.exp %mul3A_100 : vector<256x256xf32>
    %add3A_101 = arith.constant 1.000000e+00 : f32
    %add3A_102 = vector.broadcast %add3A_101 : f32 to vector<256x256xf32>
    %add3A_103 = arith.addf %add3A_102, %exp3A : vector<256x256xf32>
    %div3A_104 = arith.constant 1.000000e+00 : f32
    %div3A_105 = vector.broadcast %div3A_104 : f32 to vector<256x256xf32>
    %div3A_106 = arith.divf %div3A_105, %add3A_103 : vector<256x256xf32>
    %jit3A_107 = arith.constant 0.000000e+00 : f32
    %broadcast_in_dim3A_108 = vector.broadcast %jit3A_107 : f32 to vector<256x256xf32>
    %select_n3A_109 = arith.select %and3A_88, %div3A_106, %broadcast_in_dim3A_108 : vector<256x256xi1>, vector<256x256xf32>
    %reduce_sum3A = arith.constant dense<0.000000e+00> : vector<256xf32>
    %reduce_sum3A_110 = vector.multi_reduction <add>, %select_n3A_109, %reduce_sum3A [1] : vector<256x256xf32> to vector<256xf32>
    %broadcast_in_dim3A_111 = vector.shape_cast %reduce_sum3A_110 : vector<256xf32> to vector<256x1xf32>
    %get3A_112 = arith.constant 0 : index
    %get3A_113 = arith.constant 0 : index
    %get3A_114 = vector.load %arg6[%get3A_112, %get3A_113] : memref<192x3200xbf16, #tpu.memory_space<vmem>>, vector<192x3200xbf16>
    %get3A_115 = arith.constant 0 : index
    %get3A_116 = arith.constant 0 : index
    %get3A_117 = vector.load %arg5[%get3A_115, %get3A_116] : memref<256x3200xf32, #tpu.memory_space<vmem>>, vector<256x128xf32>
    %convert_element_type3A_118 = arith.truncf %get3A_117 : vector<256x128xf32> to vector<256x128xbf16>
    %convert_element_type3A_119 = arith.extf %convert_element_type3A_118 : vector<256x128xbf16> to vector<256x128xf32>
    %sub3A_120 = arith.subf %get3A_117, %convert_element_type3A_119 : vector<256x128xf32>
    %convert_element_type3A_121 = arith.truncf %sub3A_120 : vector<256x128xf32> to vector<256x128xbf16>
    %concatenate3A = tpu.concatenate %convert_element_type3A_118, %convert_element_type3A_121 in 1 : vector<256x128xbf16>, vector<256x128xbf16> -> vector<256x256xbf16>
    %dot_general3A_122 = arith.constant dense<0.000000e+00> : vector<256x256xf32>
    %dot_general3A_123 = tpu.matmul %concatenate3A, %convert_element_type3A_13, %dot_general3A_122 {dimension_numbers = #tpu.dot_dimension_numbers<[1], [0], [0], [1], [0, 0, 1, 1], [], []>, transpose_lhs_hint = false} : vector<256x256xbf16>, vector<256x256xbf16>, vector<256x256xf32> -> vector<256x256xf32>
    %sub3A_124 = vector.broadcast %broadcast_in_dim3A_111 : vector<256x1xf32> to vector<256x256xf32>
    %sub3A_125 = arith.subf %sub3A_124, %dot_general3A_123 : vector<256x256xf32>
    %mul3A_126 = arith.mulf %sub3A_125, %sub3A_125 : vector<256x256xf32>
    %mul3A_127 = arith.constant -4.000000e+00 : f32
    %mul3A_128 = vector.broadcast %mul3A_127 : f32 to vector<256x256xf32>
    %mul3A_129 = arith.mulf %mul3A_128, %mul3A_126 : vector<256x256xf32>
    %exp3A_130 = math.exp %mul3A_129 : vector<256x256xf32>
    %get3A_131 = arith.constant 0 : index
    %get3A_132 = arith.constant 128 : index
    %get3A_133 = vector.load %arg5[%get3A_131, %get3A_132] : memref<256x3200xf32, #tpu.memory_space<vmem>>, vector<256x128xf32>
    %convert_element_type3A_134 = arith.truncf %get3A_133 : vector<256x128xf32> to vector<256x128xbf16>
    %convert_element_type3A_135 = arith.extf %convert_element_type3A_134 : vector<256x128xbf16> to vector<256x128xf32>
    %sub3A_136 = arith.subf %get3A_133, %convert_element_type3A_135 : vector<256x128xf32>
    %convert_element_type3A_137 = arith.truncf %sub3A_136 : vector<256x128xf32> to vector<256x128xbf16>
    %concatenate3A_138 = tpu.concatenate %convert_element_type3A_134, %convert_element_type3A_137 in 1 : vector<256x128xbf16>, vector<256x128xbf16> -> vector<256x256xbf16>
    %dot_general3A_139 = arith.constant dense<0.000000e+00> : vector<256x256xf32>
    %dot_general3A_140 = tpu.matmul %concatenate3A_138, %convert_element_type3A_13, %dot_general3A_139 {dimension_numbers = #tpu.dot_dimension_numbers<[1], [0], [0], [1], [0, 0, 1, 1], [], []>, transpose_lhs_hint = false} : vector<256x256xbf16>, vector<256x256xbf16>, vector<256x256xf32> -> vector<256x256xf32>
    %sub3A_141 = vector.broadcast %broadcast_in_dim3A_111 : vector<256x1xf32> to vector<256x256xf32>
    %sub3A_142 = arith.subf %sub3A_141, %dot_general3A_140 : vector<256x256xf32>
    %mul3A_143 = arith.mulf %sub3A_142, %sub3A_142 : vector<256x256xf32>
    %mul3A_144 = arith.constant -4.000000e+00 : f32
    %mul3A_145 = vector.broadcast %mul3A_144 : f32 to vector<256x256xf32>
    %mul3A_146 = arith.mulf %mul3A_145, %mul3A_143 : vector<256x256xf32>
    %exp3A_147 = math.exp %mul3A_146 : vector<256x256xf32>
    %get3A_148 = arith.constant 0 : index
    %get3A_149 = arith.constant 256 : index
    %get3A_150 = vector.load %arg5[%get3A_148, %get3A_149] : memref<256x3200xf32, #tpu.memory_space<vmem>>, vector<256x128xf32>
    %convert_element_type3A_151 = arith.truncf %get3A_150 : vector<256x128xf32> to vector<256x128xbf16>
    %convert_element_type3A_152 = arith.extf %convert_element_type3A_151 : vector<256x128xbf16> to vector<256x128xf32>
    %sub3A_153 = arith.subf %get3A_150, %convert_element_type3A_152 : vector<256x128xf32>
    %convert_element_type3A_154 = arith.truncf %sub3A_153 : vector<256x128xf32> to vector<256x128xbf16>
    %concatenate3A_155 = tpu.concatenate %convert_element_type3A_151, %convert_element_type3A_154 in 1 : vector<256x128xbf16>, vector<256x128xbf16> -> vector<256x256xbf16>
    %dot_general3A_156 = arith.constant dense<0.000000e+00> : vector<256x256xf32>
    %dot_general3A_157 = tpu.matmul %concatenate3A_155, %convert_element_type3A_13, %dot_general3A_156 {dimension_numbers = #tpu.dot_dimension_numbers<[1], [0], [0], [1], [0, 0, 1, 1], [], []>, transpose_lhs_hint = false} : vector<256x256xbf16>, vector<256x256xbf16>, vector<256x256xf32> -> vector<256x256xf32>
    %sub3A_158 = vector.broadcast %broadcast_in_dim3A_111 : vector<256x1xf32> to vector<256x256xf32>
    %sub3A_159 = arith.subf %sub3A_158, %dot_general3A_157 : vector<256x256xf32>
    %mul3A_160 = arith.mulf %sub3A_159, %sub3A_159 : vector<256x256xf32>
    %mul3A_161 = arith.constant -4.000000e+00 : f32
    %mul3A_162 = vector.broadcast %mul3A_161 : f32 to vector<256x256xf32>
    %mul3A_163 = arith.mulf %mul3A_162, %mul3A_160 : vector<256x256xf32>
    %exp3A_164 = math.exp %mul3A_163 : vector<256x256xf32>
    %get3A_165 = arith.constant 0 : index
    %get3A_166 = arith.constant 384 : index
    %get3A_167 = vector.load %arg5[%get3A_165, %get3A_166] : memref<256x3200xf32, #tpu.memory_space<vmem>>, vector<256x128xf32>
    %convert_element_type3A_168 = arith.truncf %get3A_167 : vector<256x128xf32> to vector<256x128xbf16>
    %convert_element_type3A_169 = arith.extf %convert_element_type3A_168 : vector<256x128xbf16> to vector<256x128xf32>
    %sub3A_170 = arith.subf %get3A_167, %convert_element_type3A_169 : vector<256x128xf32>
    %convert_element_type3A_171 = arith.truncf %sub3A_170 : vector<256x128xf32> to vector<256x128xbf16>
    %concatenate3A_172 = tpu.concatenate %convert_element_type3A_168, %convert_element_type3A_171 in 1 : vector<256x128xbf16>, vector<256x128xbf16> -> vector<256x256xbf16>
    %dot_general3A_173 = arith.constant dense<0.000000e+00> : vector<256x256xf32>
    %dot_general3A_174 = tpu.matmul %concatenate3A_172, %convert_element_type3A_13, %dot_general3A_173 {dimension_numbers = #tpu.dot_dimension_numbers<[1], [0], [0], [1], [0, 0, 1, 1], [], []>, transpose_lhs_hint = false} : vector<256x256xbf16>, vector<256x256xbf16>, vector<256x256xf32> -> vector<256x256xf32>
    %sub3A_175 = vector.broadcast %broadcast_in_dim3A_111 : vector<256x1xf32> to vector<256x256xf32>
    %sub3A_176 = arith.subf %sub3A_175, %dot_general3A_174 : vector<256x256xf32>
    %mul3A_177 = arith.mulf %sub3A_176, %sub3A_176 : vector<256x256xf32>
    %mul3A_178 = arith.constant -4.000000e+00 : f32
    %mul3A_179 = vector.broadcast %mul3A_178 : f32 to vector<256x256xf32>
    %mul3A_180 = arith.mulf %mul3A_179, %mul3A_177 : vector<256x256xf32>
    %exp3A_181 = math.exp %mul3A_180 : vector<256x256xf32>
    %get3A_182 = arith.constant 0 : index
    %get3A_183 = arith.constant 512 : index
    %get3A_184 = vector.load %arg5[%get3A_182, %get3A_183] : memref<256x3200xf32, #tpu.memory_space<vmem>>, vector<256x128xf32>
    %convert_element_type3A_185 = arith.truncf %get3A_184 : vector<256x128xf32> to vector<256x128xbf16>
    %convert_element_type3A_186 = arith.extf %convert_element_type3A_185 : vector<256x128xbf16> to vector<256x128xf32>
    %sub3A_187 = arith.subf %get3A_184, %convert_element_type3A_186 : vector<256x128xf32>
    %convert_element_type3A_188 = arith.truncf %sub3A_187 : vector<256x128xf32> to vector<256x128xbf16>
    %concatenate3A_189 = tpu.concatenate %convert_element_type3A_185, %convert_element_type3A_188 in 1 : vector<256x128xbf16>, vector<256x128xbf16> -> vector<256x256xbf16>
    %dot_general3A_190 = arith.constant dense<0.000000e+00> : vector<256x256xf32>
    %dot_general3A_191 = tpu.matmul %concatenate3A_189, %convert_element_type3A_13, %dot_general3A_190 {dimension_numbers = #tpu.dot_dimension_numbers<[1], [0], [0], [1], [0, 0, 1, 1], [], []>, transpose_lhs_hint = false} : vector<256x256xbf16>, vector<256x256xbf16>, vector<256x256xf32> -> vector<256x256xf32>
    %sub3A_192 = vector.broadcast %broadcast_in_dim3A_111 : vector<256x1xf32> to vector<256x256xf32>
    %sub3A_193 = arith.subf %sub3A_192, %dot_general3A_191 : vector<256x256xf32>
    %mul3A_194 = arith.mulf %sub3A_193, %sub3A_193 : vector<256x256xf32>
    %mul3A_195 = arith.constant -4.000000e+00 : f32
    %mul3A_196 = vector.broadcast %mul3A_195 : f32 to vector<256x256xf32>
    %mul3A_197 = arith.mulf %mul3A_196, %mul3A_194 : vector<256x256xf32>
    %exp3A_198 = math.exp %mul3A_197 : vector<256x256xf32>
    %get3A_199 = arith.constant 0 : index
    %get3A_200 = arith.constant 640 : index
    %get3A_201 = vector.load %arg5[%get3A_199, %get3A_200] : memref<256x3200xf32, #tpu.memory_space<vmem>>, vector<256x128xf32>
    %convert_element_type3A_202 = arith.truncf %get3A_201 : vector<256x128xf32> to vector<256x128xbf16>
    %convert_element_type3A_203 = arith.extf %convert_element_type3A_202 : vector<256x128xbf16> to vector<256x128xf32>
    %sub3A_204 = arith.subf %get3A_201, %convert_element_type3A_203 : vector<256x128xf32>
    %convert_element_type3A_205 = arith.truncf %sub3A_204 : vector<256x128xf32> to vector<256x128xbf16>
    %concatenate3A_206 = tpu.concatenate %convert_element_type3A_202, %convert_element_type3A_205 in 1 : vector<256x128xbf16>, vector<256x128xbf16> -> vector<256x256xbf16>
    %dot_general3A_207 = arith.constant dense<0.000000e+00> : vector<256x256xf32>
    %dot_general3A_208 = tpu.matmul %concatenate3A_206, %convert_element_type3A_13, %dot_general3A_207 {dimension_numbers = #tpu.dot_dimension_numbers<[1], [0], [0], [1], [0, 0, 1, 1], [], []>, transpose_lhs_hint = false} : vector<256x256xbf16>, vector<256x256xbf16>, vector<256x256xf32> -> vector<256x256xf32>
    %sub3A_209 = vector.broadcast %broadcast_in_dim3A_111 : vector<256x1xf32> to vector<256x256xf32>
    %sub3A_210 = arith.subf %sub3A_209, %dot_general3A_208 : vector<256x256xf32>
    %mul3A_211 = arith.mulf %sub3A_210, %sub3A_210 : vector<256x256xf32>
    %mul3A_212 = arith.constant -4.000000e+00 : f32
    %mul3A_213 = vector.broadcast %mul3A_212 : f32 to vector<256x256xf32>
    %mul3A_214 = arith.mulf %mul3A_213, %mul3A_211 : vector<256x256xf32>
    %exp3A_215 = math.exp %mul3A_214 : vector<256x256xf32>
    %get3A_216 = arith.constant 0 : index
    %get3A_217 = arith.constant 768 : index
    %get3A_218 = vector.load %arg5[%get3A_216, %get3A_217] : memref<256x3200xf32, #tpu.memory_space<vmem>>, vector<256x128xf32>
    %convert_element_type3A_219 = arith.truncf %get3A_218 : vector<256x128xf32> to vector<256x128xbf16>
    %convert_element_type3A_220 = arith.extf %convert_element_type3A_219 : vector<256x128xbf16> to vector<256x128xf32>
    %sub3A_221 = arith.subf %get3A_218, %convert_element_type3A_220 : vector<256x128xf32>
    %convert_element_type3A_222 = arith.truncf %sub3A_221 : vector<256x128xf32> to vector<256x128xbf16>
    %concatenate3A_223 = tpu.concatenate %convert_element_type3A_219, %convert_element_type3A_222 in 1 : vector<256x128xbf16>, vector<256x128xbf16> -> vector<256x256xbf16>
    %dot_general3A_224 = arith.constant dense<0.000000e+00> : vector<256x256xf32>
    %dot_general3A_225 = tpu.matmul %concatenate3A_223, %convert_element_type3A_13, %dot_general3A_224 {dimension_numbers = #tpu.dot_dimension_numbers<[1], [0], [0], [1], [0, 0, 1, 1], [], []>, transpose_lhs_hint = false} : vector<256x256xbf16>, vector<256x256xbf16>, vector<256x256xf32> -> vector<256x256xf32>
    %sub3A_226 = vector.broadcast %broadcast_in_dim3A_111 : vector<256x1xf32> to vector<256x256xf32>
    %sub3A_227 = arith.subf %sub3A_226, %dot_general3A_225 : vector<256x256xf32>
    %mul3A_228 = arith.mulf %sub3A_227, %sub3A_227 : vector<256x256xf32>
    %mul3A_229 = arith.constant -4.000000e+00 : f32
    %mul3A_230 = vector.broadcast %mul3A_229 : f32 to vector<256x256xf32>
    %mul3A_231 = arith.mulf %mul3A_230, %mul3A_228 : vector<256x256xf32>
    %exp3A_232 = math.exp %mul3A_231 : vector<256x256xf32>
    %get3A_233 = arith.constant 0 : index
    %get3A_234 = arith.constant 896 : index
    %get3A_235 = vector.load %arg5[%get3A_233, %get3A_234] : memref<256x3200xf32, #tpu.memory_space<vmem>>, vector<256x128xf32>
    %convert_element_type3A_236 = arith.truncf %get3A_235 : vector<256x128xf32> to vector<256x128xbf16>
    %convert_element_type3A_237 = arith.extf %convert_element_type3A_236 : vector<256x128xbf16> to vector<256x128xf32>
    %sub3A_238 = arith.subf %get3A_235, %convert_element_type3A_237 : vector<256x128xf32>
    %convert_element_type3A_239 = arith.truncf %sub3A_238 : vector<256x128xf32> to vector<256x128xbf16>
    %concatenate3A_240 = tpu.concatenate %convert_element_type3A_236, %convert_element_type3A_239 in 1 : vector<256x128xbf16>, vector<256x128xbf16> -> vector<256x256xbf16>
    %dot_general3A_241 = arith.constant dense<0.000000e+00> : vector<256x256xf32>
    %dot_general3A_242 = tpu.matmul %concatenate3A_240, %convert_element_type3A_13, %dot_general3A_241 {dimension_numbers = #tpu.dot_dimension_numbers<[1], [0], [0], [1], [0, 0, 1, 1], [], []>, transpose_lhs_hint = false} : vector<256x256xbf16>, vector<256x256xbf16>, vector<256x256xf32> -> vector<256x256xf32>
    %sub3A_243 = vector.broadcast %broadcast_in_dim3A_111 : vector<256x1xf32> to vector<256x256xf32>
    %sub3A_244 = arith.subf %sub3A_243, %dot_general3A_242 : vector<256x256xf32>
    %mul3A_245 = arith.mulf %sub3A_244, %sub3A_244 : vector<256x256xf32>
    %mul3A_246 = arith.constant -4.000000e+00 : f32
    %mul3A_247 = vector.broadcast %mul3A_246 : f32 to vector<256x256xf32>
    %mul3A_248 = arith.mulf %mul3A_247, %mul3A_245 : vector<256x256xf32>
    %exp3A_249 = math.exp %mul3A_248 : vector<256x256xf32>
    %get3A_250 = arith.constant 0 : index
    %get3A_251 = arith.constant 1024 : index
    %get3A_252 = vector.load %arg5[%get3A_250, %get3A_251] : memref<256x3200xf32, #tpu.memory_space<vmem>>, vector<256x128xf32>
    %convert_element_type3A_253 = arith.truncf %get3A_252 : vector<256x128xf32> to vector<256x128xbf16>
    %convert_element_type3A_254 = arith.extf %convert_element_type3A_253 : vector<256x128xbf16> to vector<256x128xf32>
    %sub3A_255 = arith.subf %get3A_252, %convert_element_type3A_254 : vector<256x128xf32>
    %convert_element_type3A_256 = arith.truncf %sub3A_255 : vector<256x128xf32> to vector<256x128xbf16>
    %concatenate3A_257 = tpu.concatenate %convert_element_type3A_253, %convert_element_type3A_256 in 1 : vector<256x128xbf16>, vector<256x128xbf16> -> vector<256x256xbf16>
    %dot_general3A_258 = arith.constant dense<0.000000e+00> : vector<256x256xf32>
    %dot_general3A_259 = tpu.matmul %concatenate3A_257, %convert_element_type3A_13, %dot_general3A_258 {dimension_numbers = #tpu.dot_dimension_numbers<[1], [0], [0], [1], [0, 0, 1, 1], [], []>, transpose_lhs_hint = false} : vector<256x256xbf16>, vector<256x256xbf16>, vector<256x256xf32> -> vector<256x256xf32>
    %sub3A_260 = vector.broadcast %broadcast_in_dim3A_111 : vector<256x1xf32> to vector<256x256xf32>
    %sub3A_261 = arith.subf %sub3A_260, %dot_general3A_259 : vector<256x256xf32>
    %mul3A_262 = arith.mulf %sub3A_261, %sub3A_261 : vector<256x256xf32>
    %mul3A_263 = arith.constant -4.000000e+00 : f32
    %mul3A_264 = vector.broadcast %mul3A_263 : f32 to vector<256x256xf32>
    %mul3A_265 = arith.mulf %mul3A_264, %mul3A_262 : vector<256x256xf32>
    %exp3A_266 = math.exp %mul3A_265 : vector<256x256xf32>
    %get3A_267 = arith.constant 0 : index
    %get3A_268 = arith.constant 1152 : index
    %get3A_269 = vector.load %arg5[%get3A_267, %get3A_268] : memref<256x3200xf32, #tpu.memory_space<vmem>>, vector<256x128xf32>
    %convert_element_type3A_270 = arith.truncf %get3A_269 : vector<256x128xf32> to vector<256x128xbf16>
    %convert_element_type3A_271 = arith.extf %convert_element_type3A_270 : vector<256x128xbf16> to vector<256x128xf32>
    %sub3A_272 = arith.subf %get3A_269, %convert_element_type3A_271 : vector<256x128xf32>
    %convert_element_type3A_273 = arith.truncf %sub3A_272 : vector<256x128xf32> to vector<256x128xbf16>
    %concatenate3A_274 = tpu.concatenate %convert_element_type3A_270, %convert_element_type3A_273 in 1 : vector<256x128xbf16>, vector<256x128xbf16> -> vector<256x256xbf16>
    %dot_general3A_275 = arith.constant dense<0.000000e+00> : vector<256x256xf32>
    %dot_general3A_276 = tpu.matmul %concatenate3A_274, %convert_element_type3A_13, %dot_general3A_275 {dimension_numbers = #tpu.dot_dimension_numbers<[1], [0], [0], [1], [0, 0, 1, 1], [], []>, transpose_lhs_hint = false} : vector<256x256xbf16>, vector<256x256xbf16>, vector<256x256xf32> -> vector<256x256xf32>
    %sub3A_277 = vector.broadcast %broadcast_in_dim3A_111 : vector<256x1xf32> to vector<256x256xf32>
    %sub3A_278 = arith.subf %sub3A_277, %dot_general3A_276 : vector<256x256xf32>
    %mul3A_279 = arith.mulf %sub3A_278, %sub3A_278 : vector<256x256xf32>
    %mul3A_280 = arith.constant -4.000000e+00 : f32
    %mul3A_281 = vector.broadcast %mul3A_280 : f32 to vector<256x256xf32>
    %mul3A_282 = arith.mulf %mul3A_281, %mul3A_279 : vector<256x256xf32>
    %exp3A_283 = math.exp %mul3A_282 : vector<256x256xf32>
    %get3A_284 = arith.constant 0 : index
    %get3A_285 = arith.constant 1280 : index
    %get3A_286 = vector.load %arg5[%get3A_284, %get3A_285] : memref<256x3200xf32, #tpu.memory_space<vmem>>, vector<256x128xf32>
    %convert_element_type3A_287 = arith.truncf %get3A_286 : vector<256x128xf32> to vector<256x128xbf16>
    %convert_element_type3A_288 = arith.extf %convert_element_type3A_287 : vector<256x128xbf16> to vector<256x128xf32>
    %sub3A_289 = arith.subf %get3A_286, %convert_element_type3A_288 : vector<256x128xf32>
    %convert_element_type3A_290 = arith.truncf %sub3A_289 : vector<256x128xf32> to vector<256x128xbf16>
    %concatenate3A_291 = tpu.concatenate %convert_element_type3A_287, %convert_element_type3A_290 in 1 : vector<256x128xbf16>, vector<256x128xbf16> -> vector<256x256xbf16>
    %dot_general3A_292 = arith.constant dense<0.000000e+00> : vector<256x256xf32>
    %dot_general3A_293 = tpu.matmul %concatenate3A_291, %convert_element_type3A_13, %dot_general3A_292 {dimension_numbers = #tpu.dot_dimension_numbers<[1], [0], [0], [1], [0, 0, 1, 1], [], []>, transpose_lhs_hint = false} : vector<256x256xbf16>, vector<256x256xbf16>, vector<256x256xf32> -> vector<256x256xf32>
    %sub3A_294 = vector.broadcast %broadcast_in_dim3A_111 : vector<256x1xf32> to vector<256x256xf32>
    %sub3A_295 = arith.subf %sub3A_294, %dot_general3A_293 : vector<256x256xf32>
    %mul3A_296 = arith.mulf %sub3A_295, %sub3A_295 : vector<256x256xf32>
    %mul3A_297 = arith.constant -4.000000e+00 : f32
    %mul3A_298 = vector.broadcast %mul3A_297 : f32 to vector<256x256xf32>
    %mul3A_299 = arith.mulf %mul3A_298, %mul3A_296 : vector<256x256xf32>
    %exp3A_300 = math.exp %mul3A_299 : vector<256x256xf32>
    %get3A_301 = arith.constant 0 : index
    %get3A_302 = arith.constant 1408 : index
    %get3A_303 = vector.load %arg5[%get3A_301, %get3A_302] : memref<256x3200xf32, #tpu.memory_space<vmem>>, vector<256x128xf32>
    %convert_element_type3A_304 = arith.truncf %get3A_303 : vector<256x128xf32> to vector<256x128xbf16>
    %convert_element_type3A_305 = arith.extf %convert_element_type3A_304 : vector<256x128xbf16> to vector<256x128xf32>
    %sub3A_306 = arith.subf %get3A_303, %convert_element_type3A_305 : vector<256x128xf32>
    %convert_element_type3A_307 = arith.truncf %sub3A_306 : vector<256x128xf32> to vector<256x128xbf16>
    %concatenate3A_308 = tpu.concatenate %convert_element_type3A_304, %convert_element_type3A_307 in 1 : vector<256x128xbf16>, vector<256x128xbf16> -> vector<256x256xbf16>
    %dot_general3A_309 = arith.constant dense<0.000000e+00> : vector<256x256xf32>
    %dot_general3A_310 = tpu.matmul %concatenate3A_308, %convert_element_type3A_13, %dot_general3A_309 {dimension_numbers = #tpu.dot_dimension_numbers<[1], [0], [0], [1], [0, 0, 1, 1], [], []>, transpose_lhs_hint = false} : vector<256x256xbf16>, vector<256x256xbf16>, vector<256x256xf32> -> vector<256x256xf32>
    %sub3A_311 = vector.broadcast %broadcast_in_dim3A_111 : vector<256x1xf32> to vector<256x256xf32>
    %sub3A_312 = arith.subf %sub3A_311, %dot_general3A_310 : vector<256x256xf32>
    %mul3A_313 = arith.mulf %sub3A_312, %sub3A_312 : vector<256x256xf32>
    %mul3A_314 = arith.constant -4.000000e+00 : f32
    %mul3A_315 = vector.broadcast %mul3A_314 : f32 to vector<256x256xf32>
    %mul3A_316 = arith.mulf %mul3A_315, %mul3A_313 : vector<256x256xf32>
    %exp3A_317 = math.exp %mul3A_316 : vector<256x256xf32>
    %get3A_318 = arith.constant 0 : index
    %get3A_319 = arith.constant 1536 : index
    %get3A_320 = vector.load %arg5[%get3A_318, %get3A_319] : memref<256x3200xf32, #tpu.memory_space<vmem>>, vector<256x128xf32>
    %convert_element_type3A_321 = arith.truncf %get3A_320 : vector<256x128xf32> to vector<256x128xbf16>
    %convert_element_type3A_322 = arith.extf %convert_element_type3A_321 : vector<256x128xbf16> to vector<256x128xf32>
    %sub3A_323 = arith.subf %get3A_320, %convert_element_type3A_322 : vector<256x128xf32>
    %convert_element_type3A_324 = arith.truncf %sub3A_323 : vector<256x128xf32> to vector<256x128xbf16>
    %concatenate3A_325 = tpu.concatenate %convert_element_type3A_321, %convert_element_type3A_324 in 1 : vector<256x128xbf16>, vector<256x128xbf16> -> vector<256x256xbf16>
    %dot_general3A_326 = arith.constant dense<0.000000e+00> : vector<256x256xf32>
    %dot_general3A_327 = tpu.matmul %concatenate3A_325, %convert_element_type3A_13, %dot_general3A_326 {dimension_numbers = #tpu.dot_dimension_numbers<[1], [0], [0], [1], [0, 0, 1, 1], [], []>, transpose_lhs_hint = false} : vector<256x256xbf16>, vector<256x256xbf16>, vector<256x256xf32> -> vector<256x256xf32>
    %sub3A_328 = vector.broadcast %broadcast_in_dim3A_111 : vector<256x1xf32> to vector<256x256xf32>
    %sub3A_329 = arith.subf %sub3A_328, %dot_general3A_327 : vector<256x256xf32>
    %mul3A_330 = arith.mulf %sub3A_329, %sub3A_329 : vector<256x256xf32>
    %mul3A_331 = arith.constant -4.000000e+00 : f32
    %mul3A_332 = vector.broadcast %mul3A_331 : f32 to vector<256x256xf32>
    %mul3A_333 = arith.mulf %mul3A_332, %mul3A_330 : vector<256x256xf32>
    %exp3A_334 = math.exp %mul3A_333 : vector<256x256xf32>
    %get3A_335 = arith.constant 0 : index
    %get3A_336 = arith.constant 1664 : index
    %get3A_337 = vector.load %arg5[%get3A_335, %get3A_336] : memref<256x3200xf32, #tpu.memory_space<vmem>>, vector<256x128xf32>
    %convert_element_type3A_338 = arith.truncf %get3A_337 : vector<256x128xf32> to vector<256x128xbf16>
    %convert_element_type3A_339 = arith.extf %convert_element_type3A_338 : vector<256x128xbf16> to vector<256x128xf32>
    %sub3A_340 = arith.subf %get3A_337, %convert_element_type3A_339 : vector<256x128xf32>
    %convert_element_type3A_341 = arith.truncf %sub3A_340 : vector<256x128xf32> to vector<256x128xbf16>
    %concatenate3A_342 = tpu.concatenate %convert_element_type3A_338, %convert_element_type3A_341 in 1 : vector<256x128xbf16>, vector<256x128xbf16> -> vector<256x256xbf16>
    %dot_general3A_343 = arith.constant dense<0.000000e+00> : vector<256x256xf32>
    %dot_general3A_344 = tpu.matmul %concatenate3A_342, %convert_element_type3A_13, %dot_general3A_343 {dimension_numbers = #tpu.dot_dimension_numbers<[1], [0], [0], [1], [0, 0, 1, 1], [], []>, transpose_lhs_hint = false} : vector<256x256xbf16>, vector<256x256xbf16>, vector<256x256xf32> -> vector<256x256xf32>
    %sub3A_345 = vector.broadcast %broadcast_in_dim3A_111 : vector<256x1xf32> to vector<256x256xf32>
    %sub3A_346 = arith.subf %sub3A_345, %dot_general3A_344 : vector<256x256xf32>
    %mul3A_347 = arith.mulf %sub3A_346, %sub3A_346 : vector<256x256xf32>
    %mul3A_348 = arith.constant -4.000000e+00 : f32
    %mul3A_349 = vector.broadcast %mul3A_348 : f32 to vector<256x256xf32>
    %mul3A_350 = arith.mulf %mul3A_349, %mul3A_347 : vector<256x256xf32>
    %exp3A_351 = math.exp %mul3A_350 : vector<256x256xf32>
    %get3A_352 = arith.constant 0 : index
    %get3A_353 = arith.constant 1792 : index
    %get3A_354 = vector.load %arg5[%get3A_352, %get3A_353] : memref<256x3200xf32, #tpu.memory_space<vmem>>, vector<256x128xf32>
    %convert_element_type3A_355 = arith.truncf %get3A_354 : vector<256x128xf32> to vector<256x128xbf16>
    %convert_element_type3A_356 = arith.extf %convert_element_type3A_355 : vector<256x128xbf16> to vector<256x128xf32>
    %sub3A_357 = arith.subf %get3A_354, %convert_element_type3A_356 : vector<256x128xf32>
    %convert_element_type3A_358 = arith.truncf %sub3A_357 : vector<256x128xf32> to vector<256x128xbf16>
    %concatenate3A_359 = tpu.concatenate %convert_element_type3A_355, %convert_element_type3A_358 in 1 : vector<256x128xbf16>, vector<256x128xbf16> -> vector<256x256xbf16>
    %dot_general3A_360 = arith.constant dense<0.000000e+00> : vector<256x256xf32>
    %dot_general3A_361 = tpu.matmul %concatenate3A_359, %convert_element_type3A_13, %dot_general3A_360 {dimension_numbers = #tpu.dot_dimension_numbers<[1], [0], [0], [1], [0, 0, 1, 1], [], []>, transpose_lhs_hint = false} : vector<256x256xbf16>, vector<256x256xbf16>, vector<256x256xf32> -> vector<256x256xf32>
    %sub3A_362 = vector.broadcast %broadcast_in_dim3A_111 : vector<256x1xf32> to vector<256x256xf32>
    %sub3A_363 = arith.subf %sub3A_362, %dot_general3A_361 : vector<256x256xf32>
    %mul3A_364 = arith.mulf %sub3A_363, %sub3A_363 : vector<256x256xf32>
    %mul3A_365 = arith.constant -4.000000e+00 : f32
    %mul3A_366 = vector.broadcast %mul3A_365 : f32 to vector<256x256xf32>
    %mul3A_367 = arith.mulf %mul3A_366, %mul3A_364 : vector<256x256xf32>
    %exp3A_368 = math.exp %mul3A_367 : vector<256x256xf32>
    %get3A_369 = arith.constant 0 : index
    %get3A_370 = arith.constant 1920 : index
    %get3A_371 = vector.load %arg5[%get3A_369, %get3A_370] : memref<256x3200xf32, #tpu.memory_space<vmem>>, vector<256x128xf32>
    %convert_element_type3A_372 = arith.truncf %get3A_371 : vector<256x128xf32> to vector<256x128xbf16>
    %convert_element_type3A_373 = arith.extf %convert_element_type3A_372 : vector<256x128xbf16> to vector<256x128xf32>
    %sub3A_374 = arith.subf %get3A_371, %convert_element_type3A_373 : vector<256x128xf32>
    %convert_element_type3A_375 = arith.truncf %sub3A_374 : vector<256x128xf32> to vector<256x128xbf16>
    %concatenate3A_376 = tpu.concatenate %convert_element_type3A_372, %convert_element_type3A_375 in 1 : vector<256x128xbf16>, vector<256x128xbf16> -> vector<256x256xbf16>
    %dot_general3A_377 = arith.constant dense<0.000000e+00> : vector<256x256xf32>
    %dot_general3A_378 = tpu.matmul %concatenate3A_376, %convert_element_type3A_13, %dot_general3A_377 {dimension_numbers = #tpu.dot_dimension_numbers<[1], [0], [0], [1], [0, 0, 1, 1], [], []>, transpose_lhs_hint = false} : vector<256x256xbf16>, vector<256x256xbf16>, vector<256x256xf32> -> vector<256x256xf32>
    %sub3A_379 = vector.broadcast %broadcast_in_dim3A_111 : vector<256x1xf32> to vector<256x256xf32>
    %sub3A_380 = arith.subf %sub3A_379, %dot_general3A_378 : vector<256x256xf32>
    %mul3A_381 = arith.mulf %sub3A_380, %sub3A_380 : vector<256x256xf32>
    %mul3A_382 = arith.constant -4.000000e+00 : f32
    %mul3A_383 = vector.broadcast %mul3A_382 : f32 to vector<256x256xf32>
    %mul3A_384 = arith.mulf %mul3A_383, %mul3A_381 : vector<256x256xf32>
    %exp3A_385 = math.exp %mul3A_384 : vector<256x256xf32>
    %get3A_386 = arith.constant 0 : index
    %get3A_387 = arith.constant 2048 : index
    %get3A_388 = vector.load %arg5[%get3A_386, %get3A_387] : memref<256x3200xf32, #tpu.memory_space<vmem>>, vector<256x128xf32>
    %convert_element_type3A_389 = arith.truncf %get3A_388 : vector<256x128xf32> to vector<256x128xbf16>
    %convert_element_type3A_390 = arith.extf %convert_element_type3A_389 : vector<256x128xbf16> to vector<256x128xf32>
    %sub3A_391 = arith.subf %get3A_388, %convert_element_type3A_390 : vector<256x128xf32>
    %convert_element_type3A_392 = arith.truncf %sub3A_391 : vector<256x128xf32> to vector<256x128xbf16>
    %concatenate3A_393 = tpu.concatenate %convert_element_type3A_389, %convert_element_type3A_392 in 1 : vector<256x128xbf16>, vector<256x128xbf16> -> vector<256x256xbf16>
    %dot_general3A_394 = arith.constant dense<0.000000e+00> : vector<256x256xf32>
    %dot_general3A_395 = tpu.matmul %concatenate3A_393, %convert_element_type3A_13, %dot_general3A_394 {dimension_numbers = #tpu.dot_dimension_numbers<[1], [0], [0], [1], [0, 0, 1, 1], [], []>, transpose_lhs_hint = false} : vector<256x256xbf16>, vector<256x256xbf16>, vector<256x256xf32> -> vector<256x256xf32>
    %sub3A_396 = vector.broadcast %broadcast_in_dim3A_111 : vector<256x1xf32> to vector<256x256xf32>
    %sub3A_397 = arith.subf %sub3A_396, %dot_general3A_395 : vector<256x256xf32>
    %mul3A_398 = arith.mulf %sub3A_397, %sub3A_397 : vector<256x256xf32>
    %mul3A_399 = arith.constant -4.000000e+00 : f32
    %mul3A_400 = vector.broadcast %mul3A_399 : f32 to vector<256x256xf32>
    %mul3A_401 = arith.mulf %mul3A_400, %mul3A_398 : vector<256x256xf32>
    %exp3A_402 = math.exp %mul3A_401 : vector<256x256xf32>
    %get3A_403 = arith.constant 0 : index
    %get3A_404 = arith.constant 2176 : index
    %get3A_405 = vector.load %arg5[%get3A_403, %get3A_404] : memref<256x3200xf32, #tpu.memory_space<vmem>>, vector<256x128xf32>
    %convert_element_type3A_406 = arith.truncf %get3A_405 : vector<256x128xf32> to vector<256x128xbf16>
    %convert_element_type3A_407 = arith.extf %convert_element_type3A_406 : vector<256x128xbf16> to vector<256x128xf32>
    %sub3A_408 = arith.subf %get3A_405, %convert_element_type3A_407 : vector<256x128xf32>
    %convert_element_type3A_409 = arith.truncf %sub3A_408 : vector<256x128xf32> to vector<256x128xbf16>
    %concatenate3A_410 = tpu.concatenate %convert_element_type3A_406, %convert_element_type3A_409 in 1 : vector<256x128xbf16>, vector<256x128xbf16> -> vector<256x256xbf16>
    %dot_general3A_411 = arith.constant dense<0.000000e+00> : vector<256x256xf32>
    %dot_general3A_412 = tpu.matmul %concatenate3A_410, %convert_element_type3A_13, %dot_general3A_411 {dimension_numbers = #tpu.dot_dimension_numbers<[1], [0], [0], [1], [0, 0, 1, 1], [], []>, transpose_lhs_hint = false} : vector<256x256xbf16>, vector<256x256xbf16>, vector<256x256xf32> -> vector<256x256xf32>
    %sub3A_413 = vector.broadcast %broadcast_in_dim3A_111 : vector<256x1xf32> to vector<256x256xf32>
    %sub3A_414 = arith.subf %sub3A_413, %dot_general3A_412 : vector<256x256xf32>
    %mul3A_415 = arith.mulf %sub3A_414, %sub3A_414 : vector<256x256xf32>
    %mul3A_416 = arith.constant -4.000000e+00 : f32
    %mul3A_417 = vector.broadcast %mul3A_416 : f32 to vector<256x256xf32>
    %mul3A_418 = arith.mulf %mul3A_417, %mul3A_415 : vector<256x256xf32>
    %exp3A_419 = math.exp %mul3A_418 : vector<256x256xf32>
    %get3A_420 = arith.constant 0 : index
    %get3A_421 = arith.constant 2304 : index
    %get3A_422 = vector.load %arg5[%get3A_420, %get3A_421] : memref<256x3200xf32, #tpu.memory_space<vmem>>, vector<256x128xf32>
    %convert_element_type3A_423 = arith.truncf %get3A_422 : vector<256x128xf32> to vector<256x128xbf16>
    %convert_element_type3A_424 = arith.extf %convert_element_type3A_423 : vector<256x128xbf16> to vector<256x128xf32>
    %sub3A_425 = arith.subf %get3A_422, %convert_element_type3A_424 : vector<256x128xf32>
    %convert_element_type3A_426 = arith.truncf %sub3A_425 : vector<256x128xf32> to vector<256x128xbf16>
    %concatenate3A_427 = tpu.concatenate %convert_element_type3A_423, %convert_element_type3A_426 in 1 : vector<256x128xbf16>, vector<256x128xbf16> -> vector<256x256xbf16>
    %dot_general3A_428 = arith.constant dense<0.000000e+00> : vector<256x256xf32>
    %dot_general3A_429 = tpu.matmul %concatenate3A_427, %convert_element_type3A_13, %dot_general3A_428 {dimension_numbers = #tpu.dot_dimension_numbers<[1], [0], [0], [1], [0, 0, 1, 1], [], []>, transpose_lhs_hint = false} : vector<256x256xbf16>, vector<256x256xbf16>, vector<256x256xf32> -> vector<256x256xf32>
    %sub3A_430 = vector.broadcast %broadcast_in_dim3A_111 : vector<256x1xf32> to vector<256x256xf32>
    %sub3A_431 = arith.subf %sub3A_430, %dot_general3A_429 : vector<256x256xf32>
    %mul3A_432 = arith.mulf %sub3A_431, %sub3A_431 : vector<256x256xf32>
    %mul3A_433 = arith.constant -4.000000e+00 : f32
    %mul3A_434 = vector.broadcast %mul3A_433 : f32 to vector<256x256xf32>
    %mul3A_435 = arith.mulf %mul3A_434, %mul3A_432 : vector<256x256xf32>
    %exp3A_436 = math.exp %mul3A_435 : vector<256x256xf32>
    %get3A_437 = arith.constant 0 : index
    %get3A_438 = arith.constant 2432 : index
    %get3A_439 = vector.load %arg5[%get3A_437, %get3A_438] : memref<256x3200xf32, #tpu.memory_space<vmem>>, vector<256x128xf32>
    %convert_element_type3A_440 = arith.truncf %get3A_439 : vector<256x128xf32> to vector<256x128xbf16>
    %convert_element_type3A_441 = arith.extf %convert_element_type3A_440 : vector<256x128xbf16> to vector<256x128xf32>
    %sub3A_442 = arith.subf %get3A_439, %convert_element_type3A_441 : vector<256x128xf32>
    %convert_element_type3A_443 = arith.truncf %sub3A_442 : vector<256x128xf32> to vector<256x128xbf16>
    %concatenate3A_444 = tpu.concatenate %convert_element_type3A_440, %convert_element_type3A_443 in 1 : vector<256x128xbf16>, vector<256x128xbf16> -> vector<256x256xbf16>
    %dot_general3A_445 = arith.constant dense<0.000000e+00> : vector<256x256xf32>
    %dot_general3A_446 = tpu.matmul %concatenate3A_444, %convert_element_type3A_13, %dot_general3A_445 {dimension_numbers = #tpu.dot_dimension_numbers<[1], [0], [0], [1], [0, 0, 1, 1], [], []>, transpose_lhs_hint = false} : vector<256x256xbf16>, vector<256x256xbf16>, vector<256x256xf32> -> vector<256x256xf32>
    %sub3A_447 = vector.broadcast %broadcast_in_dim3A_111 : vector<256x1xf32> to vector<256x256xf32>
    %sub3A_448 = arith.subf %sub3A_447, %dot_general3A_446 : vector<256x256xf32>
    %mul3A_449 = arith.mulf %sub3A_448, %sub3A_448 : vector<256x256xf32>
    %mul3A_450 = arith.constant -4.000000e+00 : f32
    %mul3A_451 = vector.broadcast %mul3A_450 : f32 to vector<256x256xf32>
    %mul3A_452 = arith.mulf %mul3A_451, %mul3A_449 : vector<256x256xf32>
    %exp3A_453 = math.exp %mul3A_452 : vector<256x256xf32>
    %get3A_454 = arith.constant 0 : index
    %get3A_455 = arith.constant 2560 : index
    %get3A_456 = vector.load %arg5[%get3A_454, %get3A_455] : memref<256x3200xf32, #tpu.memory_space<vmem>>, vector<256x128xf32>
    %convert_element_type3A_457 = arith.truncf %get3A_456 : vector<256x128xf32> to vector<256x128xbf16>
    %convert_element_type3A_458 = arith.extf %convert_element_type3A_457 : vector<256x128xbf16> to vector<256x128xf32>
    %sub3A_459 = arith.subf %get3A_456, %convert_element_type3A_458 : vector<256x128xf32>
    %convert_element_type3A_460 = arith.truncf %sub3A_459 : vector<256x128xf32> to vector<256x128xbf16>
    %concatenate3A_461 = tpu.concatenate %convert_element_type3A_457, %convert_element_type3A_460 in 1 : vector<256x128xbf16>, vector<256x128xbf16> -> vector<256x256xbf16>
    %dot_general3A_462 = arith.constant dense<0.000000e+00> : vector<256x256xf32>
    %dot_general3A_463 = tpu.matmul %concatenate3A_461, %convert_element_type3A_13, %dot_general3A_462 {dimension_numbers = #tpu.dot_dimension_numbers<[1], [0], [0], [1], [0, 0, 1, 1], [], []>, transpose_lhs_hint = false} : vector<256x256xbf16>, vector<256x256xbf16>, vector<256x256xf32> -> vector<256x256xf32>
    %sub3A_464 = vector.broadcast %broadcast_in_dim3A_111 : vector<256x1xf32> to vector<256x256xf32>
    %sub3A_465 = arith.subf %sub3A_464, %dot_general3A_463 : vector<256x256xf32>
    %mul3A_466 = arith.mulf %sub3A_465, %sub3A_465 : vector<256x256xf32>
    %mul3A_467 = arith.constant -4.000000e+00 : f32
    %mul3A_468 = vector.broadcast %mul3A_467 : f32 to vector<256x256xf32>
    %mul3A_469 = arith.mulf %mul3A_468, %mul3A_466 : vector<256x256xf32>
    %exp3A_470 = math.exp %mul3A_469 : vector<256x256xf32>
    %get3A_471 = arith.constant 0 : index
    %get3A_472 = arith.constant 2688 : index
    %get3A_473 = vector.load %arg5[%get3A_471, %get3A_472] : memref<256x3200xf32, #tpu.memory_space<vmem>>, vector<256x128xf32>
    %convert_element_type3A_474 = arith.truncf %get3A_473 : vector<256x128xf32> to vector<256x128xbf16>
    %convert_element_type3A_475 = arith.extf %convert_element_type3A_474 : vector<256x128xbf16> to vector<256x128xf32>
    %sub3A_476 = arith.subf %get3A_473, %convert_element_type3A_475 : vector<256x128xf32>
    %convert_element_type3A_477 = arith.truncf %sub3A_476 : vector<256x128xf32> to vector<256x128xbf16>
    %concatenate3A_478 = tpu.concatenate %convert_element_type3A_474, %convert_element_type3A_477 in 1 : vector<256x128xbf16>, vector<256x128xbf16> -> vector<256x256xbf16>
    %dot_general3A_479 = arith.constant dense<0.000000e+00> : vector<256x256xf32>
    %dot_general3A_480 = tpu.matmul %concatenate3A_478, %convert_element_type3A_13, %dot_general3A_479 {dimension_numbers = #tpu.dot_dimension_numbers<[1], [0], [0], [1], [0, 0, 1, 1], [], []>, transpose_lhs_hint = false} : vector<256x256xbf16>, vector<256x256xbf16>, vector<256x256xf32> -> vector<256x256xf32>
    %sub3A_481 = vector.broadcast %broadcast_in_dim3A_111 : vector<256x1xf32> to vector<256x256xf32>
    %sub3A_482 = arith.subf %sub3A_481, %dot_general3A_480 : vector<256x256xf32>
    %mul3A_483 = arith.mulf %sub3A_482, %sub3A_482 : vector<256x256xf32>
    %mul3A_484 = arith.constant -4.000000e+00 : f32
    %mul3A_485 = vector.broadcast %mul3A_484 : f32 to vector<256x256xf32>
    %mul3A_486 = arith.mulf %mul3A_485, %mul3A_483 : vector<256x256xf32>
    %exp3A_487 = math.exp %mul3A_486 : vector<256x256xf32>
    %get3A_488 = arith.constant 0 : index
    %get3A_489 = arith.constant 2816 : index
    %get3A_490 = vector.load %arg5[%get3A_488, %get3A_489] : memref<256x3200xf32, #tpu.memory_space<vmem>>, vector<256x128xf32>
    %convert_element_type3A_491 = arith.truncf %get3A_490 : vector<256x128xf32> to vector<256x128xbf16>
    %convert_element_type3A_492 = arith.extf %convert_element_type3A_491 : vector<256x128xbf16> to vector<256x128xf32>
    %sub3A_493 = arith.subf %get3A_490, %convert_element_type3A_492 : vector<256x128xf32>
    %convert_element_type3A_494 = arith.truncf %sub3A_493 : vector<256x128xf32> to vector<256x128xbf16>
    %concatenate3A_495 = tpu.concatenate %convert_element_type3A_491, %convert_element_type3A_494 in 1 : vector<256x128xbf16>, vector<256x128xbf16> -> vector<256x256xbf16>
    %dot_general3A_496 = arith.constant dense<0.000000e+00> : vector<256x256xf32>
    %dot_general3A_497 = tpu.matmul %concatenate3A_495, %convert_element_type3A_13, %dot_general3A_496 {dimension_numbers = #tpu.dot_dimension_numbers<[1], [0], [0], [1], [0, 0, 1, 1], [], []>, transpose_lhs_hint = false} : vector<256x256xbf16>, vector<256x256xbf16>, vector<256x256xf32> -> vector<256x256xf32>
    %sub3A_498 = vector.broadcast %broadcast_in_dim3A_111 : vector<256x1xf32> to vector<256x256xf32>
    %sub3A_499 = arith.subf %sub3A_498, %dot_general3A_497 : vector<256x256xf32>
    %mul3A_500 = arith.mulf %sub3A_499, %sub3A_499 : vector<256x256xf32>
    %mul3A_501 = arith.constant -4.000000e+00 : f32
    %mul3A_502 = vector.broadcast %mul3A_501 : f32 to vector<256x256xf32>
    %mul3A_503 = arith.mulf %mul3A_502, %mul3A_500 : vector<256x256xf32>
    %exp3A_504 = math.exp %mul3A_503 : vector<256x256xf32>
    %get3A_505 = arith.constant 0 : index
    %get3A_506 = arith.constant 2944 : index
    %get3A_507 = vector.load %arg5[%get3A_505, %get3A_506] : memref<256x3200xf32, #tpu.memory_space<vmem>>, vector<256x128xf32>
    %convert_element_type3A_508 = arith.truncf %get3A_507 : vector<256x128xf32> to vector<256x128xbf16>
    %convert_element_type3A_509 = arith.extf %convert_element_type3A_508 : vector<256x128xbf16> to vector<256x128xf32>
    %sub3A_510 = arith.subf %get3A_507, %convert_element_type3A_509 : vector<256x128xf32>
    %convert_element_type3A_511 = arith.truncf %sub3A_510 : vector<256x128xf32> to vector<256x128xbf16>
    %concatenate3A_512 = tpu.concatenate %convert_element_type3A_508, %convert_element_type3A_511 in 1 : vector<256x128xbf16>, vector<256x128xbf16> -> vector<256x256xbf16>
    %dot_general3A_513 = arith.constant dense<0.000000e+00> : vector<256x256xf32>
    %dot_general3A_514 = tpu.matmul %concatenate3A_512, %convert_element_type3A_13, %dot_general3A_513 {dimension_numbers = #tpu.dot_dimension_numbers<[1], [0], [0], [1], [0, 0, 1, 1], [], []>, transpose_lhs_hint = false} : vector<256x256xbf16>, vector<256x256xbf16>, vector<256x256xf32> -> vector<256x256xf32>
    %sub3A_515 = vector.broadcast %broadcast_in_dim3A_111 : vector<256x1xf32> to vector<256x256xf32>
    %sub3A_516 = arith.subf %sub3A_515, %dot_general3A_514 : vector<256x256xf32>
    %mul3A_517 = arith.mulf %sub3A_516, %sub3A_516 : vector<256x256xf32>
    %mul3A_518 = arith.constant -4.000000e+00 : f32
    %mul3A_519 = vector.broadcast %mul3A_518 : f32 to vector<256x256xf32>
    %mul3A_520 = arith.mulf %mul3A_519, %mul3A_517 : vector<256x256xf32>
    %exp3A_521 = math.exp %mul3A_520 : vector<256x256xf32>
    %get3A_522 = arith.constant 0 : index
    %get3A_523 = arith.constant 3072 : index
    %get3A_524 = vector.load %arg5[%get3A_522, %get3A_523] : memref<256x3200xf32, #tpu.memory_space<vmem>>, vector<256x128xf32>
    %convert_element_type3A_525 = arith.truncf %get3A_524 : vector<256x128xf32> to vector<256x128xbf16>
    %convert_element_type3A_526 = arith.extf %convert_element_type3A_525 : vector<256x128xbf16> to vector<256x128xf32>
    %sub3A_527 = arith.subf %get3A_524, %convert_element_type3A_526 : vector<256x128xf32>
    %convert_element_type3A_528 = arith.truncf %sub3A_527 : vector<256x128xf32> to vector<256x128xbf16>
    %concatenate3A_529 = tpu.concatenate %convert_element_type3A_525, %convert_element_type3A_528 in 1 : vector<256x128xbf16>, vector<256x128xbf16> -> vector<256x256xbf16>
    %dot_general3A_530 = arith.constant dense<0.000000e+00> : vector<256x256xf32>
    %dot_general3A_531 = tpu.matmul %concatenate3A_529, %convert_element_type3A_13, %dot_general3A_530 {dimension_numbers = #tpu.dot_dimension_numbers<[1], [0], [0], [1], [0, 0, 1, 1], [], []>, transpose_lhs_hint = false} : vector<256x256xbf16>, vector<256x256xbf16>, vector<256x256xf32> -> vector<256x256xf32>
    %sub3A_532 = vector.broadcast %broadcast_in_dim3A_111 : vector<256x1xf32> to vector<256x256xf32>
    %sub3A_533 = arith.subf %sub3A_532, %dot_general3A_531 : vector<256x256xf32>
    %mul3A_534 = arith.mulf %sub3A_533, %sub3A_533 : vector<256x256xf32>
    %mul3A_535 = arith.constant -4.000000e+00 : f32
    %mul3A_536 = vector.broadcast %mul3A_535 : f32 to vector<256x256xf32>
    %mul3A_537 = arith.mulf %mul3A_536, %mul3A_534 : vector<256x256xf32>
    %exp3A_538 = math.exp %mul3A_537 : vector<256x256xf32>
    %broadcast_in_dim3A_539 = arith.constant 0.000000e+00 : f32
    %broadcast_in_dim3A_540 = vector.broadcast %broadcast_in_dim3A_539 : f32 to vector<256x256xf32>
    %broadcast_in_dim3A_541 = arith.constant 0.000000e+00 : f32
    %broadcast_in_dim3A_542 = vector.broadcast %broadcast_in_dim3A_541 : f32 to vector<256x256xf32>
    %slice3A_543 = vector.extract_strided_slice %get3A_114 {offsets = [0, 0], sizes = [192, 128], strides = [1, 1]} : vector<192x3200xbf16> to vector<192x128xbf16>
    %dot_general3A_544 = arith.constant dense<0.000000e+00> : vector<256x128xf32>
    %dot_general3A_545 = tpu.matmul %convert_element_type3A_23, %slice3A_543, %dot_general3A_544 {dimension_numbers = #tpu.dot_dimension_numbers<[1], [0], [0], [1], [0, 0, 1, 1], [], []>, transpose_lhs_hint = false} : vector<256x192xbf16>, vector<192x128xbf16>, vector<256x128xf32> -> vector<256x128xf32>
    %convert_element_type3A_546 = arith.truncf %dot_general3A_545 : vector<256x128xf32> to vector<256x128xbf16>
    %convert_element_type3A_547 = arith.extf %convert_element_type3A_546 : vector<256x128xbf16> to vector<256x128xf32>
    %sub3A_548 = arith.subf %dot_general3A_545, %convert_element_type3A_547 : vector<256x128xf32>
    %convert_element_type3A_549 = arith.truncf %sub3A_548 : vector<256x128xf32> to vector<256x128xbf16>
    %concatenate3A_550 = tpu.concatenate %convert_element_type3A_546, %convert_element_type3A_549 in 1 : vector<256x128xbf16>, vector<256x128xbf16> -> vector<256x256xbf16>
    %dot_general3A_551 = arith.constant dense<0.000000e+00> : vector<256x256xf32>
    %dot_general3A_552 = tpu.matmul %concatenate3A_550, %convert_element_type3A_13, %dot_general3A_551 {dimension_numbers = #tpu.dot_dimension_numbers<[1], [0], [0], [1], [0, 0, 1, 1], [], []>, transpose_lhs_hint = false} : vector<256x256xbf16>, vector<256x256xbf16>, vector<256x256xf32> -> vector<256x256xf32>
    %transpose3A = tpu.transpose %exp3A_130, [1, 0] : vector<256x256xf32> -> vector<256x256xf32>
    %mul3A_553 = arith.mulf %exp3A_130, %transpose3A : vector<256x256xf32>
    %gt3A = arith.constant 0.000000e+00 : f32
    %gt3A_554 = vector.broadcast %gt3A : f32 to vector<256x256xf32>
    %gt3A_555 = arith.cmpf ogt, %dot_general3A_552, %gt3A_554 : vector<256x256xf32>
    %jit3A_556 = arith.constant 0.000000e+00 : f32
    %broadcast_in_dim3A_557 = vector.broadcast %jit3A_556 : f32 to vector<256x256xf32>
    %select_n3A_558 = arith.select %gt3A_555, %mul3A_553, %broadcast_in_dim3A_557 : vector<256x256xi1>, vector<256x256xf32>
    %mul3A_559 = arith.mulf %select_n3A_558, %dot_general3A_552 : vector<256x256xf32>
    %add3A_560 = arith.addf %broadcast_in_dim3A_540, %mul3A_559 : vector<256x256xf32>
    %add3A_561 = arith.addf %broadcast_in_dim3A_542, %select_n3A_558 : vector<256x256xf32>
    %slice3A_562 = vector.extract_strided_slice %get3A_114 {offsets = [0, 128], sizes = [192, 128], strides = [1, 1]} : vector<192x3200xbf16> to vector<192x128xbf16>
    %dot_general3A_563 = arith.constant dense<0.000000e+00> : vector<256x128xf32>
    %dot_general3A_564 = tpu.matmul %convert_element_type3A_23, %slice3A_562, %dot_general3A_563 {dimension_numbers = #tpu.dot_dimension_numbers<[1], [0], [0], [1], [0, 0, 1, 1], [], []>, transpose_lhs_hint = false} : vector<256x192xbf16>, vector<192x128xbf16>, vector<256x128xf32> -> vector<256x128xf32>
    %convert_element_type3A_565 = arith.truncf %dot_general3A_564 : vector<256x128xf32> to vector<256x128xbf16>
    %convert_element_type3A_566 = arith.extf %convert_element_type3A_565 : vector<256x128xbf16> to vector<256x128xf32>
    %sub3A_567 = arith.subf %dot_general3A_564, %convert_element_type3A_566 : vector<256x128xf32>
    %convert_element_type3A_568 = arith.truncf %sub3A_567 : vector<256x128xf32> to vector<256x128xbf16>
    %concatenate3A_569 = tpu.concatenate %convert_element_type3A_565, %convert_element_type3A_568 in 1 : vector<256x128xbf16>, vector<256x128xbf16> -> vector<256x256xbf16>
    %dot_general3A_570 = arith.constant dense<0.000000e+00> : vector<256x256xf32>
    %dot_general3A_571 = tpu.matmul %concatenate3A_569, %convert_element_type3A_13, %dot_general3A_570 {dimension_numbers = #tpu.dot_dimension_numbers<[1], [0], [0], [1], [0, 0, 1, 1], [], []>, transpose_lhs_hint = false} : vector<256x256xbf16>, vector<256x256xbf16>, vector<256x256xf32> -> vector<256x256xf32>
    %transpose3A_572 = tpu.transpose %exp3A_215, [1, 0] : vector<256x256xf32> -> vector<256x256xf32>
    %mul3A_573 = arith.mulf %exp3A_147, %transpose3A_572 : vector<256x256xf32>
    %gt3A_574 = arith.constant 0.000000e+00 : f32
    %gt3A_575 = vector.broadcast %gt3A_574 : f32 to vector<256x256xf32>
    %gt3A_576 = arith.cmpf ogt, %dot_general3A_571, %gt3A_575 : vector<256x256xf32>
    %jit3A_577 = arith.constant 0.000000e+00 : f32
    %broadcast_in_dim3A_578 = vector.broadcast %jit3A_577 : f32 to vector<256x256xf32>
    %select_n3A_579 = arith.select %gt3A_576, %mul3A_573, %broadcast_in_dim3A_578 : vector<256x256xi1>, vector<256x256xf32>
    %mul3A_580 = arith.mulf %select_n3A_579, %dot_general3A_571 : vector<256x256xf32>
    %add3A_581 = arith.addf %add3A_560, %mul3A_580 : vector<256x256xf32>
    %add3A_582 = arith.addf %add3A_561, %select_n3A_579 : vector<256x256xf32>
    %slice3A_583 = vector.extract_strided_slice %get3A_114 {offsets = [0, 256], sizes = [192, 128], strides = [1, 1]} : vector<192x3200xbf16> to vector<192x128xbf16>
    %dot_general3A_584 = arith.constant dense<0.000000e+00> : vector<256x128xf32>
    %dot_general3A_585 = tpu.matmul %convert_element_type3A_23, %slice3A_583, %dot_general3A_584 {dimension_numbers = #tpu.dot_dimension_numbers<[1], [0], [0], [1], [0, 0, 1, 1], [], []>, transpose_lhs_hint = false} : vector<256x192xbf16>, vector<192x128xbf16>, vector<256x128xf32> -> vector<256x128xf32>
    %convert_element_type3A_586 = arith.truncf %dot_general3A_585 : vector<256x128xf32> to vector<256x128xbf16>
    %convert_element_type3A_587 = arith.extf %convert_element_type3A_586 : vector<256x128xbf16> to vector<256x128xf32>
    %sub3A_588 = arith.subf %dot_general3A_585, %convert_element_type3A_587 : vector<256x128xf32>
    %convert_element_type3A_589 = arith.truncf %sub3A_588 : vector<256x128xf32> to vector<256x128xbf16>
    %concatenate3A_590 = tpu.concatenate %convert_element_type3A_586, %convert_element_type3A_589 in 1 : vector<256x128xbf16>, vector<256x128xbf16> -> vector<256x256xbf16>
    %dot_general3A_591 = arith.constant dense<0.000000e+00> : vector<256x256xf32>
    %dot_general3A_592 = tpu.matmul %concatenate3A_590, %convert_element_type3A_13, %dot_general3A_591 {dimension_numbers = #tpu.dot_dimension_numbers<[1], [0], [0], [1], [0, 0, 1, 1], [], []>, transpose_lhs_hint = false} : vector<256x256xbf16>, vector<256x256xbf16>, vector<256x256xf32> -> vector<256x256xf32>
    %transpose3A_593 = tpu.transpose %exp3A_300, [1, 0] : vector<256x256xf32> -> vector<256x256xf32>
    %mul3A_594 = arith.mulf %exp3A_164, %transpose3A_593 : vector<256x256xf32>
    %gt3A_595 = arith.constant 0.000000e+00 : f32
    %gt3A_596 = vector.broadcast %gt3A_595 : f32 to vector<256x256xf32>
    %gt3A_597 = arith.cmpf ogt, %dot_general3A_592, %gt3A_596 : vector<256x256xf32>
    %jit3A_598 = arith.constant 0.000000e+00 : f32
    %broadcast_in_dim3A_599 = vector.broadcast %jit3A_598 : f32 to vector<256x256xf32>
    %select_n3A_600 = arith.select %gt3A_597, %mul3A_594, %broadcast_in_dim3A_599 : vector<256x256xi1>, vector<256x256xf32>
    %mul3A_601 = arith.mulf %select_n3A_600, %dot_general3A_592 : vector<256x256xf32>
    %add3A_602 = arith.addf %add3A_581, %mul3A_601 : vector<256x256xf32>
    %add3A_603 = arith.addf %add3A_582, %select_n3A_600 : vector<256x256xf32>
    %slice3A_604 = vector.extract_strided_slice %get3A_114 {offsets = [0, 384], sizes = [192, 128], strides = [1, 1]} : vector<192x3200xbf16> to vector<192x128xbf16>
    %dot_general3A_605 = arith.constant dense<0.000000e+00> : vector<256x128xf32>
    %dot_general3A_606 = tpu.matmul %convert_element_type3A_23, %slice3A_604, %dot_general3A_605 {dimension_numbers = #tpu.dot_dimension_numbers<[1], [0], [0], [1], [0, 0, 1, 1], [], []>, transpose_lhs_hint = false} : vector<256x192xbf16>, vector<192x128xbf16>, vector<256x128xf32> -> vector<256x128xf32>
    %convert_element_type3A_607 = arith.truncf %dot_general3A_606 : vector<256x128xf32> to vector<256x128xbf16>
    %convert_element_type3A_608 = arith.extf %convert_element_type3A_607 : vector<256x128xbf16> to vector<256x128xf32>
    %sub3A_609 = arith.subf %dot_general3A_606, %convert_element_type3A_608 : vector<256x128xf32>
    %convert_element_type3A_610 = arith.truncf %sub3A_609 : vector<256x128xf32> to vector<256x128xbf16>
    %concatenate3A_611 = tpu.concatenate %convert_element_type3A_607, %convert_element_type3A_610 in 1 : vector<256x128xbf16>, vector<256x128xbf16> -> vector<256x256xbf16>
    %dot_general3A_612 = arith.constant dense<0.000000e+00> : vector<256x256xf32>
    %dot_general3A_613 = tpu.matmul %concatenate3A_611, %convert_element_type3A_13, %dot_general3A_612 {dimension_numbers = #tpu.dot_dimension_numbers<[1], [0], [0], [1], [0, 0, 1, 1], [], []>, transpose_lhs_hint = false} : vector<256x256xbf16>, vector<256x256xbf16>, vector<256x256xf32> -> vector<256x256xf32>
    %transpose3A_614 = tpu.transpose %exp3A_385, [1, 0] : vector<256x256xf32> -> vector<256x256xf32>
    %mul3A_615 = arith.mulf %exp3A_181, %transpose3A_614 : vector<256x256xf32>
    %gt3A_616 = arith.constant 0.000000e+00 : f32
    %gt3A_617 = vector.broadcast %gt3A_616 : f32 to vector<256x256xf32>
    %gt3A_618 = arith.cmpf ogt, %dot_general3A_613, %gt3A_617 : vector<256x256xf32>
    %jit3A_619 = arith.constant 0.000000e+00 : f32
    %broadcast_in_dim3A_620 = vector.broadcast %jit3A_619 : f32 to vector<256x256xf32>
    %select_n3A_621 = arith.select %gt3A_618, %mul3A_615, %broadcast_in_dim3A_620 : vector<256x256xi1>, vector<256x256xf32>
    %mul3A_622 = arith.mulf %select_n3A_621, %dot_general3A_613 : vector<256x256xf32>
    %add3A_623 = arith.addf %add3A_602, %mul3A_622 : vector<256x256xf32>
    %add3A_624 = arith.addf %add3A_603, %select_n3A_621 : vector<256x256xf32>
    %slice3A_625 = vector.extract_strided_slice %get3A_114 {offsets = [0, 512], sizes = [192, 128], strides = [1, 1]} : vector<192x3200xbf16> to vector<192x128xbf16>
    %dot_general3A_626 = arith.constant dense<0.000000e+00> : vector<256x128xf32>
    %dot_general3A_627 = tpu.matmul %convert_element_type3A_23, %slice3A_625, %dot_general3A_626 {dimension_numbers = #tpu.dot_dimension_numbers<[1], [0], [0], [1], [0, 0, 1, 1], [], []>, transpose_lhs_hint = false} : vector<256x192xbf16>, vector<192x128xbf16>, vector<256x128xf32> -> vector<256x128xf32>
    %convert_element_type3A_628 = arith.truncf %dot_general3A_627 : vector<256x128xf32> to vector<256x128xbf16>
    %convert_element_type3A_629 = arith.extf %convert_element_type3A_628 : vector<256x128xbf16> to vector<256x128xf32>
    %sub3A_630 = arith.subf %dot_general3A_627, %convert_element_type3A_629 : vector<256x128xf32>
    %convert_element_type3A_631 = arith.truncf %sub3A_630 : vector<256x128xf32> to vector<256x128xbf16>
    %concatenate3A_632 = tpu.concatenate %convert_element_type3A_628, %convert_element_type3A_631 in 1 : vector<256x128xbf16>, vector<256x128xbf16> -> vector<256x256xbf16>
    %dot_general3A_633 = arith.constant dense<0.000000e+00> : vector<256x256xf32>
    %dot_general3A_634 = tpu.matmul %concatenate3A_632, %convert_element_type3A_13, %dot_general3A_633 {dimension_numbers = #tpu.dot_dimension_numbers<[1], [0], [0], [1], [0, 0, 1, 1], [], []>, transpose_lhs_hint = false} : vector<256x256xbf16>, vector<256x256xbf16>, vector<256x256xf32> -> vector<256x256xf32>
    %transpose3A_635 = tpu.transpose %exp3A_470, [1, 0] : vector<256x256xf32> -> vector<256x256xf32>
    %mul3A_636 = arith.mulf %exp3A_198, %transpose3A_635 : vector<256x256xf32>
    %gt3A_637 = arith.constant 0.000000e+00 : f32
    %gt3A_638 = vector.broadcast %gt3A_637 : f32 to vector<256x256xf32>
    %gt3A_639 = arith.cmpf ogt, %dot_general3A_634, %gt3A_638 : vector<256x256xf32>
    %jit3A_640 = arith.constant 0.000000e+00 : f32
    %broadcast_in_dim3A_641 = vector.broadcast %jit3A_640 : f32 to vector<256x256xf32>
    %select_n3A_642 = arith.select %gt3A_639, %mul3A_636, %broadcast_in_dim3A_641 : vector<256x256xi1>, vector<256x256xf32>
    %mul3A_643 = arith.mulf %select_n3A_642, %dot_general3A_634 : vector<256x256xf32>
    %add3A_644 = arith.addf %add3A_623, %mul3A_643 : vector<256x256xf32>
    %add3A_645 = arith.addf %add3A_624, %select_n3A_642 : vector<256x256xf32>
    %slice3A_646 = vector.extract_strided_slice %get3A_114 {offsets = [0, 640], sizes = [192, 128], strides = [1, 1]} : vector<192x3200xbf16> to vector<192x128xbf16>
    %dot_general3A_647 = arith.constant dense<0.000000e+00> : vector<256x128xf32>
    %dot_general3A_648 = tpu.matmul %convert_element_type3A_23, %slice3A_646, %dot_general3A_647 {dimension_numbers = #tpu.dot_dimension_numbers<[1], [0], [0], [1], [0, 0, 1, 1], [], []>, transpose_lhs_hint = false} : vector<256x192xbf16>, vector<192x128xbf16>, vector<256x128xf32> -> vector<256x128xf32>
    %convert_element_type3A_649 = arith.truncf %dot_general3A_648 : vector<256x128xf32> to vector<256x128xbf16>
    %convert_element_type3A_650 = arith.extf %convert_element_type3A_649 : vector<256x128xbf16> to vector<256x128xf32>
    %sub3A_651 = arith.subf %dot_general3A_648, %convert_element_type3A_650 : vector<256x128xf32>
    %convert_element_type3A_652 = arith.truncf %sub3A_651 : vector<256x128xf32> to vector<256x128xbf16>
    %concatenate3A_653 = tpu.concatenate %convert_element_type3A_649, %convert_element_type3A_652 in 1 : vector<256x128xbf16>, vector<256x128xbf16> -> vector<256x256xbf16>
    %dot_general3A_654 = arith.constant dense<0.000000e+00> : vector<256x256xf32>
    %dot_general3A_655 = tpu.matmul %concatenate3A_653, %convert_element_type3A_13, %dot_general3A_654 {dimension_numbers = #tpu.dot_dimension_numbers<[1], [0], [0], [1], [0, 0, 1, 1], [], []>, transpose_lhs_hint = false} : vector<256x256xbf16>, vector<256x256xbf16>, vector<256x256xf32> -> vector<256x256xf32>
    %transpose3A_656 = tpu.transpose %exp3A_147, [1, 0] : vector<256x256xf32> -> vector<256x256xf32>
    %mul3A_657 = arith.mulf %exp3A_215, %transpose3A_656 : vector<256x256xf32>
    %gt3A_658 = arith.constant 0.000000e+00 : f32
    %gt3A_659 = vector.broadcast %gt3A_658 : f32 to vector<256x256xf32>
    %gt3A_660 = arith.cmpf ogt, %dot_general3A_655, %gt3A_659 : vector<256x256xf32>
    %jit3A_661 = arith.constant 0.000000e+00 : f32
    %broadcast_in_dim3A_662 = vector.broadcast %jit3A_661 : f32 to vector<256x256xf32>
    %select_n3A_663 = arith.select %gt3A_660, %mul3A_657, %broadcast_in_dim3A_662 : vector<256x256xi1>, vector<256x256xf32>
    %mul3A_664 = arith.mulf %select_n3A_663, %dot_general3A_655 : vector<256x256xf32>
    %add3A_665 = arith.addf %add3A_644, %mul3A_664 : vector<256x256xf32>
    %add3A_666 = arith.addf %add3A_645, %select_n3A_663 : vector<256x256xf32>
    %slice3A_667 = vector.extract_strided_slice %get3A_114 {offsets = [0, 768], sizes = [192, 128], strides = [1, 1]} : vector<192x3200xbf16> to vector<192x128xbf16>
    %dot_general3A_668 = arith.constant dense<0.000000e+00> : vector<256x128xf32>
    %dot_general3A_669 = tpu.matmul %convert_element_type3A_23, %slice3A_667, %dot_general3A_668 {dimension_numbers = #tpu.dot_dimension_numbers<[1], [0], [0], [1], [0, 0, 1, 1], [], []>, transpose_lhs_hint = false} : vector<256x192xbf16>, vector<192x128xbf16>, vector<256x128xf32> -> vector<256x128xf32>
    %convert_element_type3A_670 = arith.truncf %dot_general3A_669 : vector<256x128xf32> to vector<256x128xbf16>
    %convert_element_type3A_671 = arith.extf %convert_element_type3A_670 : vector<256x128xbf16> to vector<256x128xf32>
    %sub3A_672 = arith.subf %dot_general3A_669, %convert_element_type3A_671 : vector<256x128xf32>
    %convert_element_type3A_673 = arith.truncf %sub3A_672 : vector<256x128xf32> to vector<256x128xbf16>
    %concatenate3A_674 = tpu.concatenate %convert_element_type3A_670, %convert_element_type3A_673 in 1 : vector<256x128xbf16>, vector<256x128xbf16> -> vector<256x256xbf16>
    %dot_general3A_675 = arith.constant dense<0.000000e+00> : vector<256x256xf32>
    %dot_general3A_676 = tpu.matmul %concatenate3A_674, %convert_element_type3A_13, %dot_general3A_675 {dimension_numbers = #tpu.dot_dimension_numbers<[1], [0], [0], [1], [0, 0, 1, 1], [], []>, transpose_lhs_hint = false} : vector<256x256xbf16>, vector<256x256xbf16>, vector<256x256xf32> -> vector<256x256xf32>
    %transpose3A_677 = tpu.transpose %exp3A_232, [1, 0] : vector<256x256xf32> -> vector<256x256xf32>
    %mul3A_678 = arith.mulf %exp3A_232, %transpose3A_677 : vector<256x256xf32>
    %gt3A_679 = arith.constant 0.000000e+00 : f32
    %gt3A_680 = vector.broadcast %gt3A_679 : f32 to vector<256x256xf32>
    %gt3A_681 = arith.cmpf ogt, %dot_general3A_676, %gt3A_680 : vector<256x256xf32>
    %jit3A_682 = arith.constant 0.000000e+00 : f32
    %broadcast_in_dim3A_683 = vector.broadcast %jit3A_682 : f32 to vector<256x256xf32>
    %select_n3A_684 = arith.select %gt3A_681, %mul3A_678, %broadcast_in_dim3A_683 : vector<256x256xi1>, vector<256x256xf32>
    %mul3A_685 = arith.mulf %select_n3A_684, %dot_general3A_676 : vector<256x256xf32>
    %add3A_686 = arith.addf %add3A_665, %mul3A_685 : vector<256x256xf32>
    %add3A_687 = arith.addf %add3A_666, %select_n3A_684 : vector<256x256xf32>
    %slice3A_688 = vector.extract_strided_slice %get3A_114 {offsets = [0, 896], sizes = [192, 128], strides = [1, 1]} : vector<192x3200xbf16> to vector<192x128xbf16>
    %dot_general3A_689 = arith.constant dense<0.000000e+00> : vector<256x128xf32>
    %dot_general3A_690 = tpu.matmul %convert_element_type3A_23, %slice3A_688, %dot_general3A_689 {dimension_numbers = #tpu.dot_dimension_numbers<[1], [0], [0], [1], [0, 0, 1, 1], [], []>, transpose_lhs_hint = false} : vector<256x192xbf16>, vector<192x128xbf16>, vector<256x128xf32> -> vector<256x128xf32>
    %convert_element_type3A_691 = arith.truncf %dot_general3A_690 : vector<256x128xf32> to vector<256x128xbf16>
    %convert_element_type3A_692 = arith.extf %convert_element_type3A_691 : vector<256x128xbf16> to vector<256x128xf32>
    %sub3A_693 = arith.subf %dot_general3A_690, %convert_element_type3A_692 : vector<256x128xf32>
    %convert_element_type3A_694 = arith.truncf %sub3A_693 : vector<256x128xf32> to vector<256x128xbf16>
    %concatenate3A_695 = tpu.concatenate %convert_element_type3A_691, %convert_element_type3A_694 in 1 : vector<256x128xbf16>, vector<256x128xbf16> -> vector<256x256xbf16>
    %dot_general3A_696 = arith.constant dense<0.000000e+00> : vector<256x256xf32>
    %dot_general3A_697 = tpu.matmul %concatenate3A_695, %convert_element_type3A_13, %dot_general3A_696 {dimension_numbers = #tpu.dot_dimension_numbers<[1], [0], [0], [1], [0, 0, 1, 1], [], []>, transpose_lhs_hint = false} : vector<256x256xbf16>, vector<256x256xbf16>, vector<256x256xf32> -> vector<256x256xf32>
    %transpose3A_698 = tpu.transpose %exp3A_317, [1, 0] : vector<256x256xf32> -> vector<256x256xf32>
    %mul3A_699 = arith.mulf %exp3A_249, %transpose3A_698 : vector<256x256xf32>
    %gt3A_700 = arith.constant 0.000000e+00 : f32
    %gt3A_701 = vector.broadcast %gt3A_700 : f32 to vector<256x256xf32>
    %gt3A_702 = arith.cmpf ogt, %dot_general3A_697, %gt3A_701 : vector<256x256xf32>
    %jit3A_703 = arith.constant 0.000000e+00 : f32
    %broadcast_in_dim3A_704 = vector.broadcast %jit3A_703 : f32 to vector<256x256xf32>
    %select_n3A_705 = arith.select %gt3A_702, %mul3A_699, %broadcast_in_dim3A_704 : vector<256x256xi1>, vector<256x256xf32>
    %mul3A_706 = arith.mulf %select_n3A_705, %dot_general3A_697 : vector<256x256xf32>
    %add3A_707 = arith.addf %add3A_686, %mul3A_706 : vector<256x256xf32>
    %add3A_708 = arith.addf %add3A_687, %select_n3A_705 : vector<256x256xf32>
    %slice3A_709 = vector.extract_strided_slice %get3A_114 {offsets = [0, 1024], sizes = [192, 128], strides = [1, 1]} : vector<192x3200xbf16> to vector<192x128xbf16>
    %dot_general3A_710 = arith.constant dense<0.000000e+00> : vector<256x128xf32>
    %dot_general3A_711 = tpu.matmul %convert_element_type3A_23, %slice3A_709, %dot_general3A_710 {dimension_numbers = #tpu.dot_dimension_numbers<[1], [0], [0], [1], [0, 0, 1, 1], [], []>, transpose_lhs_hint = false} : vector<256x192xbf16>, vector<192x128xbf16>, vector<256x128xf32> -> vector<256x128xf32>
    %convert_element_type3A_712 = arith.truncf %dot_general3A_711 : vector<256x128xf32> to vector<256x128xbf16>
    %convert_element_type3A_713 = arith.extf %convert_element_type3A_712 : vector<256x128xbf16> to vector<256x128xf32>
    %sub3A_714 = arith.subf %dot_general3A_711, %convert_element_type3A_713 : vector<256x128xf32>
    %convert_element_type3A_715 = arith.truncf %sub3A_714 : vector<256x128xf32> to vector<256x128xbf16>
    %concatenate3A_716 = tpu.concatenate %convert_element_type3A_712, %convert_element_type3A_715 in 1 : vector<256x128xbf16>, vector<256x128xbf16> -> vector<256x256xbf16>
    %dot_general3A_717 = arith.constant dense<0.000000e+00> : vector<256x256xf32>
    %dot_general3A_718 = tpu.matmul %concatenate3A_716, %convert_element_type3A_13, %dot_general3A_717 {dimension_numbers = #tpu.dot_dimension_numbers<[1], [0], [0], [1], [0, 0, 1, 1], [], []>, transpose_lhs_hint = false} : vector<256x256xbf16>, vector<256x256xbf16>, vector<256x256xf32> -> vector<256x256xf32>
    %transpose3A_719 = tpu.transpose %exp3A_402, [1, 0] : vector<256x256xf32> -> vector<256x256xf32>
    %mul3A_720 = arith.mulf %exp3A_266, %transpose3A_719 : vector<256x256xf32>
    %gt3A_721 = arith.constant 0.000000e+00 : f32
    %gt3A_722 = vector.broadcast %gt3A_721 : f32 to vector<256x256xf32>
    %gt3A_723 = arith.cmpf ogt, %dot_general3A_718, %gt3A_722 : vector<256x256xf32>
    %jit3A_724 = arith.constant 0.000000e+00 : f32
    %broadcast_in_dim3A_725 = vector.broadcast %jit3A_724 : f32 to vector<256x256xf32>
    %select_n3A_726 = arith.select %gt3A_723, %mul3A_720, %broadcast_in_dim3A_725 : vector<256x256xi1>, vector<256x256xf32>
    %mul3A_727 = arith.mulf %select_n3A_726, %dot_general3A_718 : vector<256x256xf32>
    %add3A_728 = arith.addf %add3A_707, %mul3A_727 : vector<256x256xf32>
    %add3A_729 = arith.addf %add3A_708, %select_n3A_726 : vector<256x256xf32>
    %slice3A_730 = vector.extract_strided_slice %get3A_114 {offsets = [0, 1152], sizes = [192, 128], strides = [1, 1]} : vector<192x3200xbf16> to vector<192x128xbf16>
    %dot_general3A_731 = arith.constant dense<0.000000e+00> : vector<256x128xf32>
    %dot_general3A_732 = tpu.matmul %convert_element_type3A_23, %slice3A_730, %dot_general3A_731 {dimension_numbers = #tpu.dot_dimension_numbers<[1], [0], [0], [1], [0, 0, 1, 1], [], []>, transpose_lhs_hint = false} : vector<256x192xbf16>, vector<192x128xbf16>, vector<256x128xf32> -> vector<256x128xf32>
    %convert_element_type3A_733 = arith.truncf %dot_general3A_732 : vector<256x128xf32> to vector<256x128xbf16>
    %convert_element_type3A_734 = arith.extf %convert_element_type3A_733 : vector<256x128xbf16> to vector<256x128xf32>
    %sub3A_735 = arith.subf %dot_general3A_732, %convert_element_type3A_734 : vector<256x128xf32>
    %convert_element_type3A_736 = arith.truncf %sub3A_735 : vector<256x128xf32> to vector<256x128xbf16>
    %concatenate3A_737 = tpu.concatenate %convert_element_type3A_733, %convert_element_type3A_736 in 1 : vector<256x128xbf16>, vector<256x128xbf16> -> vector<256x256xbf16>
    %dot_general3A_738 = arith.constant dense<0.000000e+00> : vector<256x256xf32>
    %dot_general3A_739 = tpu.matmul %concatenate3A_737, %convert_element_type3A_13, %dot_general3A_738 {dimension_numbers = #tpu.dot_dimension_numbers<[1], [0], [0], [1], [0, 0, 1, 1], [], []>, transpose_lhs_hint = false} : vector<256x256xbf16>, vector<256x256xbf16>, vector<256x256xf32> -> vector<256x256xf32>
    %transpose3A_740 = tpu.transpose %exp3A_487, [1, 0] : vector<256x256xf32> -> vector<256x256xf32>
    %mul3A_741 = arith.mulf %exp3A_283, %transpose3A_740 : vector<256x256xf32>
    %gt3A_742 = arith.constant 0.000000e+00 : f32
    %gt3A_743 = vector.broadcast %gt3A_742 : f32 to vector<256x256xf32>
    %gt3A_744 = arith.cmpf ogt, %dot_general3A_739, %gt3A_743 : vector<256x256xf32>
    %jit3A_745 = arith.constant 0.000000e+00 : f32
    %broadcast_in_dim3A_746 = vector.broadcast %jit3A_745 : f32 to vector<256x256xf32>
    %select_n3A_747 = arith.select %gt3A_744, %mul3A_741, %broadcast_in_dim3A_746 : vector<256x256xi1>, vector<256x256xf32>
    %mul3A_748 = arith.mulf %select_n3A_747, %dot_general3A_739 : vector<256x256xf32>
    %add3A_749 = arith.addf %add3A_728, %mul3A_748 : vector<256x256xf32>
    %add3A_750 = arith.addf %add3A_729, %select_n3A_747 : vector<256x256xf32>
    %slice3A_751 = vector.extract_strided_slice %get3A_114 {offsets = [0, 1280], sizes = [192, 128], strides = [1, 1]} : vector<192x3200xbf16> to vector<192x128xbf16>
    %dot_general3A_752 = arith.constant dense<0.000000e+00> : vector<256x128xf32>
    %dot_general3A_753 = tpu.matmul %convert_element_type3A_23, %slice3A_751, %dot_general3A_752 {dimension_numbers = #tpu.dot_dimension_numbers<[1], [0], [0], [1], [0, 0, 1, 1], [], []>, transpose_lhs_hint = false} : vector<256x192xbf16>, vector<192x128xbf16>, vector<256x128xf32> -> vector<256x128xf32>
    %convert_element_type3A_754 = arith.truncf %dot_general3A_753 : vector<256x128xf32> to vector<256x128xbf16>
    %convert_element_type3A_755 = arith.extf %convert_element_type3A_754 : vector<256x128xbf16> to vector<256x128xf32>
    %sub3A_756 = arith.subf %dot_general3A_753, %convert_element_type3A_755 : vector<256x128xf32>
    %convert_element_type3A_757 = arith.truncf %sub3A_756 : vector<256x128xf32> to vector<256x128xbf16>
    %concatenate3A_758 = tpu.concatenate %convert_element_type3A_754, %convert_element_type3A_757 in 1 : vector<256x128xbf16>, vector<256x128xbf16> -> vector<256x256xbf16>
    %dot_general3A_759 = arith.constant dense<0.000000e+00> : vector<256x256xf32>
    %dot_general3A_760 = tpu.matmul %concatenate3A_758, %convert_element_type3A_13, %dot_general3A_759 {dimension_numbers = #tpu.dot_dimension_numbers<[1], [0], [0], [1], [0, 0, 1, 1], [], []>, transpose_lhs_hint = false} : vector<256x256xbf16>, vector<256x256xbf16>, vector<256x256xf32> -> vector<256x256xf32>
    %transpose3A_761 = tpu.transpose %exp3A_164, [1, 0] : vector<256x256xf32> -> vector<256x256xf32>
    %mul3A_762 = arith.mulf %exp3A_300, %transpose3A_761 : vector<256x256xf32>
    %gt3A_763 = arith.constant 0.000000e+00 : f32
    %gt3A_764 = vector.broadcast %gt3A_763 : f32 to vector<256x256xf32>
    %gt3A_765 = arith.cmpf ogt, %dot_general3A_760, %gt3A_764 : vector<256x256xf32>
    %jit3A_766 = arith.constant 0.000000e+00 : f32
    %broadcast_in_dim3A_767 = vector.broadcast %jit3A_766 : f32 to vector<256x256xf32>
    %select_n3A_768 = arith.select %gt3A_765, %mul3A_762, %broadcast_in_dim3A_767 : vector<256x256xi1>, vector<256x256xf32>
    %mul3A_769 = arith.mulf %select_n3A_768, %dot_general3A_760 : vector<256x256xf32>
    %add3A_770 = arith.addf %add3A_749, %mul3A_769 : vector<256x256xf32>
    %add3A_771 = arith.addf %add3A_750, %select_n3A_768 : vector<256x256xf32>
    %slice3A_772 = vector.extract_strided_slice %get3A_114 {offsets = [0, 1408], sizes = [192, 128], strides = [1, 1]} : vector<192x3200xbf16> to vector<192x128xbf16>
    %dot_general3A_773 = arith.constant dense<0.000000e+00> : vector<256x128xf32>
    %dot_general3A_774 = tpu.matmul %convert_element_type3A_23, %slice3A_772, %dot_general3A_773 {dimension_numbers = #tpu.dot_dimension_numbers<[1], [0], [0], [1], [0, 0, 1, 1], [], []>, transpose_lhs_hint = false} : vector<256x192xbf16>, vector<192x128xbf16>, vector<256x128xf32> -> vector<256x128xf32>
    %convert_element_type3A_775 = arith.truncf %dot_general3A_774 : vector<256x128xf32> to vector<256x128xbf16>
    %convert_element_type3A_776 = arith.extf %convert_element_type3A_775 : vector<256x128xbf16> to vector<256x128xf32>
    %sub3A_777 = arith.subf %dot_general3A_774, %convert_element_type3A_776 : vector<256x128xf32>
    %convert_element_type3A_778 = arith.truncf %sub3A_777 : vector<256x128xf32> to vector<256x128xbf16>
    %concatenate3A_779 = tpu.concatenate %convert_element_type3A_775, %convert_element_type3A_778 in 1 : vector<256x128xbf16>, vector<256x128xbf16> -> vector<256x256xbf16>
    %dot_general3A_780 = arith.constant dense<0.000000e+00> : vector<256x256xf32>
    %dot_general3A_781 = tpu.matmul %concatenate3A_779, %convert_element_type3A_13, %dot_general3A_780 {dimension_numbers = #tpu.dot_dimension_numbers<[1], [0], [0], [1], [0, 0, 1, 1], [], []>, transpose_lhs_hint = false} : vector<256x256xbf16>, vector<256x256xbf16>, vector<256x256xf32> -> vector<256x256xf32>
    %transpose3A_782 = tpu.transpose %exp3A_249, [1, 0] : vector<256x256xf32> -> vector<256x256xf32>
    %mul3A_783 = arith.mulf %exp3A_317, %transpose3A_782 : vector<256x256xf32>
    %gt3A_784 = arith.constant 0.000000e+00 : f32
    %gt3A_785 = vector.broadcast %gt3A_784 : f32 to vector<256x256xf32>
    %gt3A_786 = arith.cmpf ogt, %dot_general3A_781, %gt3A_785 : vector<256x256xf32>
    %jit3A_787 = arith.constant 0.000000e+00 : f32
    %broadcast_in_dim3A_788 = vector.broadcast %jit3A_787 : f32 to vector<256x256xf32>
    %select_n3A_789 = arith.select %gt3A_786, %mul3A_783, %broadcast_in_dim3A_788 : vector<256x256xi1>, vector<256x256xf32>
    %mul3A_790 = arith.mulf %select_n3A_789, %dot_general3A_781 : vector<256x256xf32>
    %add3A_791 = arith.addf %add3A_770, %mul3A_790 : vector<256x256xf32>
    %add3A_792 = arith.addf %add3A_771, %select_n3A_789 : vector<256x256xf32>
    %slice3A_793 = vector.extract_strided_slice %get3A_114 {offsets = [0, 1536], sizes = [192, 128], strides = [1, 1]} : vector<192x3200xbf16> to vector<192x128xbf16>
    %dot_general3A_794 = arith.constant dense<0.000000e+00> : vector<256x128xf32>
    %dot_general3A_795 = tpu.matmul %convert_element_type3A_23, %slice3A_793, %dot_general3A_794 {dimension_numbers = #tpu.dot_dimension_numbers<[1], [0], [0], [1], [0, 0, 1, 1], [], []>, transpose_lhs_hint = false} : vector<256x192xbf16>, vector<192x128xbf16>, vector<256x128xf32> -> vector<256x128xf32>
    %convert_element_type3A_796 = arith.truncf %dot_general3A_795 : vector<256x128xf32> to vector<256x128xbf16>
    %convert_element_type3A_797 = arith.extf %convert_element_type3A_796 : vector<256x128xbf16> to vector<256x128xf32>
    %sub3A_798 = arith.subf %dot_general3A_795, %convert_element_type3A_797 : vector<256x128xf32>
    %convert_element_type3A_799 = arith.truncf %sub3A_798 : vector<256x128xf32> to vector<256x128xbf16>
    %concatenate3A_800 = tpu.concatenate %convert_element_type3A_796, %convert_element_type3A_799 in 1 : vector<256x128xbf16>, vector<256x128xbf16> -> vector<256x256xbf16>
    %dot_general3A_801 = arith.constant dense<0.000000e+00> : vector<256x256xf32>
    %dot_general3A_802 = tpu.matmul %concatenate3A_800, %convert_element_type3A_13, %dot_general3A_801 {dimension_numbers = #tpu.dot_dimension_numbers<[1], [0], [0], [1], [0, 0, 1, 1], [], []>, transpose_lhs_hint = false} : vector<256x256xbf16>, vector<256x256xbf16>, vector<256x256xf32> -> vector<256x256xf32>
    %transpose3A_803 = tpu.transpose %exp3A_334, [1, 0] : vector<256x256xf32> -> vector<256x256xf32>
    %mul3A_804 = arith.mulf %exp3A_334, %transpose3A_803 : vector<256x256xf32>
    %gt3A_805 = arith.constant 0.000000e+00 : f32
    %gt3A_806 = vector.broadcast %gt3A_805 : f32 to vector<256x256xf32>
    %gt3A_807 = arith.cmpf ogt, %dot_general3A_802, %gt3A_806 : vector<256x256xf32>
    %jit3A_808 = arith.constant 0.000000e+00 : f32
    %broadcast_in_dim3A_809 = vector.broadcast %jit3A_808 : f32 to vector<256x256xf32>
    %select_n3A_810 = arith.select %gt3A_807, %mul3A_804, %broadcast_in_dim3A_809 : vector<256x256xi1>, vector<256x256xf32>
    %mul3A_811 = arith.mulf %select_n3A_810, %dot_general3A_802 : vector<256x256xf32>
    %add3A_812 = arith.addf %add3A_791, %mul3A_811 : vector<256x256xf32>
    %add3A_813 = arith.addf %add3A_792, %select_n3A_810 : vector<256x256xf32>
    %slice3A_814 = vector.extract_strided_slice %get3A_114 {offsets = [0, 1664], sizes = [192, 128], strides = [1, 1]} : vector<192x3200xbf16> to vector<192x128xbf16>
    %dot_general3A_815 = arith.constant dense<0.000000e+00> : vector<256x128xf32>
    %dot_general3A_816 = tpu.matmul %convert_element_type3A_23, %slice3A_814, %dot_general3A_815 {dimension_numbers = #tpu.dot_dimension_numbers<[1], [0], [0], [1], [0, 0, 1, 1], [], []>, transpose_lhs_hint = false} : vector<256x192xbf16>, vector<192x128xbf16>, vector<256x128xf32> -> vector<256x128xf32>
    %convert_element_type3A_817 = arith.truncf %dot_general3A_816 : vector<256x128xf32> to vector<256x128xbf16>
    %convert_element_type3A_818 = arith.extf %convert_element_type3A_817 : vector<256x128xbf16> to vector<256x128xf32>
    %sub3A_819 = arith.subf %dot_general3A_816, %convert_element_type3A_818 : vector<256x128xf32>
    %convert_element_type3A_820 = arith.truncf %sub3A_819 : vector<256x128xf32> to vector<256x128xbf16>
    %concatenate3A_821 = tpu.concatenate %convert_element_type3A_817, %convert_element_type3A_820 in 1 : vector<256x128xbf16>, vector<256x128xbf16> -> vector<256x256xbf16>
    %dot_general3A_822 = arith.constant dense<0.000000e+00> : vector<256x256xf32>
    %dot_general3A_823 = tpu.matmul %concatenate3A_821, %convert_element_type3A_13, %dot_general3A_822 {dimension_numbers = #tpu.dot_dimension_numbers<[1], [0], [0], [1], [0, 0, 1, 1], [], []>, transpose_lhs_hint = false} : vector<256x256xbf16>, vector<256x256xbf16>, vector<256x256xf32> -> vector<256x256xf32>
    %transpose3A_824 = tpu.transpose %exp3A_419, [1, 0] : vector<256x256xf32> -> vector<256x256xf32>
    %mul3A_825 = arith.mulf %exp3A_351, %transpose3A_824 : vector<256x256xf32>
    %gt3A_826 = arith.constant 0.000000e+00 : f32
    %gt3A_827 = vector.broadcast %gt3A_826 : f32 to vector<256x256xf32>
    %gt3A_828 = arith.cmpf ogt, %dot_general3A_823, %gt3A_827 : vector<256x256xf32>
    %jit3A_829 = arith.constant 0.000000e+00 : f32
    %broadcast_in_dim3A_830 = vector.broadcast %jit3A_829 : f32 to vector<256x256xf32>
    %select_n3A_831 = arith.select %gt3A_828, %mul3A_825, %broadcast_in_dim3A_830 : vector<256x256xi1>, vector<256x256xf32>
    %mul3A_832 = arith.mulf %select_n3A_831, %dot_general3A_823 : vector<256x256xf32>
    %add3A_833 = arith.addf %add3A_812, %mul3A_832 : vector<256x256xf32>
    %add3A_834 = arith.addf %add3A_813, %select_n3A_831 : vector<256x256xf32>
    %slice3A_835 = vector.extract_strided_slice %get3A_114 {offsets = [0, 1792], sizes = [192, 128], strides = [1, 1]} : vector<192x3200xbf16> to vector<192x128xbf16>
    %dot_general3A_836 = arith.constant dense<0.000000e+00> : vector<256x128xf32>
    %dot_general3A_837 = tpu.matmul %convert_element_type3A_23, %slice3A_835, %dot_general3A_836 {dimension_numbers = #tpu.dot_dimension_numbers<[1], [0], [0], [1], [0, 0, 1, 1], [], []>, transpose_lhs_hint = false} : vector<256x192xbf16>, vector<192x128xbf16>, vector<256x128xf32> -> vector<256x128xf32>
    %convert_element_type3A_838 = arith.truncf %dot_general3A_837 : vector<256x128xf32> to vector<256x128xbf16>
    %convert_element_type3A_839 = arith.extf %convert_element_type3A_838 : vector<256x128xbf16> to vector<256x128xf32>
    %sub3A_840 = arith.subf %dot_general3A_837, %convert_element_type3A_839 : vector<256x128xf32>
    %convert_element_type3A_841 = arith.truncf %sub3A_840 : vector<256x128xf32> to vector<256x128xbf16>
    %concatenate3A_842 = tpu.concatenate %convert_element_type3A_838, %convert_element_type3A_841 in 1 : vector<256x128xbf16>, vector<256x128xbf16> -> vector<256x256xbf16>
    %dot_general3A_843 = arith.constant dense<0.000000e+00> : vector<256x256xf32>
    %dot_general3A_844 = tpu.matmul %concatenate3A_842, %convert_element_type3A_13, %dot_general3A_843 {dimension_numbers = #tpu.dot_dimension_numbers<[1], [0], [0], [1], [0, 0, 1, 1], [], []>, transpose_lhs_hint = false} : vector<256x256xbf16>, vector<256x256xbf16>, vector<256x256xf32> -> vector<256x256xf32>
    %transpose3A_845 = tpu.transpose %exp3A_504, [1, 0] : vector<256x256xf32> -> vector<256x256xf32>
    %mul3A_846 = arith.mulf %exp3A_368, %transpose3A_845 : vector<256x256xf32>
    %gt3A_847 = arith.constant 0.000000e+00 : f32
    %gt3A_848 = vector.broadcast %gt3A_847 : f32 to vector<256x256xf32>
    %gt3A_849 = arith.cmpf ogt, %dot_general3A_844, %gt3A_848 : vector<256x256xf32>
    %jit3A_850 = arith.constant 0.000000e+00 : f32
    %broadcast_in_dim3A_851 = vector.broadcast %jit3A_850 : f32 to vector<256x256xf32>
    %select_n3A_852 = arith.select %gt3A_849, %mul3A_846, %broadcast_in_dim3A_851 : vector<256x256xi1>, vector<256x256xf32>
    %mul3A_853 = arith.mulf %select_n3A_852, %dot_general3A_844 : vector<256x256xf32>
    %add3A_854 = arith.addf %add3A_833, %mul3A_853 : vector<256x256xf32>
    %add3A_855 = arith.addf %add3A_834, %select_n3A_852 : vector<256x256xf32>
    %slice3A_856 = vector.extract_strided_slice %get3A_114 {offsets = [0, 1920], sizes = [192, 128], strides = [1, 1]} : vector<192x3200xbf16> to vector<192x128xbf16>
    %dot_general3A_857 = arith.constant dense<0.000000e+00> : vector<256x128xf32>
    %dot_general3A_858 = tpu.matmul %convert_element_type3A_23, %slice3A_856, %dot_general3A_857 {dimension_numbers = #tpu.dot_dimension_numbers<[1], [0], [0], [1], [0, 0, 1, 1], [], []>, transpose_lhs_hint = false} : vector<256x192xbf16>, vector<192x128xbf16>, vector<256x128xf32> -> vector<256x128xf32>
    %convert_element_type3A_859 = arith.truncf %dot_general3A_858 : vector<256x128xf32> to vector<256x128xbf16>
    %convert_element_type3A_860 = arith.extf %convert_element_type3A_859 : vector<256x128xbf16> to vector<256x128xf32>
    %sub3A_861 = arith.subf %dot_general3A_858, %convert_element_type3A_860 : vector<256x128xf32>
    %convert_element_type3A_862 = arith.truncf %sub3A_861 : vector<256x128xf32> to vector<256x128xbf16>
    %concatenate3A_863 = tpu.concatenate %convert_element_type3A_859, %convert_element_type3A_862 in 1 : vector<256x128xbf16>, vector<256x128xbf16> -> vector<256x256xbf16>
    %dot_general3A_864 = arith.constant dense<0.000000e+00> : vector<256x256xf32>
    %dot_general3A_865 = tpu.matmul %concatenate3A_863, %convert_element_type3A_13, %dot_general3A_864 {dimension_numbers = #tpu.dot_dimension_numbers<[1], [0], [0], [1], [0, 0, 1, 1], [], []>, transpose_lhs_hint = false} : vector<256x256xbf16>, vector<256x256xbf16>, vector<256x256xf32> -> vector<256x256xf32>
    %transpose3A_866 = tpu.transpose %exp3A_181, [1, 0] : vector<256x256xf32> -> vector<256x256xf32>
    %mul3A_867 = arith.mulf %exp3A_385, %transpose3A_866 : vector<256x256xf32>
    %gt3A_868 = arith.constant 0.000000e+00 : f32
    %gt3A_869 = vector.broadcast %gt3A_868 : f32 to vector<256x256xf32>
    %gt3A_870 = arith.cmpf ogt, %dot_general3A_865, %gt3A_869 : vector<256x256xf32>
    %jit3A_871 = arith.constant 0.000000e+00 : f32
    %broadcast_in_dim3A_872 = vector.broadcast %jit3A_871 : f32 to vector<256x256xf32>
    %select_n3A_873 = arith.select %gt3A_870, %mul3A_867, %broadcast_in_dim3A_872 : vector<256x256xi1>, vector<256x256xf32>
    %mul3A_874 = arith.mulf %select_n3A_873, %dot_general3A_865 : vector<256x256xf32>
    %add3A_875 = arith.addf %add3A_854, %mul3A_874 : vector<256x256xf32>
    %add3A_876 = arith.addf %add3A_855, %select_n3A_873 : vector<256x256xf32>
    %slice3A_877 = vector.extract_strided_slice %get3A_114 {offsets = [0, 2048], sizes = [192, 128], strides = [1, 1]} : vector<192x3200xbf16> to vector<192x128xbf16>
    %dot_general3A_878 = arith.constant dense<0.000000e+00> : vector<256x128xf32>
    %dot_general3A_879 = tpu.matmul %convert_element_type3A_23, %slice3A_877, %dot_general3A_878 {dimension_numbers = #tpu.dot_dimension_numbers<[1], [0], [0], [1], [0, 0, 1, 1], [], []>, transpose_lhs_hint = false} : vector<256x192xbf16>, vector<192x128xbf16>, vector<256x128xf32> -> vector<256x128xf32>
    %convert_element_type3A_880 = arith.truncf %dot_general3A_879 : vector<256x128xf32> to vector<256x128xbf16>
    %convert_element_type3A_881 = arith.extf %convert_element_type3A_880 : vector<256x128xbf16> to vector<256x128xf32>
    %sub3A_882 = arith.subf %dot_general3A_879, %convert_element_type3A_881 : vector<256x128xf32>
    %convert_element_type3A_883 = arith.truncf %sub3A_882 : vector<256x128xf32> to vector<256x128xbf16>
    %concatenate3A_884 = tpu.concatenate %convert_element_type3A_880, %convert_element_type3A_883 in 1 : vector<256x128xbf16>, vector<256x128xbf16> -> vector<256x256xbf16>
    %dot_general3A_885 = arith.constant dense<0.000000e+00> : vector<256x256xf32>
    %dot_general3A_886 = tpu.matmul %concatenate3A_884, %convert_element_type3A_13, %dot_general3A_885 {dimension_numbers = #tpu.dot_dimension_numbers<[1], [0], [0], [1], [0, 0, 1, 1], [], []>, transpose_lhs_hint = false} : vector<256x256xbf16>, vector<256x256xbf16>, vector<256x256xf32> -> vector<256x256xf32>
    %transpose3A_887 = tpu.transpose %exp3A_266, [1, 0] : vector<256x256xf32> -> vector<256x256xf32>
    %mul3A_888 = arith.mulf %exp3A_402, %transpose3A_887 : vector<256x256xf32>
    %gt3A_889 = arith.constant 0.000000e+00 : f32
    %gt3A_890 = vector.broadcast %gt3A_889 : f32 to vector<256x256xf32>
    %gt3A_891 = arith.cmpf ogt, %dot_general3A_886, %gt3A_890 : vector<256x256xf32>
    %jit3A_892 = arith.constant 0.000000e+00 : f32
    %broadcast_in_dim3A_893 = vector.broadcast %jit3A_892 : f32 to vector<256x256xf32>
    %select_n3A_894 = arith.select %gt3A_891, %mul3A_888, %broadcast_in_dim3A_893 : vector<256x256xi1>, vector<256x256xf32>
    %mul3A_895 = arith.mulf %select_n3A_894, %dot_general3A_886 : vector<256x256xf32>
    %add3A_896 = arith.addf %add3A_875, %mul3A_895 : vector<256x256xf32>
    %add3A_897 = arith.addf %add3A_876, %select_n3A_894 : vector<256x256xf32>
    %slice3A_898 = vector.extract_strided_slice %get3A_114 {offsets = [0, 2176], sizes = [192, 128], strides = [1, 1]} : vector<192x3200xbf16> to vector<192x128xbf16>
    %dot_general3A_899 = arith.constant dense<0.000000e+00> : vector<256x128xf32>
    %dot_general3A_900 = tpu.matmul %convert_element_type3A_23, %slice3A_898, %dot_general3A_899 {dimension_numbers = #tpu.dot_dimension_numbers<[1], [0], [0], [1], [0, 0, 1, 1], [], []>, transpose_lhs_hint = false} : vector<256x192xbf16>, vector<192x128xbf16>, vector<256x128xf32> -> vector<256x128xf32>
    %convert_element_type3A_901 = arith.truncf %dot_general3A_900 : vector<256x128xf32> to vector<256x128xbf16>
    %convert_element_type3A_902 = arith.extf %convert_element_type3A_901 : vector<256x128xbf16> to vector<256x128xf32>
    %sub3A_903 = arith.subf %dot_general3A_900, %convert_element_type3A_902 : vector<256x128xf32>
    %convert_element_type3A_904 = arith.truncf %sub3A_903 : vector<256x128xf32> to vector<256x128xbf16>
    %concatenate3A_905 = tpu.concatenate %convert_element_type3A_901, %convert_element_type3A_904 in 1 : vector<256x128xbf16>, vector<256x128xbf16> -> vector<256x256xbf16>
    %dot_general3A_906 = arith.constant dense<0.000000e+00> : vector<256x256xf32>
    %dot_general3A_907 = tpu.matmul %concatenate3A_905, %convert_element_type3A_13, %dot_general3A_906 {dimension_numbers = #tpu.dot_dimension_numbers<[1], [0], [0], [1], [0, 0, 1, 1], [], []>, transpose_lhs_hint = false} : vector<256x256xbf16>, vector<256x256xbf16>, vector<256x256xf32> -> vector<256x256xf32>
    %transpose3A_908 = tpu.transpose %exp3A_351, [1, 0] : vector<256x256xf32> -> vector<256x256xf32>
    %mul3A_909 = arith.mulf %exp3A_419, %transpose3A_908 : vector<256x256xf32>
    %gt3A_910 = arith.constant 0.000000e+00 : f32
    %gt3A_911 = vector.broadcast %gt3A_910 : f32 to vector<256x256xf32>
    %gt3A_912 = arith.cmpf ogt, %dot_general3A_907, %gt3A_911 : vector<256x256xf32>
    %jit3A_913 = arith.constant 0.000000e+00 : f32
    %broadcast_in_dim3A_914 = vector.broadcast %jit3A_913 : f32 to vector<256x256xf32>
    %select_n3A_915 = arith.select %gt3A_912, %mul3A_909, %broadcast_in_dim3A_914 : vector<256x256xi1>, vector<256x256xf32>
    %mul3A_916 = arith.mulf %select_n3A_915, %dot_general3A_907 : vector<256x256xf32>
    %add3A_917 = arith.addf %add3A_896, %mul3A_916 : vector<256x256xf32>
    %add3A_918 = arith.addf %add3A_897, %select_n3A_915 : vector<256x256xf32>
    %slice3A_919 = vector.extract_strided_slice %get3A_114 {offsets = [0, 2304], sizes = [192, 128], strides = [1, 1]} : vector<192x3200xbf16> to vector<192x128xbf16>
    %dot_general3A_920 = arith.constant dense<0.000000e+00> : vector<256x128xf32>
    %dot_general3A_921 = tpu.matmul %convert_element_type3A_23, %slice3A_919, %dot_general3A_920 {dimension_numbers = #tpu.dot_dimension_numbers<[1], [0], [0], [1], [0, 0, 1, 1], [], []>, transpose_lhs_hint = false} : vector<256x192xbf16>, vector<192x128xbf16>, vector<256x128xf32> -> vector<256x128xf32>
    %convert_element_type3A_922 = arith.truncf %dot_general3A_921 : vector<256x128xf32> to vector<256x128xbf16>
    %convert_element_type3A_923 = arith.extf %convert_element_type3A_922 : vector<256x128xbf16> to vector<256x128xf32>
    %sub3A_924 = arith.subf %dot_general3A_921, %convert_element_type3A_923 : vector<256x128xf32>
    %convert_element_type3A_925 = arith.truncf %sub3A_924 : vector<256x128xf32> to vector<256x128xbf16>
    %concatenate3A_926 = tpu.concatenate %convert_element_type3A_922, %convert_element_type3A_925 in 1 : vector<256x128xbf16>, vector<256x128xbf16> -> vector<256x256xbf16>
    %dot_general3A_927 = arith.constant dense<0.000000e+00> : vector<256x256xf32>
    %dot_general3A_928 = tpu.matmul %concatenate3A_926, %convert_element_type3A_13, %dot_general3A_927 {dimension_numbers = #tpu.dot_dimension_numbers<[1], [0], [0], [1], [0, 0, 1, 1], [], []>, transpose_lhs_hint = false} : vector<256x256xbf16>, vector<256x256xbf16>, vector<256x256xf32> -> vector<256x256xf32>
    %transpose3A_929 = tpu.transpose %exp3A_436, [1, 0] : vector<256x256xf32> -> vector<256x256xf32>
    %mul3A_930 = arith.mulf %exp3A_436, %transpose3A_929 : vector<256x256xf32>
    %gt3A_931 = arith.constant 0.000000e+00 : f32
    %gt3A_932 = vector.broadcast %gt3A_931 : f32 to vector<256x256xf32>
    %gt3A_933 = arith.cmpf ogt, %dot_general3A_928, %gt3A_932 : vector<256x256xf32>
    %jit3A_934 = arith.constant 0.000000e+00 : f32
    %broadcast_in_dim3A_935 = vector.broadcast %jit3A_934 : f32 to vector<256x256xf32>
    %select_n3A_936 = arith.select %gt3A_933, %mul3A_930, %broadcast_in_dim3A_935 : vector<256x256xi1>, vector<256x256xf32>
    %mul3A_937 = arith.mulf %select_n3A_936, %dot_general3A_928 : vector<256x256xf32>
    %add3A_938 = arith.addf %add3A_917, %mul3A_937 : vector<256x256xf32>
    %add3A_939 = arith.addf %add3A_918, %select_n3A_936 : vector<256x256xf32>
    %slice3A_940 = vector.extract_strided_slice %get3A_114 {offsets = [0, 2432], sizes = [192, 128], strides = [1, 1]} : vector<192x3200xbf16> to vector<192x128xbf16>
    %dot_general3A_941 = arith.constant dense<0.000000e+00> : vector<256x128xf32>
    %dot_general3A_942 = tpu.matmul %convert_element_type3A_23, %slice3A_940, %dot_general3A_941 {dimension_numbers = #tpu.dot_dimension_numbers<[1], [0], [0], [1], [0, 0, 1, 1], [], []>, transpose_lhs_hint = false} : vector<256x192xbf16>, vector<192x128xbf16>, vector<256x128xf32> -> vector<256x128xf32>
    %convert_element_type3A_943 = arith.truncf %dot_general3A_942 : vector<256x128xf32> to vector<256x128xbf16>
    %convert_element_type3A_944 = arith.extf %convert_element_type3A_943 : vector<256x128xbf16> to vector<256x128xf32>
    %sub3A_945 = arith.subf %dot_general3A_942, %convert_element_type3A_944 : vector<256x128xf32>
    %convert_element_type3A_946 = arith.truncf %sub3A_945 : vector<256x128xf32> to vector<256x128xbf16>
    %concatenate3A_947 = tpu.concatenate %convert_element_type3A_943, %convert_element_type3A_946 in 1 : vector<256x128xbf16>, vector<256x128xbf16> -> vector<256x256xbf16>
    %dot_general3A_948 = arith.constant dense<0.000000e+00> : vector<256x256xf32>
    %dot_general3A_949 = tpu.matmul %concatenate3A_947, %convert_element_type3A_13, %dot_general3A_948 {dimension_numbers = #tpu.dot_dimension_numbers<[1], [0], [0], [1], [0, 0, 1, 1], [], []>, transpose_lhs_hint = false} : vector<256x256xbf16>, vector<256x256xbf16>, vector<256x256xf32> -> vector<256x256xf32>
    %transpose3A_950 = tpu.transpose %exp3A_521, [1, 0] : vector<256x256xf32> -> vector<256x256xf32>
    %mul3A_951 = arith.mulf %exp3A_453, %transpose3A_950 : vector<256x256xf32>
    %gt3A_952 = arith.constant 0.000000e+00 : f32
    %gt3A_953 = vector.broadcast %gt3A_952 : f32 to vector<256x256xf32>
    %gt3A_954 = arith.cmpf ogt, %dot_general3A_949, %gt3A_953 : vector<256x256xf32>
    %jit3A_955 = arith.constant 0.000000e+00 : f32
    %broadcast_in_dim3A_956 = vector.broadcast %jit3A_955 : f32 to vector<256x256xf32>
    %select_n3A_957 = arith.select %gt3A_954, %mul3A_951, %broadcast_in_dim3A_956 : vector<256x256xi1>, vector<256x256xf32>
    %mul3A_958 = arith.mulf %select_n3A_957, %dot_general3A_949 : vector<256x256xf32>
    %add3A_959 = arith.addf %add3A_938, %mul3A_958 : vector<256x256xf32>
    %add3A_960 = arith.addf %add3A_939, %select_n3A_957 : vector<256x256xf32>
    %slice3A_961 = vector.extract_strided_slice %get3A_114 {offsets = [0, 2560], sizes = [192, 128], strides = [1, 1]} : vector<192x3200xbf16> to vector<192x128xbf16>
    %dot_general3A_962 = arith.constant dense<0.000000e+00> : vector<256x128xf32>
    %dot_general3A_963 = tpu.matmul %convert_element_type3A_23, %slice3A_961, %dot_general3A_962 {dimension_numbers = #tpu.dot_dimension_numbers<[1], [0], [0], [1], [0, 0, 1, 1], [], []>, transpose_lhs_hint = false} : vector<256x192xbf16>, vector<192x128xbf16>, vector<256x128xf32> -> vector<256x128xf32>
    %convert_element_type3A_964 = arith.truncf %dot_general3A_963 : vector<256x128xf32> to vector<256x128xbf16>
    %convert_element_type3A_965 = arith.extf %convert_element_type3A_964 : vector<256x128xbf16> to vector<256x128xf32>
    %sub3A_966 = arith.subf %dot_general3A_963, %convert_element_type3A_965 : vector<256x128xf32>
    %convert_element_type3A_967 = arith.truncf %sub3A_966 : vector<256x128xf32> to vector<256x128xbf16>
    %concatenate3A_968 = tpu.concatenate %convert_element_type3A_964, %convert_element_type3A_967 in 1 : vector<256x128xbf16>, vector<256x128xbf16> -> vector<256x256xbf16>
    %dot_general3A_969 = arith.constant dense<0.000000e+00> : vector<256x256xf32>
    %dot_general3A_970 = tpu.matmul %concatenate3A_968, %convert_element_type3A_13, %dot_general3A_969 {dimension_numbers = #tpu.dot_dimension_numbers<[1], [0], [0], [1], [0, 0, 1, 1], [], []>, transpose_lhs_hint = false} : vector<256x256xbf16>, vector<256x256xbf16>, vector<256x256xf32> -> vector<256x256xf32>
    %transpose3A_971 = tpu.transpose %exp3A_198, [1, 0] : vector<256x256xf32> -> vector<256x256xf32>
    %mul3A_972 = arith.mulf %exp3A_470, %transpose3A_971 : vector<256x256xf32>
    %gt3A_973 = arith.constant 0.000000e+00 : f32
    %gt3A_974 = vector.broadcast %gt3A_973 : f32 to vector<256x256xf32>
    %gt3A_975 = arith.cmpf ogt, %dot_general3A_970, %gt3A_974 : vector<256x256xf32>
    %jit3A_976 = arith.constant 0.000000e+00 : f32
    %broadcast_in_dim3A_977 = vector.broadcast %jit3A_976 : f32 to vector<256x256xf32>
    %select_n3A_978 = arith.select %gt3A_975, %mul3A_972, %broadcast_in_dim3A_977 : vector<256x256xi1>, vector<256x256xf32>
    %mul3A_979 = arith.mulf %select_n3A_978, %dot_general3A_970 : vector<256x256xf32>
    %add3A_980 = arith.addf %add3A_959, %mul3A_979 : vector<256x256xf32>
    %add3A_981 = arith.addf %add3A_960, %select_n3A_978 : vector<256x256xf32>
    %slice3A_982 = vector.extract_strided_slice %get3A_114 {offsets = [0, 2688], sizes = [192, 128], strides = [1, 1]} : vector<192x3200xbf16> to vector<192x128xbf16>
    %dot_general3A_983 = arith.constant dense<0.000000e+00> : vector<256x128xf32>
    %dot_general3A_984 = tpu.matmul %convert_element_type3A_23, %slice3A_982, %dot_general3A_983 {dimension_numbers = #tpu.dot_dimension_numbers<[1], [0], [0], [1], [0, 0, 1, 1], [], []>, transpose_lhs_hint = false} : vector<256x192xbf16>, vector<192x128xbf16>, vector<256x128xf32> -> vector<256x128xf32>
    %convert_element_type3A_985 = arith.truncf %dot_general3A_984 : vector<256x128xf32> to vector<256x128xbf16>
    %convert_element_type3A_986 = arith.extf %convert_element_type3A_985 : vector<256x128xbf16> to vector<256x128xf32>
    %sub3A_987 = arith.subf %dot_general3A_984, %convert_element_type3A_986 : vector<256x128xf32>
    %convert_element_type3A_988 = arith.truncf %sub3A_987 : vector<256x128xf32> to vector<256x128xbf16>
    %concatenate3A_989 = tpu.concatenate %convert_element_type3A_985, %convert_element_type3A_988 in 1 : vector<256x128xbf16>, vector<256x128xbf16> -> vector<256x256xbf16>
    %dot_general3A_990 = arith.constant dense<0.000000e+00> : vector<256x256xf32>
    %dot_general3A_991 = tpu.matmul %concatenate3A_989, %convert_element_type3A_13, %dot_general3A_990 {dimension_numbers = #tpu.dot_dimension_numbers<[1], [0], [0], [1], [0, 0, 1, 1], [], []>, transpose_lhs_hint = false} : vector<256x256xbf16>, vector<256x256xbf16>, vector<256x256xf32> -> vector<256x256xf32>
    %transpose3A_992 = tpu.transpose %exp3A_283, [1, 0] : vector<256x256xf32> -> vector<256x256xf32>
    %mul3A_993 = arith.mulf %exp3A_487, %transpose3A_992 : vector<256x256xf32>
    %gt3A_994 = arith.constant 0.000000e+00 : f32
    %gt3A_995 = vector.broadcast %gt3A_994 : f32 to vector<256x256xf32>
    %gt3A_996 = arith.cmpf ogt, %dot_general3A_991, %gt3A_995 : vector<256x256xf32>
    %jit3A_997 = arith.constant 0.000000e+00 : f32
    %broadcast_in_dim3A_998 = vector.broadcast %jit3A_997 : f32 to vector<256x256xf32>
    %select_n3A_999 = arith.select %gt3A_996, %mul3A_993, %broadcast_in_dim3A_998 : vector<256x256xi1>, vector<256x256xf32>
    %mul3A_1000 = arith.mulf %select_n3A_999, %dot_general3A_991 : vector<256x256xf32>
    %add3A_1001 = arith.addf %add3A_980, %mul3A_1000 : vector<256x256xf32>
    %add3A_1002 = arith.addf %add3A_981, %select_n3A_999 : vector<256x256xf32>
    %slice3A_1003 = vector.extract_strided_slice %get3A_114 {offsets = [0, 2816], sizes = [192, 128], strides = [1, 1]} : vector<192x3200xbf16> to vector<192x128xbf16>
    %dot_general3A_1004 = arith.constant dense<0.000000e+00> : vector<256x128xf32>
    %dot_general3A_1005 = tpu.matmul %convert_element_type3A_23, %slice3A_1003, %dot_general3A_1004 {dimension_numbers = #tpu.dot_dimension_numbers<[1], [0], [0], [1], [0, 0, 1, 1], [], []>, transpose_lhs_hint = false} : vector<256x192xbf16>, vector<192x128xbf16>, vector<256x128xf32> -> vector<256x128xf32>
    %convert_element_type3A_1006 = arith.truncf %dot_general3A_1005 : vector<256x128xf32> to vector<256x128xbf16>
    %convert_element_type3A_1007 = arith.extf %convert_element_type3A_1006 : vector<256x128xbf16> to vector<256x128xf32>
    %sub3A_1008 = arith.subf %dot_general3A_1005, %convert_element_type3A_1007 : vector<256x128xf32>
    %convert_element_type3A_1009 = arith.truncf %sub3A_1008 : vector<256x128xf32> to vector<256x128xbf16>
    %concatenate3A_1010 = tpu.concatenate %convert_element_type3A_1006, %convert_element_type3A_1009 in 1 : vector<256x128xbf16>, vector<256x128xbf16> -> vector<256x256xbf16>
    %dot_general3A_1011 = arith.constant dense<0.000000e+00> : vector<256x256xf32>
    %dot_general3A_1012 = tpu.matmul %concatenate3A_1010, %convert_element_type3A_13, %dot_general3A_1011 {dimension_numbers = #tpu.dot_dimension_numbers<[1], [0], [0], [1], [0, 0, 1, 1], [], []>, transpose_lhs_hint = false} : vector<256x256xbf16>, vector<256x256xbf16>, vector<256x256xf32> -> vector<256x256xf32>
    %transpose3A_1013 = tpu.transpose %exp3A_368, [1, 0] : vector<256x256xf32> -> vector<256x256xf32>
    %mul3A_1014 = arith.mulf %exp3A_504, %transpose3A_1013 : vector<256x256xf32>
    %gt3A_1015 = arith.constant 0.000000e+00 : f32
    %gt3A_1016 = vector.broadcast %gt3A_1015 : f32 to vector<256x256xf32>
    %gt3A_1017 = arith.cmpf ogt, %dot_general3A_1012, %gt3A_1016 : vector<256x256xf32>
    %jit3A_1018 = arith.constant 0.000000e+00 : f32
    %broadcast_in_dim3A_1019 = vector.broadcast %jit3A_1018 : f32 to vector<256x256xf32>
    %select_n3A_1020 = arith.select %gt3A_1017, %mul3A_1014, %broadcast_in_dim3A_1019 : vector<256x256xi1>, vector<256x256xf32>
    %mul3A_1021 = arith.mulf %select_n3A_1020, %dot_general3A_1012 : vector<256x256xf32>
    %add3A_1022 = arith.addf %add3A_1001, %mul3A_1021 : vector<256x256xf32>
    %add3A_1023 = arith.addf %add3A_1002, %select_n3A_1020 : vector<256x256xf32>
    %slice3A_1024 = vector.extract_strided_slice %get3A_114 {offsets = [0, 2944], sizes = [192, 128], strides = [1, 1]} : vector<192x3200xbf16> to vector<192x128xbf16>
    %dot_general3A_1025 = arith.constant dense<0.000000e+00> : vector<256x128xf32>
    %dot_general3A_1026 = tpu.matmul %convert_element_type3A_23, %slice3A_1024, %dot_general3A_1025 {dimension_numbers = #tpu.dot_dimension_numbers<[1], [0], [0], [1], [0, 0, 1, 1], [], []>, transpose_lhs_hint = false} : vector<256x192xbf16>, vector<192x128xbf16>, vector<256x128xf32> -> vector<256x128xf32>
    %convert_element_type3A_1027 = arith.truncf %dot_general3A_1026 : vector<256x128xf32> to vector<256x128xbf16>
    %convert_element_type3A_1028 = arith.extf %convert_element_type3A_1027 : vector<256x128xbf16> to vector<256x128xf32>
    %sub3A_1029 = arith.subf %dot_general3A_1026, %convert_element_type3A_1028 : vector<256x128xf32>
    %convert_element_type3A_1030 = arith.truncf %sub3A_1029 : vector<256x128xf32> to vector<256x128xbf16>
    %concatenate3A_1031 = tpu.concatenate %convert_element_type3A_1027, %convert_element_type3A_1030 in 1 : vector<256x128xbf16>, vector<256x128xbf16> -> vector<256x256xbf16>
    %dot_general3A_1032 = arith.constant dense<0.000000e+00> : vector<256x256xf32>
    %dot_general3A_1033 = tpu.matmul %concatenate3A_1031, %convert_element_type3A_13, %dot_general3A_1032 {dimension_numbers = #tpu.dot_dimension_numbers<[1], [0], [0], [1], [0, 0, 1, 1], [], []>, transpose_lhs_hint = false} : vector<256x256xbf16>, vector<256x256xbf16>, vector<256x256xf32> -> vector<256x256xf32>
    %transpose3A_1034 = tpu.transpose %exp3A_453, [1, 0] : vector<256x256xf32> -> vector<256x256xf32>
    %mul3A_1035 = arith.mulf %exp3A_521, %transpose3A_1034 : vector<256x256xf32>
    %gt3A_1036 = arith.constant 0.000000e+00 : f32
    %gt3A_1037 = vector.broadcast %gt3A_1036 : f32 to vector<256x256xf32>
    %gt3A_1038 = arith.cmpf ogt, %dot_general3A_1033, %gt3A_1037 : vector<256x256xf32>
    %jit3A_1039 = arith.constant 0.000000e+00 : f32
    %broadcast_in_dim3A_1040 = vector.broadcast %jit3A_1039 : f32 to vector<256x256xf32>
    %select_n3A_1041 = arith.select %gt3A_1038, %mul3A_1035, %broadcast_in_dim3A_1040 : vector<256x256xi1>, vector<256x256xf32>
    %mul3A_1042 = arith.mulf %select_n3A_1041, %dot_general3A_1033 : vector<256x256xf32>
    %add3A_1043 = arith.addf %add3A_1022, %mul3A_1042 : vector<256x256xf32>
    %add3A_1044 = arith.addf %add3A_1023, %select_n3A_1041 : vector<256x256xf32>
    %slice3A_1045 = vector.extract_strided_slice %get3A_114 {offsets = [0, 3072], sizes = [192, 128], strides = [1, 1]} : vector<192x3200xbf16> to vector<192x128xbf16>
    %dot_general3A_1046 = arith.constant dense<0.000000e+00> : vector<256x128xf32>
    %dot_general3A_1047 = tpu.matmul %convert_element_type3A_23, %slice3A_1045, %dot_general3A_1046 {dimension_numbers = #tpu.dot_dimension_numbers<[1], [0], [0], [1], [0, 0, 1, 1], [], []>, transpose_lhs_hint = false} : vector<256x192xbf16>, vector<192x128xbf16>, vector<256x128xf32> -> vector<256x128xf32>
    %convert_element_type3A_1048 = arith.truncf %dot_general3A_1047 : vector<256x128xf32> to vector<256x128xbf16>
    %convert_element_type3A_1049 = arith.extf %convert_element_type3A_1048 : vector<256x128xbf16> to vector<256x128xf32>
    %sub3A_1050 = arith.subf %dot_general3A_1047, %convert_element_type3A_1049 : vector<256x128xf32>
    %convert_element_type3A_1051 = arith.truncf %sub3A_1050 : vector<256x128xf32> to vector<256x128xbf16>
    %concatenate3A_1052 = tpu.concatenate %convert_element_type3A_1048, %convert_element_type3A_1051 in 1 : vector<256x128xbf16>, vector<256x128xbf16> -> vector<256x256xbf16>
    %dot_general3A_1053 = arith.constant dense<0.000000e+00> : vector<256x256xf32>
    %dot_general3A_1054 = tpu.matmul %concatenate3A_1052, %convert_element_type3A_13, %dot_general3A_1053 {dimension_numbers = #tpu.dot_dimension_numbers<[1], [0], [0], [1], [0, 0, 1, 1], [], []>, transpose_lhs_hint = false} : vector<256x256xbf16>, vector<256x256xbf16>, vector<256x256xf32> -> vector<256x256xf32>
    %transpose3A_1055 = tpu.transpose %exp3A_538, [1, 0] : vector<256x256xf32> -> vector<256x256xf32>
    %mul3A_1056 = arith.mulf %exp3A_538, %transpose3A_1055 : vector<256x256xf32>
    %gt3A_1057 = arith.constant 0.000000e+00 : f32
    %gt3A_1058 = vector.broadcast %gt3A_1057 : f32 to vector<256x256xf32>
    %gt3A_1059 = arith.cmpf ogt, %dot_general3A_1054, %gt3A_1058 : vector<256x256xf32>
    %jit3A_1060 = arith.constant 0.000000e+00 : f32
    %broadcast_in_dim3A_1061 = vector.broadcast %jit3A_1060 : f32 to vector<256x256xf32>
    %select_n3A_1062 = arith.select %gt3A_1059, %mul3A_1056, %broadcast_in_dim3A_1061 : vector<256x256xi1>, vector<256x256xf32>
    %mul3A_1063 = arith.mulf %select_n3A_1062, %dot_general3A_1054 : vector<256x256xf32>
    %add3A_1064 = arith.addf %add3A_1043, %mul3A_1063 : vector<256x256xf32>
    %add3A_1065 = arith.addf %add3A_1044, %select_n3A_1062 : vector<256x256xf32>
    %add3A_1066 = arith.constant 9.99999996E-13 : f32
    %add3A_1067 = vector.broadcast %add3A_1066 : f32 to vector<256x256xf32>
    %add3A_1068 = arith.addf %add3A_1065, %add3A_1067 : vector<256x256xf32>
    %div3A_1069 = arith.divf %add3A_1064, %add3A_1068 : vector<256x256xf32>
    %mul3A_1070 = arith.constant 3.000000e+00 : f32
    %mul3A_1071 = vector.broadcast %mul3A_1070 : f32 to vector<256x1xf32>
    %mul3A_1072 = arith.mulf %mul3A_1071, %slice3A_28 : vector<256x1xf32>
    %mul3A_1073 = vector.broadcast %mul3A_1072 : vector<256x1xf32> to vector<256x256xf32>
    %mul3A_1074 = vector.broadcast %slice3A_35 : vector<1x256xf32> to vector<256x256xf32>
    %mul3A_1075 = arith.mulf %mul3A_1073, %mul3A_1074 : vector<256x256xf32>
    %mul3A_1076 = arith.mulf %div3A_1069, %mul3A_1075 : vector<256x256xf32>
    %sqrt3A_1077 = math.sqrt %mul3A_1075 : vector<256x256xf32>
    %mul3A_1078 = arith.constant 4.289000e-01 : f32
    %mul3A_1079 = vector.broadcast %mul3A_1078 : f32 to vector<256x256xf32>
    %mul3A_1080 = arith.mulf %mul3A_1079, %sqrt3A_1077 : vector<256x256xf32>
    %add3A_1081 = arith.constant 4.440700e+00 : f32
    %add3A_1082 = vector.broadcast %add3A_1081 : f32 to vector<256x256xf32>
    %add3A_1083 = arith.addf %mul3A_1080, %add3A_1082 : vector<256x256xf32>
    %mul3A_1084 = arith.mulf %add3A_1083, %add3A_1083 : vector<256x256xf32>
    %mul3A_1085 = arith.mulf %mul3A_1084, %mul3A_1084 : vector<256x256xf32>
    %mul3A_1086 = arith.mulf %mul3A_1085, %mul3A_1084 : vector<256x256xf32>
    %mul3A_1087 = arith.mulf %mul3A_1086, %mul3A_1084 : vector<256x256xf32>
    %mul3A_1088 = arith.mulf %select_n3A_84, %select_n3A_84 : vector<256x256xf32>
    %mul3A_1089 = arith.mulf %mul3A_1088, %select_n3A_84 : vector<256x256xf32>
    %mul3A_1090 = arith.mulf %mul3A_1089, %select_n3A_84 : vector<256x256xf32>
    %mul3A_1091 = arith.constant 1.000000e+00 : f32
    %mul3A_1092 = vector.broadcast %mul3A_1091 : f32 to vector<256x256xf32>
    %mul3A_1093 = arith.mulf %mul3A_1092, %div3A_1069 : vector<256x256xf32>
    %add3A_1094 = arith.addf %mul3A_1089, %mul3A_1086 : vector<256x256xf32>
    %div3A_1095 = arith.divf %mul3A_1093, %add3A_1094 : vector<256x256xf32>
    %mul3A_1096 = arith.constant 7.875000e-01 : f32
    %mul3A_1097 = vector.broadcast %mul3A_1096 : f32 to vector<256x256xf32>
    %mul3A_1098 = arith.mulf %mul3A_1097, %mul3A_1076 : vector<256x256xf32>
    %add3A_1099 = arith.addf %mul3A_1090, %mul3A_1087 : vector<256x256xf32>
    %div3A_1100 = arith.divf %mul3A_1098, %add3A_1099 : vector<256x256xf32>
    %add3A_1101 = arith.addf %div3A_1095, %div3A_1100 : vector<256x256xf32>
    %sub3A_1102 = arith.constant 1.200000e+01 : f32
    %sub3A_1103 = vector.broadcast %sub3A_1102 : f32 to vector<256x256xf32>
    %sub3A_1104 = arith.subf %sqrt3A, %sub3A_1103 : vector<256x256xf32>
    %div3A_1105 = arith.constant 3.000000e+00 : f32
    %div3A_1106 = vector.broadcast %div3A_1105 : f32 to vector<256x256xf32>
    %div3A_1107 = arith.divf %sub3A_1104, %div3A_1106 : vector<256x256xf32>
    %jit3A_1108 = arith.constant 0.000000e+00 : f32
    %jit3A_1109 = arith.constant 1.000000e+00 : f32
    %max3A = vector.broadcast %jit3A_1108 : f32 to vector<256x256xf32>
    %max3A_1110 = arith.maximumf %max3A, %div3A_1107 : vector<256x256xf32>
    %min3A = vector.broadcast %jit3A_1109 : f32 to vector<256x256xf32>
    %min3A_1111 = arith.minimumf %min3A, %max3A_1110 : vector<256x256xf32>
    %mul3A_1112 = arith.mulf %min3A_1111, %min3A_1111 : vector<256x256xf32>
    %mul3A_1113 = arith.constant 2.000000e+00 : f32
    %mul3A_1114 = vector.broadcast %mul3A_1113 : f32 to vector<256x256xf32>
    %mul3A_1115 = arith.mulf %mul3A_1114, %min3A_1111 : vector<256x256xf32>
    %sub3A_1116 = arith.constant 3.000000e+00 : f32
    %sub3A_1117 = vector.broadcast %sub3A_1116 : f32 to vector<256x256xf32>
    %sub3A_1118 = arith.subf %sub3A_1117, %mul3A_1115 : vector<256x256xf32>
    %mul3A_1119 = arith.mulf %mul3A_1112, %sub3A_1118 : vector<256x256xf32>
    %sub3A_1120 = arith.constant 1.000000e+00 : f32
    %sub3A_1121 = vector.broadcast %sub3A_1120 : f32 to vector<256x256xf32>
    %sub3A_1122 = arith.subf %sub3A_1121, %mul3A_1119 : vector<256x256xf32>
    %mul3A_1123 = arith.mulf %add3A_1101, %sub3A_1122 : vector<256x256xf32>
    %jit3A_1124 = arith.constant 0.000000e+00 : f32
    %broadcast_in_dim3A_1125 = vector.broadcast %jit3A_1124 : f32 to vector<256x256xf32>
    %select_n3A_1126 = arith.select %and3A_88, %mul3A_1123, %broadcast_in_dim3A_1125 : vector<256x256xi1>, vector<256x256xf32>
    %reduce_sum3A_1127 = vector.shape_cast %select_n3A_1126 : vector<256x256xf32> to vector<1x256x256xf32>
    %reduce_sum3A_1128 = arith.constant dense<0.000000e+00> : vector<1xf32>
    %reduce_sum3A_1129 = vector.multi_reduction <add>, %reduce_sum3A_1127, %reduce_sum3A_1128 [1, 2] : vector<1x256x256xf32> to vector<1xf32>
    %reduce_sum3A_1130 = vector.shape_cast %reduce_sum3A_1129 : vector<1xf32> to vector<1x1x1xf32>
    %reduce_sum3A_1131 = vector.extract %reduce_sum3A_1130[0, 0, 0] : f32 from vector<1x1x1xf32>
    %mul3A_1132 = arith.constant -5.000000e-01 : f32
    %mul3A_1133 = arith.mulf %mul3A_1132, %reduce_sum3A_1131 : f32
    %broadcast_in_dim3A_1134 = vector.broadcast %mul3A_1133 : f32 to vector<1x1x128xf32>
    %swap3A = arith.constant 0 : index
    %swap3A_1135 = arith.constant 0 : index
    %swap3A_1136 = arith.constant 0 : index
    %swap3A_1137 = vector.load %arg9[%swap3A, %swap3A_1135, %swap3A_1136] : memref<1x1x128xf32, #tpu.memory_space<vmem>>, vector<1x1x128xf32>
    tpu.vector_store %arg9[%swap3A, %swap3A_1135, %swap3A_1136], %broadcast_in_dim3A_1134 {strides = array<i32>} : memref<1x1x128xf32, #tpu.memory_space<vmem>>, vector<1x1x128xf32>,
    return
  }
  func.func @transform_0(%arg0: i32) -> (i32, i32, i32) {
    %c0_i32 = arith.constant 0 : i32
    %c0_i32_0 = arith.constant 0 : i32
    %c0_i32_1 = arith.constant 0 : i32
    return %arg0, %c0_i32, %c0_i32_0 : i32, i32, i32
  }
  func.func @transform_1(%arg0: i32) -> (i32, i32, i32) {
    %c0_i32 = arith.constant 0 : i32
    %c0_i32_0 = arith.constant 0 : i32
    %c0_i32_1 = arith.constant 0 : i32
    return %arg0, %c0_i32, %c0_i32_0 : i32, i32, i32
  }
  func.func @transform_2(%arg0: i32) -> (i32, i32, i32) {
    %c0_i32 = arith.constant 0 : i32
    %c0_i32_0 = arith.constant 0 : i32
    %c0_i32_1 = arith.constant 0 : i32
    return %arg0, %c0_i32, %c0_i32_0 : i32, i32, i32
  }
  func.func @transform_3(%arg0: i32) -> (i32, i32, i32) {
    %c0_i32 = arith.constant 0 : i32
    %c0_i32_0 = arith.constant 0 : i32
    %c0_i32_1 = arith.constant 0 : i32
    return %arg0, %c0_i32, %c0_i32_0 : i32, i32, i32
  }
  func.func @transform_4(%arg0: i32) -> (i32, i32) {
    %c0_i32 = arith.constant 0 : i32
    %c0_i32_0 = arith.constant 0 : i32
    return %arg0, %c0_i32 : i32, i32
  }
  func.func @transform_5(%arg0: i32) -> (i32, i32) {
    %c0_i32 = arith.constant 0 : i32
    %c0_i32_0 = arith.constant 0 : i32
    %c0_i32_1 = arith.constant 0 : i32
    return %c0_i32, %c0_i32_0 : i32, i32
  }
  func.func @transform_6(%arg0: i32) -> (i32, i32) {
    %c0_i32 = arith.constant 0 : i32
    %c0_i32_0 = arith.constant 0 : i32
    %c0_i32_1 = arith.constant 0 : i32
    return %c0_i32, %c0_i32_0 : i32, i32
  }
  func.func @transform_7(%arg0: i32) -> (i32, i32) {
    %c0_i32 = arith.constant 0 : i32
    %c0_i32_0 = arith.constant 0 : i32
    %c0_i32_1 = arith.constant 0 : i32
    return %c0_i32, %c0_i32_0 : i32, i32
  }
  func.func @transform_8(%arg0: i32) -> (i32, i32, i32) {
    %c0_i32 = arith.constant 0 : i32
    %c0_i32_0 = arith.constant 0 : i32
    %c0_i32_1 = arith.constant 0 : i32
    return %arg0, %c0_i32, %c0_i32_0 : i32, i32, i32
  }
}

</mosaic_0001>

<sc_bundles>
// kernel: kernel.10.cloned.1.call-start
scs
__scs_entry_jumppad:
0x0: {  	(pc) =	sbr.rel $0x88, $3  }
0x1: {  	(tag) =	ssettag $0x0;
	lr =	simm.s32 $0x1  }
0x2: {  	[smem:$0x3F9B] =	sst lr;
	_ =	strace $0xD0000000  }
0x3: {  	_ = 	snop  }
0x4: {  	_ = 	snop  }
0x5: {  	_ = 	snop  }
0x6: {  	_ = 	snop  }
0x7: {  	_ = 	snop  }
__scs_overlays_trampoline_lowered:
0x8: {  	[smem:$0x3FAA] =	sst s0  }
0x9: {  	[smem:$0x3FAB] =	sst s1  }
0xa: {  	[smem:$0x3FAC] =	sst s2  }
0xb: {  	[smem:$0x3FAD] =	sst s3  }
0xc: {  	[smem:$0x3FAE] =	sst s4  }
0xd: {  	[smem:$0x3FAF] =	sst s5  }
0xe: {  	[smem:$0x3FB0] =	sst s6  }
0xf: {  	[smem:$0x3FB1] =	sst s7  }
0x10: {  	[smem:$0x3FB2] =	sst s8  }
0x11: {  	[smem:$0x3FB3] =	sst s9;
	s0 =	simm.s32 @!p0 $0x0  }
0x12: {  	s1 =	sld [smem:$0x3F99];
	s0 =	simm.s32 @p0 $0x1  }
0x13: {  	[smem:$0x3FB4] =	sst s0;
	s0 =	simm.s32 @!p1 $0x0  }
0x14: {  	s2 =	sld [smem:$0x3F98];
	s0 =	simm.s32 @p1 $0x1  }
0x15: {  	[smem:$0x3FB5] =	sst s0;
	s0 =	simm.s32 @!p2 $0x0  }
0x16: {  	s3 =	sld [smem:$0x3FDB];
	s0 =	simm.s32 @p2 $0x1  }
0x17: {  	s4 =	simm.s32 $0x1BF5;
	[smem:$0x3FB7] =	sst s0  }
0x18: {  	s0 =	sld [smem:$0x3F9A];
	_ =	swait.ge [sflag:s4], $0x0  }
0x19: {  	s7 =	sld [smem:$0x3F9B]  }
0x1a: {  	s8 =	sadd.s32 $0xFFFFE003, lr  }
0x1b: {  	s9 =	sadd.s32 $0xFFFFFEF7, lr;
	s5 =	simm.s32 $0xFFFFFFFF;
	p2 =	slt.u32 s8, $0xFFFFF086  }
0x1c: {  	p1 =	slt.u32 s9, $0xF7A;
	s5 =	simm.s32 @!p2 $0x0  }
0x1d: {  	s5 =	simm.s32 @p1 $0x1;
	p0 =	seq.s32 s7, s2  }
0x1e: {  	s7 =	smul.u32 @!p0 $0xF7A, s2;
	p2 =	seq.s32 @!p0 s5, $0x0  }
0x1f: {  	s9 =	smul.u32 $0xF7A, s1;
	s8 =	simm.s32 @!p0 $0x1BF5;
	p2 =	por !p2, p0  }
0x20: {  	[sflag:s8] =	ssyncset.s32 @!p0 $0xFFFFF086;
	s6 =	sadd.s32 @!p0 s3, s7;
	s7 =	simm.s32 @!p0 $0x108  }
0x21: {  	s3 =	sadd.s32 s3, s9;
	s6 =	sadd.s32 @!p0 $0x88, s6;
	s7 =	simm.s32 @p2 $0x1082  }
0x22: {  	[simem:s7], [sflag:s8] =	dma.local @!p0 [hbm:s6], $0xF7A  }
0x23: {  	s9 =	sor.u32 $0xD0000000, s2;
	s6 =	simm.s32 $0x108;
	_ =	swait.ge @!p0 [sflag:s8], $0x0  }
0x24: {  	s3 =	sadd.s32 $0x88, s3;
	s6 =	simm.s32 @!p1 $0x1082;
	[sflag:s4] =	ssyncset.s32 $0xFFFFF086  }
0x25: {  	[simem:s6], [sflag:s4] =	dma.local [hbm:s3], $0xF7A  }
0x26: {  	[smem:$0x3F9B] =	sst s1;
	(tag) =	ssettag s2;
	_ =	strace s9  }
0x27: {  	s1 =	sld [smem:$0x3FAB]  }
0x28: {  	s2 =	sld [smem:$0x3FAC]  }
0x29: {  	s4 =	sld [smem:$0x3FAE]  }
0x2a: {  	p0 =	seq.s32 s5, $0x0;
	s5 =	sld [smem:$0x3FAF]  }
0x2b: {  	s6 =	sld [smem:$0x3FB0]  }
0x2c: {  	s7 =	sld [smem:$0x3FB1]  }
0x2d: {  	s3 =	simm.s32 $0x108;
	s8 =	sld [smem:$0x3FB2]  }
0x2e: {  	s3 =	simm.s32 @!p0 $0x1082;
	s9 =	sld [smem:$0x3FB3]  }
0x2f: {  	lr =	sadd.s32 s0, s3;
	s0 =	sld [smem:$0x3FAA]  }
0x30: {  	s3 =	sld [smem:$0x3FAD]  }
0x31: {  	[smem:$0x3FB6] =	sst s10  }
0x32: {  	s10 =	sld [smem:$0x3FB4];
	_ =	sdelay $0x3  }
0x33: {  	p0 =	seq.s32 s10, $0x1;
	s10 =	sld [smem:$0x3FB6];
	_ =	sdelay $0x3  }
0x34: {  	[smem:$0x3FB6] =	sst s10  }
0x35: {  	s10 =	sld [smem:$0x3FB5];
	_ =	sdelay $0x3  }
0x36: {  	p1 =	seq.s32 s10, $0x1;
	s10 =	sld [smem:$0x3FB6];
	_ =	sdelay $0x3  }
0x37: {  	[smem:$0x3FB6] =	sst s10  }
0x38: {  	s10 =	sld [smem:$0x3FB7]  }
0x39: {  	_ = 	snop;
	(pc) =	sbr.ind lr, $3  }
0x3a: {  	_ = 	snop  }
0x3b: {  	_ = 	snop  }
0x3c: {  	p2 =	seq.s32 s10, $0x1;
	s10 =	sld [smem:$0x3FB6]  }
0x3d: {  	_ =	shalt  }
0x3e: {  	_ =	shalt  }
0x3f: {  	_ =	shalt  }
0x40: {  	_ =	shalt  }
0x41: {  	_ =	shalt  }
0x42: {  	_ =	shalt  }
0x43: {  	_ =	shalt  }
0x44: {  	_ =	shalt  }
0x45: {  	_ =	shalt  }
0x46: {  	_ =	shalt  }
0x47: {  	_ =	shalt  }
0x48: {  	_ =	shalt  }
0x49: {  	_ =	shalt  }
0x4a: {  	_ =	shalt  }
0x4b: {  	_ =	shalt  }
0x4c: {  	_ =	shalt  }
0x4d: {  	_ =	shalt  }
0x4e: {  	_ =	shalt  }
0x4f: {  	_ =	shalt  }
0x50: {  	_ =	shalt  }
0x51: {  	_ =	shalt  }
0x52: {  	_ =	shalt  }
0x53: {  	_ =	shalt  }
0x54: {  	_ =	shalt  }
0x55: {  	_ =	shalt  }
0x56: {  	_ =	shalt  }
0x57: {  	_ =	shalt  }
0x58: {  	_ =	shalt  }
0x59: {  	_ =	shalt  }
0x5a: {  	_ =	shalt  }
0x5b: {  	_ =	shalt  }
0x5c: {  	_ =	shalt  }
0x5d: {  	_ =	shalt  }
0x5e: {  	_ =	shalt  }
0x5f: {  	_ =	shalt  }
0x60: {  	_ =	shalt  }
0x61: {  	_ =	shalt  }
0x62: {  	_ =	shalt  }
0x63: {  	_ =	shalt  }
0x64: {  	_ =	shalt  }
0x65: {  	_ =	shalt  }
0x66: {  	_ =	shalt  }
0x67: {  	_ =	shalt  }
0x68: {  	_ =	shalt  }
0x69: {  	_ =	shalt  }
0x6a: {  	_ =	shalt  }
0x6b: {  	_ =	shalt  }
0x6c: {  	_ =	shalt  }
0x6d: {  	_ =	shalt  }
0x6e: {  	_ =	shalt  }
0x6f: {  	_ =	shalt  }
0x70: {  	_ =	shalt  }
0x71: {  	_ =	shalt  }
0x72: {  	_ =	shalt  }
0x73: {  	_ =	shalt  }
0x74: {  	_ =	shalt  }
0x75: {  	_ =	shalt  }
0x76: {  	_ =	shalt  }
0x77: {  	_ =	shalt  }
0x78: {  	_ =	shalt  }
0x79: {  	_ =	shalt  }
0x7a: {  	_ =	shalt  }
0x7b: {  	_ =	shalt  }
0x7c: {  	_ =	shalt  }
0x7d: {  	_ =	shalt  }
0x7e: {  	_ =	shalt  }
0x7f: {  	_ =	shalt  }
0x80: {  	_ =	shalt  }
0x81: {  	_ =	shalt  }
0x82: {  	_ =	shalt  }
0x83: {  	_ =	shalt  }
0x84: {  	_ =	shalt  }
0x85: {  	_ =	shalt  }
0x86: {  	_ =	shalt  }
0x87: {  	_ =	shalt  }
.Lfunc_end0:
.L_simem_size_0:
called_computation_lowered:
.L_overlay_start_0:
0x88: {  	s2 =	sld [smem:$0x3FD9]  }
0x89: {  	s3 =	sld [smem:$0x3FFE];
	_ =	sdelay $0x1  }
0x8a: {  	s1 =	srdreg.scid  }
0x8b: {  	s0 =	sand.u32 $0x1, s1  }
0x8c: {  	s17 =	sshll.u32 s0, $0xA;
	s2 =	sadd.s32 s3, s2  }
0x8d: {  	s2 =	sadd.s32 s2, s17  }
0x8e: {  	[smem:$0x3FC2] =	sst s2  }
0x8f: {  	_ = 	snop  }
0x90: {  	(tm) =	ssettm $0x1  }
0x91: {  	s18 =	sld [smem:$0x3FFB];
	_ =	sdelay $0x3  }
0x92: {  	_ =	strace s18  }
0x93: {  	s2 =	sld [smem:$0x3FFC];
	_ =	sdelay $0x3  }
0x94: {  	_ =	strace s2  }
0x95: {  	s2 =	sld [smem:$0x3FFD];
	_ =	sdelay $0x3  }
0x96: {  	_ =	strace s2  }
0x97: {  	_ =	strace $0x8FFFFFFF  }
0x98: {  	s19 =	sld [smem:$0x3FDB];
	_ =	sdelay $0x1  }
0x99: {  	s20 =	simm.s32 $_scs_section_size  }
0x9a: {  	s4 =	simm.s32 $_size__tile_overlayer_lowered;
	s5 =	simm.s32 $_tile_overlayer_lowered  }
0x9b: {  	s6 =	simm.s32 $0x1BFF;
	s21 =	sshll.u32 s5, $0x1;
	s3 =	sadd.s32 s20, s19  }
0x9c: {  	s22 =	simm.s32 $0x0;
	s4 =	sshll.u32 s4, $0x1;
	s5 =	sadd.s32 s21, s3  }
0x9d: {  	[timem:s22], [sflag:s6] =	dma.local [hbm:s5], s4  }
0x9e: {  	_ =	swait.ge [sflag:s6], s4  }
0x9f: {  	s4 =	ssub.s32 $0x0, s4;
	[sflag:s6] =	ssyncset.done $0x0  }
0xa0: {  	[sflag:s6] =	ssyncadd.s32 s4;
	_ =	sdelay $0x1  }
0xa1: {  	s23 =	simm.s32 $0x1B8B  }
0xa2: {  	_ =	swait.ge [sflag:s23], $0x1  }
0xa3: {  	[sflag:s23] =	ssyncset.done $0x0  }
0xa4: {  	[sflag:s23] =	ssyncadd.s32 $0xFFFFFFFF  }
0xa5: {  	s4 =	sld [smem:$0x0]  }
0xa6: {  	s5 =	sand.u32 $0xFFFFFFFE, s1  }
0xa7: {  	p0 =	sne.s32 s1, s5  }
0xa8: {  	s5 =	sshll.u32 @p0 s5, $0xE  }
0xa9: {  	s5 =	sadd.s32 @p0 $0x11B8D, s5;
	s6 =	sshll.u32 @p0 s4, $0x11  }
0xaa: {  	s5 =	sor.u32 @p0 s6, s5  }
0xab: {  	[sflag:s5] =	ssyncadd.remote.s32 @p0 $0x1;
	_ =	sdelay $0x1  }
0xac: {  	s5 =	simm.s32 @p0 $0x1B8D  }
0xad: {  	_ =	swait.eq @p0 [sflag:s5], $0x1  }
0xae: {  	[sflag:s5] =	ssyncadd.s32 @p0 $0xFFFFFFFF  }
0xaf: {  	s6 =	sshll.u32 @!p0 s1, $0xE  }
0xb0: {  	s6 =	sor.u32 @!p0 $0x4000, s6;
	s5 =	simm.s32 @!p0 $0x1B8D  }
0xb1: {  	s4 =	sshll.u32 @!p0 s4, $0x11;
	s6 =	sadd.s32 @!p0 $0x11B8D, s6;
	_ =	swait.eq @!p0 [sflag:s5], $0x1  }
0xb2: {  	s4 =	sor.u32 @!p0 s4, s6;
	[sflag:s5] =	ssyncadd.s32 @!p0 $0xFFFFFFFF  }
0xb3: {  	s25 =	simm.s32 $0x1B8E;
	s24 =	sld [smem:$0x3FFE];
	[sflag:s4] =	ssyncadd.remote.s32 @!p0 $0x1  }
0xb4: {  	s26 =	simm.s32 $execute0_lowered;
	[smem:$0x3FD2] =	sst s25  }
0xb5: {  	s5 =	sshll.u32 s26, $0x1;
	_ =	strace $0x8000004F;
	[dreg:$0x1] =	wrdreg $0xFFFFFFFF  }
0xb6: {  	s28 =	simm.s32 $_size_execute0_lowered;
	s3 =	sadd.s32 s3, s5;
	[dreg:$0x0] =	wrdreg $0x0  }
0xb7: {  	s5 =	sshll.u32 s28, $0x1;
	[dreg:$0x2] =	wrdreg s3  }
0xb8: {  	[dreg:$0x3] =	wrdreg s5  }
0xb9: {  	[dreg:$0x4] =	wrdreg $0xC0  }
0xba: {  	_ =	task [dreg:s22], $0x5FFFF  }
0xbb: {  	[dreg:$0x1] =	wrdreg $0xFFFFFFFF  }
0xbc: {  	[dreg:$0x0] =	wrdreg $0x60  }
0xbd: {  	[dreg:$0x2] =	wrdreg s24  }
0xbe: {  	[dreg:$0x3] =	wrdreg $0x9  }
0xbf: {  	_ =	task.clear_ibuf [dreg:s22], $0x4FFFF;
	_ =	strace $0x9000004F  }
0xc0: {  	s29 =	simm.s32 $0x9;
	_ =	strace $0x80000051  }
0xc1: {  	_ =	swait.ge [sflag:s29], $0x1  }
0xc2: {  	[sflag:s29] =	ssyncadd.s32 $0xFFFFFFFF  }
0xc3: {  	_ =	strace $0x90000051  }
0xc4: {  	_ =	sfence  }
0xc5: {  	s30 =	sld [smem:$0x0];
	_ =	sdelay $0x2  }
0xc6: {  	s31 =	sshll.u32 s1, $0xD;
	s1 =	sshrl.u32 s1, $0x2  }
0xc7: {  	s4 =	sand.u32 $0x4000, s31;
	s1 =	sadd.s32 s1, s30  }
0xc8: {  	s0 =	sor.u32 s4, s0;
	s1 =	sshll.u32 s1, $0x11  }
0xc9: {  	s0 =	sor.u32 s1, s0  }
0xca: {  	s0 =	sadd.s32 $0x8F2B, s0  }
0xcb: {  	[sflag:s0] =	ssyncadd.remote.s32 $0x1  }
0xcc: {  	_ =	sfence.sel $0xFFFF  }
0xcd: {  	[dreg:$0x0] =	wrdreg $0xFFFFFFFF;
	(pc) =	sbr.abs _section_cstart, $3  }
0xce: {  	[dreg:$0x1] =	wrdreg $0xFFFFFFFF  }
0xcf: {  	_ =	task.clear_ibuf [dreg:s22], $0x2FFFF;
	_ =	strace $0x9FFFFFFF  }
0xd0: {  	(tm) =	ssettm $0x7FFFFFFF  }
0xd1: {  	_ =	shalt  }
tec
execute0_lowered:
.L_overlay_start_1:
0x0: {  	(tag) =	ssettag $0x1  }
0x1: {  	s0 =	rddreg [dreg:$0x0];
	s2 =	simm.s32 $0x0;
	s1 =	srdreg.scid  }
0x2: {  	s3 =	stileid.u32;
	s20 =	simm.s32 $0x2;
	s21 =	simm.s32 $0x80  }
0x3: {  	s24 =	simm.s32 $0x1080;
	s25 =	simm.s32 $0x1880;
	s28 =	simm.s32 $0x2880  }
0x4: {  	s29 =	simm.s32 $0x3080;
	s30 =	simm.s32 $0x3880;
	s31 =	simm.s32 $0x4080  }
0x5: {  	s23 =	simm.s32 $0x6080;
	[smem:$0x7FF] =	sst s2;
	s1 =	sand.u32 $0x1, s1  }
0x6: {  	s4 =	sshll.u32 s3, $0x2;
	s3 =	sadd.s32 $0x1E00, s0;
	s8 =	sadd.s32 $0x2000, s0  }
0x7: {  	s9 =	sadd.s32 $0x2100, s0;
	s10 =	sadd.s32 $0x2200, s0;
	s11 =	sadd.s32 $0x2300, s0  }
0x8: {  	s12 =	sadd.s32 $0x2400, s0;
	s13 =	sadd.s32 $0x2500, s0;
	s14 =	sadd.s32 $0x2600, s0  }
0x9: {  	s15 =	sadd.s32 $0x2700, s0;
	s16 =	sadd.s32 $0x2800, s0;
	s17 =	sadd.s32 $0x2900, s0  }
0xa: {  	s18 =	sadd.s32 $0x2A00, s0;
	s5 =	sshll.u32 s1, $0x1;
	s1 =	ssub.s32 $0x2, s1  }
0xb: {  	_ =	strace $0x80000050;
	s4 =	sor.u32 s5, s4;
	s7 =	sshrl.u32 s1, $0x1  }
0xc: {  	s5 =	sadd.s32 $0xA1A00, s0;
	s6 =	sadd.s32 s4, s0;
	s1 =	ssub.s32 s1, s7  }
0xd: {  	v0 =	vlaneseq.u32;
	s7 =	sadd.s32 $0x1F00, s0;
	s0 =	simm.s32 $0x0;
	s6 =	sadd.s32 $0xA1800, s6  }
0xe: {  	vm0 =	vmmov $0xff;
	v1 =	vshrl.u32 v0, $0x3;
	s26 =	smax.u32 s1, $0x1;
	s1 =	simm.s32 $0x5080;
	[dreg:$0x2] =	wrdreg s6  }
0xf: {  	vm1 =	vmmov $0xffff;
	v0 =	vand.u32 $0x7, v0;
	v1 =	vmul.u32 $0x8, v1;
	[dreg:$0x3] =	wrdreg s26;
	s26 =	simm.s32 $0x2080;
	s6 =	simm.s32 $0x5880  }
.LBB2_1:
0x10: {  	[dreg:$0x4] =	wrdreg s0  }
0x11: {  	s19 =	rddreg [dreg:$0x2]  }
0x12: {  	[tilespmem:s2], [sflag:$0x2] =	stream.linear.gather [hbm4b:s19+s2], $0x10, $0x38;
	[tilespmem:$0x6480] =	vst v63  }
0x13: {  	_ =	swait.ge [sflag:s20], $0x10  }
0x14: {  	p0 =	por $0x1, $0x1;
	[sflag:s20] =	ssyncset.done $0x0  }
0x15: {  	s0 =	simm.s32 $0x4880;
	s19 =	simm.s32 $0x0;
	[sflag:s20] =	ssyncadd.s32 $0xFFFFFFF0  }
.LBB2_2:
0x16: {  	s22 =	sshll.u32 s19, $0x3  }
0x17: {  	s22 =	sand.u32 $0x3FFFFFF8, s22  }
0x18: {  	v2 =	vld.msk [tilespmem:s22+$0x0], $0xff;
	_ =	sdelay $0x4  }
0x19: {  	v3 =	vshrl.u32 v2, $0x3  }
0x1a: {  	v3 =	vmul.u32 $0xC8, v3  }
0x1b: {  	v2 =	vand.u32 $0x7, v2  }
0x1c: {  	v2 =	vor.u32 v2, v3  }
0x1d: {  	v2 =	vperm.xlane v2, v0;
	_ =	sdelay $0x1  }
0x1e: {  	v2 =	vadd.s32 v1, v2;
	_ =	sdelay $0x4  }
0x1f: {  	[tilespmem:s21], [sflag:$0x1] =	stream.indirect_vreg.gather [hbm4b:s3+s2], $0x80, v2, vm1, $0xb8;
	[tilespmem:$0x6480] =	vst v63  }
0x20: {  	s22 =	simm.s32 $0x880  }
0x21: {  	[tilespmem:s22], [sflag:$0x1] =	stream.indirect_vreg.gather [hbm4b:s7+s2], $0x80, v2, vm1, $0xb8;
	[tilespmem:$0x6480] =	vst v63  }
0x22: {  	_ = 	snop  }
0x23: {  	[tilespmem:s24], [sflag:$0x1] =	stream.indirect_vreg.gather [hbm4b:s8+s2], $0x80, v2, vm1, $0xb8;
	[tilespmem:$0x6480] =	vst v63  }
0x24: {  	_ = 	snop  }
0x25: {  	[tilespmem:s25], [sflag:$0x1] =	stream.indirect_vreg.gather [hbm4b:s9+s2], $0x80, v2, vm1, $0xb8;
	[tilespmem:$0x6480] =	vst v63  }
0x26: {  	_ = 	snop  }
0x27: {  	[tilespmem:s26], [sflag:$0x1] =	stream.indirect_vreg.gather [hbm4b:s10+s2], $0x80, v2, vm1, $0xb8;
	[tilespmem:$0x6480] =	vst v63  }
0x28: {  	_ = 	snop  }
0x29: {  	[tilespmem:s28], [sflag:$0x1] =	stream.indirect_vreg.gather [hbm4b:s11+s2], $0x80, v2, vm1, $0xb8;
	[tilespmem:$0x6480] =	vst v63  }
0x2a: {  	_ = 	snop  }
0x2b: {  	[tilespmem:s29], [sflag:$0x1] =	stream.indirect_vreg.gather [hbm4b:s12+s2], $0x80, v2, vm1, $0xb8;
	[tilespmem:$0x6480] =	vst v63  }
0x2c: {  	_ = 	snop  }
0x2d: {  	[tilespmem:s30], [sflag:$0x1] =	stream.indirect_vreg.gather [hbm4b:s13+s2], $0x80, v2, vm1, $0xb8;
	[tilespmem:$0x6480] =	vst v63  }
0x2e: {  	_ = 	snop  }
0x2f: {  	[tilespmem:s31], [sflag:$0x1] =	stream.indirect_vreg.gather [hbm4b:s14+s2], $0x80, v2, vm1, $0xb8;
	[tilespmem:$0x6480] =	vst v63  }
0x30: {  	_ = 	snop  }
0x31: {  	[tilespmem:s0], [sflag:$0x1] =	stream.indirect_vreg.gather [hbm4b:s15+s2], $0x80, v2, vm1, $0xb8;
	[tilespmem:$0x6480] =	vst v63  }
0x32: {  	_ = 	snop  }
0x33: {  	[tilespmem:s1], [sflag:$0x1] =	stream.indirect_vreg.gather [hbm4b:s16+s2], $0x80, v2, vm1, $0xb8;
	[tilespmem:$0x6480] =	vst v63  }
0x34: {  	_ = 	snop  }
0x35: {  	[tilespmem:s6], [sflag:$0x1] =	stream.indirect_vreg.gather [hbm4b:s17+s2], $0x80, v2, vm1, $0xb8;
	[tilespmem:$0x6480] =	vst v63  }
0x36: {  	s19 =	sor.u32 s4, s19;
	s22 =	simm.s32 $0x1  }
0x37: {  	[tilespmem:s23], [sflag:$0x1] =	stream.indirect_vreg.gather [hbm4b:s18+s2], $0x80, v2, vm0, $0xb8;
	[tilespmem:$0x6480] =	vst v63  }
0x38: {  	s19 =	smul.u32 $0xC80, s19;
	_ =	swait.ge [sflag:s22], $0x6400  }
0x39: {  	p1 =	por p0, p0;
	[sflag:s22] =	ssyncset.done $0x0  }
.Ltmp0:
0x3a: {  	s19 =	sadd.s32 s5, s19;
	[sflag:s22] =	ssyncadd.s32 $0xFFFF9C00;
	(pc) =	sbr.rel @p1 .LBB2_2-.Ltmp0, $4  }
0x3b: {  	[hbm4b:s19+s2] =	stream.linear.scatter [tilespmem:s21], [sflag:$0x2], $0x6400, $0x38;
	[tilespmem:$0x6480] =	vst v63  }
0x3c: {  	_ =	swait.ge [sflag:s20], $0x6400  }
0x3d: {  	[sflag:s20] =	ssyncset.done $0x0  }
0x3e: {  	p0 =	por $0x0, $0x0;
	s19 =	simm.s32 $0x1;
	[sflag:s20] =	ssyncadd.s32 $0xFFFF9C00  }
0x3f: {  	s0 =	rddreg [dreg:$0x4]  }
0x40: {  	s19 =	rddreg [dreg:$0x3];
	s0 =	sadd.s32 $0x1, s0  }
0x41: {  	p0 =	sne.s32 s0, s19  }
.Ltmp1:
0x42: {  	_ = 	snop;
	(pc) =	sbr.rel @p0 .LBB2_1-.Ltmp1, $1  }
0x43: {  	_ =	sdelay $0x3  }
0x44: {  	_ =	sfence.sel $0x180000  }
0x45: {  	[bflag:$0x0] =	sbarrier.arrive $0xFFFF  }
0x46: {  	_ =	strace $0x90000050  }
0x47: {  	s0 =	stileid.u32;
	[bflag:$0x2] =	sbarrier.arrive $0xFFFF  }
0x48: {  	p0 =	sne.s32 s0, $0x0;
	s0 =	rddreg [dreg:$0x1]  }
0x49: {  	s0 =	sadd.s32 @!p0 $0x100000, s0  }
0x4a: {  	[sflag:s0] =	ssyncadd.tile.s32 @!p0 $0x1;
	_ =	shalt  }
.Lfunc_end2:
_tile_overlayer_lowered:
.L_overlay_start_2:
0x4b: {  	(tag) =	ssettag $0x2  }
0x4c: {  	s0 =	rddreg [dreg:$0x0];
	s2 =	stileid.u32  }
0x4d: {  	s1 =	rddreg [dreg:$0x1];
	p0 =	sne.s32 s2, $0x0  }
0x4e: {  	s3 =	rddreg [dreg:$0x2];
	[bflag:$0x3] =	sbarrier.arrive $0xFFFF;
	s2 =	simm.s32 @!p0 $0x1C02  }
0x4f: {  	[timem:s3], [sflag:s2] =	dma.local @!p0 [hbm:s0], s1  }
0x50: {  	s0 =	simm.s32 @!p0 $0x2  }
0x51: {  	_ =	swait.ge @!p0 [sflag:s0], s1  }
0x52: {  	s1 =	ssub.s32 @!p0 $0x0, s1;
	[sflag:s0] =	ssyncset.done @!p0 $0x0  }
0x53: {  	[sflag:s0] =	ssyncadd.s32 @!p0 s1  }
0x54: {  	[bflag:$0x3] =	sbarrier.arrive $0xFFFF  }
0x55: {  	_ =	shalt  }

// kernel: kernel.13.cloned.1.call-start
scs
__scs_entry_jumppad:
0x0: {  	(pc) =	sbr.rel $0x88, $3  }
0x1: {  	(tag) =	ssettag $0x0;
	lr =	simm.s32 $0x1  }
0x2: {  	[smem:$0x3F9B] =	sst lr;
	_ =	strace $0xD0000000  }
0x3: {  	_ = 	snop  }
0x4: {  	_ = 	snop  }
0x5: {  	_ = 	snop  }
0x6: {  	_ = 	snop  }
0x7: {  	_ = 	snop  }
__scs_overlays_trampoline_lowered:
0x8: {  	[smem:$0x3FAA] =	sst s0  }
0x9: {  	[smem:$0x3FAB] =	sst s1  }
0xa: {  	[smem:$0x3FAC] =	sst s2  }
0xb: {  	[smem:$0x3FAD] =	sst s3  }
0xc: {  	[smem:$0x3FAE] =	sst s4  }
0xd: {  	[smem:$0x3FAF] =	sst s5  }
0xe: {  	[smem:$0x3FB0] =	sst s6  }
0xf: {  	[smem:$0x3FB1] =	sst s7  }
0x10: {  	[smem:$0x3FB2] =	sst s8  }
0x11: {  	[smem:$0x3FB3] =	sst s9;
	s0 =	simm.s32 @!p0 $0x0  }
0x12: {  	s1 =	sld [smem:$0x3F99];
	s0 =	simm.s32 @p0 $0x1  }
0x13: {  	[smem:$0x3FB4] =	sst s0;
	s0 =	simm.s32 @!p1 $0x0  }
0x14: {  	s2 =	sld [smem:$0x3F98];
	s0 =	simm.s32 @p1 $0x1  }
0x15: {  	[smem:$0x3FB5] =	sst s0;
	s0 =	simm.s32 @!p2 $0x0  }
0x16: {  	s3 =	sld [smem:$0x3FDB];
	s0 =	simm.s32 @p2 $0x1  }
0x17: {  	s4 =	simm.s32 $0x1BF5;
	[smem:$0x3FB7] =	sst s0  }
0x18: {  	s0 =	sld [smem:$0x3F9A];
	_ =	swait.ge [sflag:s4], $0x0  }
0x19: {  	s7 =	sld [smem:$0x3F9B]  }
0x1a: {  	s8 =	sadd.s32 $0xFFFFE003, lr  }
0x1b: {  	s9 =	sadd.s32 $0xFFFFFEF7, lr;
	s5 =	simm.s32 $0xFFFFFFFF;
	p2 =	slt.u32 s8, $0xFFFFF086  }
0x1c: {  	p1 =	slt.u32 s9, $0xF7A;
	s5 =	simm.s32 @!p2 $0x0  }
0x1d: {  	s5 =	simm.s32 @p1 $0x1;
	p0 =	seq.s32 s7, s2  }
0x1e: {  	s7 =	smul.u32 @!p0 $0xF7A, s2;
	p2 =	seq.s32 @!p0 s5, $0x0  }
0x1f: {  	s9 =	smul.u32 $0xF7A, s1;
	s8 =	simm.s32 @!p0 $0x1BF5;
	p2 =	por !p2, p0  }
0x20: {  	[sflag:s8] =	ssyncset.s32 @!p0 $0xFFFFF086;
	s6 =	sadd.s32 @!p0 s3, s7;
	s7 =	simm.s32 @!p0 $0x108  }
0x21: {  	s3 =	sadd.s32 s3, s9;
	s6 =	sadd.s32 @!p0 $0x88, s6;
	s7 =	simm.s32 @p2 $0x1082  }
0x22: {  	[simem:s7], [sflag:s8] =	dma.local @!p0 [hbm:s6], $0xF7A  }
0x23: {  	s9 =	sor.u32 $0xD0000000, s2;
	s6 =	simm.s32 $0x108;
	_ =	swait.ge @!p0 [sflag:s8], $0x0  }
0x24: {  	s3 =	sadd.s32 $0x88, s3;
	s6 =	simm.s32 @!p1 $0x1082;
	[sflag:s4] =	ssyncset.s32 $0xFFFFF086  }
0x25: {  	[simem:s6], [sflag:s4] =	dma.local [hbm:s3], $0xF7A  }
0x26: {  	[smem:$0x3F9B] =	sst s1;
	(tag) =	ssettag s2;
	_ =	strace s9  }
0x27: {  	s1 =	sld [smem:$0x3FAB]  }
0x28: {  	s2 =	sld [smem:$0x3FAC]  }
0x29: {  	s4 =	sld [smem:$0x3FAE]  }
0x2a: {  	p0 =	seq.s32 s5, $0x0;
	s5 =	sld [smem:$0x3FAF]  }
0x2b: {  	s6 =	sld [smem:$0x3FB0]  }
0x2c: {  	s7 =	sld [smem:$0x3FB1]  }
0x2d: {  	s3 =	simm.s32 $0x108;
	s8 =	sld [smem:$0x3FB2]  }
0x2e: {  	s3 =	simm.s32 @!p0 $0x1082;
	s9 =	sld [smem:$0x3FB3]  }
0x2f: {  	lr =	sadd.s32 s0, s3;
	s0 =	sld [smem:$0x3FAA]  }
0x30: {  	s3 =	sld [smem:$0x3FAD]  }
0x31: {  	[smem:$0x3FB6] =	sst s10  }
0x32: {  	s10 =	sld [smem:$0x3FB4];
	_ =	sdelay $0x3  }
0x33: {  	p0 =	seq.s32 s10, $0x1;
	s10 =	sld [smem:$0x3FB6];
	_ =	sdelay $0x3  }
0x34: {  	[smem:$0x3FB6] =	sst s10  }
0x35: {  	s10 =	sld [smem:$0x3FB5];
	_ =	sdelay $0x3  }
0x36: {  	p1 =	seq.s32 s10, $0x1;
	s10 =	sld [smem:$0x3FB6];
	_ =	sdelay $0x3  }
0x37: {  	[smem:$0x3FB6] =	sst s10  }
0x38: {  	s10 =	sld [smem:$0x3FB7]  }
0x39: {  	_ = 	snop;
	(pc) =	sbr.ind lr, $3  }
0x3a: {  	_ = 	snop  }
0x3b: {  	_ = 	snop  }
0x3c: {  	p2 =	seq.s32 s10, $0x1;
	s10 =	sld [smem:$0x3FB6]  }
0x3d: {  	_ =	shalt  }
0x3e: {  	_ =	shalt  }
0x3f: {  	_ =	shalt  }
0x40: {  	_ =	shalt  }
0x41: {  	_ =	shalt  }
0x42: {  	_ =	shalt  }
0x43: {  	_ =	shalt  }
0x44: {  	_ =	shalt  }
0x45: {  	_ =	shalt  }
0x46: {  	_ =	shalt  }
0x47: {  	_ =	shalt  }
0x48: {  	_ =	shalt  }
0x49: {  	_ =	shalt  }
0x4a: {  	_ =	shalt  }
0x4b: {  	_ =	shalt  }
0x4c: {  	_ =	shalt  }
0x4d: {  	_ =	shalt  }
0x4e: {  	_ =	shalt  }
0x4f: {  	_ =	shalt  }
0x50: {  	_ =	shalt  }
0x51: {  	_ =	shalt  }
0x52: {  	_ =	shalt  }
0x53: {  	_ =	shalt  }
0x54: {  	_ =	shalt  }
0x55: {  	_ =	shalt  }
0x56: {  	_ =	shalt  }
0x57: {  	_ =	shalt  }
0x58: {  	_ =	shalt  }
0x59: {  	_ =	shalt  }
0x5a: {  	_ =	shalt  }
0x5b: {  	_ =	shalt  }
0x5c: {  	_ =	shalt  }
0x5d: {  	_ =	shalt  }
0x5e: {  	_ =	shalt  }
0x5f: {  	_ =	shalt  }
0x60: {  	_ =	shalt  }
0x61: {  	_ =	shalt  }
0x62: {  	_ =	shalt  }
0x63: {  	_ =	shalt  }
0x64: {  	_ =	shalt  }
0x65: {  	_ =	shalt  }
0x66: {  	_ =	shalt  }
0x67: {  	_ =	shalt  }
0x68: {  	_ =	shalt  }
0x69: {  	_ =	shalt  }
0x6a: {  	_ =	shalt  }
0x6b: {  	_ =	shalt  }
0x6c: {  	_ =	shalt  }
0x6d: {  	_ =	shalt  }
0x6e: {  	_ =	shalt  }
0x6f: {  	_ =	shalt  }
0x70: {  	_ =	shalt  }
0x71: {  	_ =	shalt  }
0x72: {  	_ =	shalt  }
0x73: {  	_ =	shalt  }
0x74: {  	_ =	shalt  }
0x75: {  	_ =	shalt  }
0x76: {  	_ =	shalt  }
0x77: {  	_ =	shalt  }
0x78: {  	_ =	shalt  }
0x79: {  	_ =	shalt  }
0x7a: {  	_ =	shalt  }
0x7b: {  	_ =	shalt  }
0x7c: {  	_ =	shalt  }
0x7d: {  	_ =	shalt  }
0x7e: {  	_ =	shalt  }
0x7f: {  	_ =	shalt  }
0x80: {  	_ =	shalt  }
0x81: {  	_ =	shalt  }
0x82: {  	_ =	shalt  }
0x83: {  	_ =	shalt  }
0x84: {  	_ =	shalt  }
0x85: {  	_ =	shalt  }
0x86: {  	_ =	shalt  }
0x87: {  	_ =	shalt  }
.Lfunc_end0:
.L_simem_size_0:
called_computation.1_lowered:
.L_overlay_start_0:
0x88: {  	s2 =	sld [smem:$0x3FD9]  }
0x89: {  	s3 =	sld [smem:$0x3FFE];
	_ =	sdelay $0x1  }
0x8a: {  	s1 =	srdreg.scid  }
0x8b: {  	s0 =	sand.u32 $0x1, s1  }
0x8c: {  	s17 =	sshll.u32 s0, $0xA;
	s2 =	sadd.s32 s3, s2  }
0x8d: {  	s2 =	sadd.s32 s2, s17  }
0x8e: {  	[smem:$0x3FC2] =	sst s2  }
0x8f: {  	_ = 	snop  }
0x90: {  	(tm) =	ssettm $0x1  }
0x91: {  	s18 =	sld [smem:$0x3FFB];
	_ =	sdelay $0x3  }
0x92: {  	_ =	strace s18  }
0x93: {  	s2 =	sld [smem:$0x3FFC];
	_ =	sdelay $0x3  }
0x94: {  	_ =	strace s2  }
0x95: {  	s2 =	sld [smem:$0x3FFD];
	_ =	sdelay $0x3  }
0x96: {  	_ =	strace s2  }
0x97: {  	_ =	strace $0x8FFFFFFF  }
0x98: {  	s19 =	sld [smem:$0x3FDB];
	_ =	sdelay $0x1  }
0x99: {  	s20 =	simm.s32 $_scs_section_size  }
0x9a: {  	s4 =	simm.s32 $_size__tile_overlayer_lowered;
	s5 =	simm.s32 $_tile_overlayer_lowered  }
0x9b: {  	s6 =	simm.s32 $0x1BFF;
	s21 =	sshll.u32 s5, $0x1;
	s3 =	sadd.s32 s20, s19  }
0x9c: {  	s22 =	simm.s32 $0x0;
	s4 =	sshll.u32 s4, $0x1;
	s5 =	sadd.s32 s21, s3  }
0x9d: {  	[timem:s22], [sflag:s6] =	dma.local [hbm:s5], s4  }
0x9e: {  	_ =	swait.ge [sflag:s6], s4  }
0x9f: {  	s4 =	ssub.s32 $0x0, s4;
	[sflag:s6] =	ssyncset.done $0x0  }
0xa0: {  	[sflag:s6] =	ssyncadd.s32 s4;
	_ =	sdelay $0x1  }
0xa1: {  	s23 =	simm.s32 $0x1B8B  }
0xa2: {  	_ =	swait.ge [sflag:s23], $0x1  }
0xa3: {  	[sflag:s23] =	ssyncset.done $0x0  }
0xa4: {  	[sflag:s23] =	ssyncadd.s32 $0xFFFFFFFF  }
0xa5: {  	s4 =	sld [smem:$0x0]  }
0xa6: {  	s5 =	sand.u32 $0xFFFFFFFE, s1  }
0xa7: {  	p0 =	sne.s32 s1, s5  }
0xa8: {  	s5 =	sshll.u32 @p0 s5, $0xE  }
0xa9: {  	s5 =	sadd.s32 @p0 $0x11B8D, s5;
	s6 =	sshll.u32 @p0 s4, $0x11  }
0xaa: {  	s5 =	sor.u32 @p0 s6, s5  }
0xab: {  	[sflag:s5] =	ssyncadd.remote.s32 @p0 $0x1;
	_ =	sdelay $0x1  }
0xac: {  	s5 =	simm.s32 @p0 $0x1B8D  }
0xad: {  	_ =	swait.eq @p0 [sflag:s5], $0x1  }
0xae: {  	[sflag:s5] =	ssyncadd.s32 @p0 $0xFFFFFFFF  }
0xaf: {  	s6 =	sshll.u32 @!p0 s1, $0xE  }
0xb0: {  	s6 =	sor.u32 @!p0 $0x4000, s6;
	s5 =	simm.s32 @!p0 $0x1B8D  }
0xb1: {  	s4 =	sshll.u32 @!p0 s4, $0x11;
	s6 =	sadd.s32 @!p0 $0x11B8D, s6;
	_ =	swait.eq @!p0 [sflag:s5], $0x1  }
0xb2: {  	s4 =	sor.u32 @!p0 s4, s6;
	[sflag:s5] =	ssyncadd.s32 @!p0 $0xFFFFFFFF  }
0xb3: {  	s25 =	simm.s32 $0x1B8E;
	s24 =	sld [smem:$0x3FFE];
	[sflag:s4] =	ssyncadd.remote.s32 @!p0 $0x1  }
0xb4: {  	s26 =	simm.s32 $execute0_lowered;
	[smem:$0x3FD2] =	sst s25  }
0xb5: {  	s5 =	sshll.u32 s26, $0x1;
	_ =	strace $0x8000004C;
	[dreg:$0x1] =	wrdreg $0xFFFFFFFF  }
0xb6: {  	s28 =	simm.s32 $_size_execute0_lowered;
	s3 =	sadd.s32 s3, s5;
	[dreg:$0x0] =	wrdreg $0x0  }
0xb7: {  	s5 =	sshll.u32 s28, $0x1;
	[dreg:$0x2] =	wrdreg s3  }
0xb8: {  	[dreg:$0x3] =	wrdreg s5  }
0xb9: {  	[dreg:$0x4] =	wrdreg $0xC0  }
0xba: {  	_ =	task [dreg:s22], $0x5FFFF  }
0xbb: {  	[dreg:$0x1] =	wrdreg $0xFFFFFFFF  }
0xbc: {  	[dreg:$0x0] =	wrdreg $0x60  }
0xbd: {  	[dreg:$0x2] =	wrdreg s24  }
0xbe: {  	[dreg:$0x3] =	wrdreg $0xA  }
0xbf: {  	_ =	task.clear_ibuf [dreg:s22], $0x4FFFF;
	_ =	strace $0x9000004C  }
0xc0: {  	s29 =	simm.s32 $0xA;
	_ =	strace $0x8000004E  }
0xc1: {  	_ =	swait.ge [sflag:s29], $0x1  }
0xc2: {  	[sflag:s29] =	ssyncadd.s32 $0xFFFFFFFF  }
0xc3: {  	_ =	strace $0x9000004E  }
0xc4: {  	_ =	sfence  }
0xc5: {  	s30 =	sld [smem:$0x0];
	_ =	sdelay $0x2  }
0xc6: {  	s31 =	sshll.u32 s1, $0xD;
	s1 =	sshrl.u32 s1, $0x2  }
0xc7: {  	s4 =	sand.u32 $0x4000, s31;
	s1 =	sadd.s32 s1, s30  }
0xc8: {  	s0 =	sor.u32 s4, s0;
	s1 =	sshll.u32 s1, $0x11  }
0xc9: {  	s0 =	sor.u32 s1, s0  }
0xca: {  	s0 =	sadd.s32 $0x8F2B, s0  }
0xcb: {  	[sflag:s0] =	ssyncadd.remote.s32 $0x1  }
0xcc: {  	_ =	sfence.sel $0xFFFF  }
0xcd: {  	[dreg:$0x0] =	wrdreg $0xFFFFFFFF;
	(pc) =	sbr.abs _section_cstart, $3  }
0xce: {  	[dreg:$0x1] =	wrdreg $0xFFFFFFFF  }
0xcf: {  	_ =	task.clear_ibuf [dreg:s22], $0x2FFFF;
	_ =	strace $0x9FFFFFFF  }
0xd0: {  	(tm) =	ssettm $0x7FFFFFFF  }
0xd1: {  	_ =	shalt  }
tec
execute0_lowered:
.L_overlay_start_1:
0x0: {  	(tag) =	ssettag $0x1  }
0x1: {  	s0 =	rddreg [dreg:$0x0];
	s2 =	simm.s32 $0x0;
	s1 =	srdreg.scid  }
0x2: {  	s3 =	stileid.u32;
	s20 =	simm.s32 $0x2;
	s21 =	simm.s32 $0x80  }
0x3: {  	s24 =	simm.s32 $0x1080;
	s25 =	simm.s32 $0x1880;
	s28 =	simm.s32 $0x2880  }
0x4: {  	s29 =	simm.s32 $0x3080;
	s30 =	simm.s32 $0x3880;
	s31 =	simm.s32 $0x4080  }
0x5: {  	s23 =	simm.s32 $0x6080;
	[smem:$0x7FF] =	sst s2;
	s1 =	sand.u32 $0x1, s1  }
0x6: {  	s4 =	sshll.u32 s3, $0x2;
	s3 =	sadd.s32 $0x1E00, s0;
	s8 =	sadd.s32 $0x2000, s0  }
0x7: {  	s9 =	sadd.s32 $0x2100, s0;
	s10 =	sadd.s32 $0x2200, s0;
	s11 =	sadd.s32 $0x2300, s0  }
0x8: {  	s12 =	sadd.s32 $0x2400, s0;
	s13 =	sadd.s32 $0x2500, s0;
	s14 =	sadd.s32 $0x2600, s0  }
0x9: {  	s15 =	sadd.s32 $0x2700, s0;
	s16 =	sadd.s32 $0x2800, s0;
	s17 =	sadd.s32 $0x2900, s0  }
0xa: {  	s18 =	sadd.s32 $0x2A00, s0;
	s5 =	sshll.u32 s1, $0x1;
	s1 =	ssub.s32 $0x2, s1  }
0xb: {  	_ =	strace $0x8000004D;
	s4 =	sor.u32 s5, s4;
	s7 =	sshrl.u32 s1, $0x1  }
0xc: {  	s5 =	sadd.s32 $0x6F800, s0;
	s6 =	sadd.s32 s4, s0;
	s1 =	ssub.s32 s1, s7  }
0xd: {  	v0 =	vlaneseq.u32;
	s7 =	sadd.s32 $0x1F00, s0;
	s0 =	simm.s32 $0x0;
	s6 =	sadd.s32 $0x6F600, s6  }
0xe: {  	vm0 =	vmmov $0xff;
	v1 =	vshrl.u32 v0, $0x3;
	s26 =	smax.u32 s1, $0x1;
	s1 =	simm.s32 $0x5080;
	[dreg:$0x2] =	wrdreg s6  }
0xf: {  	vm1 =	vmmov $0xffff;
	v0 =	vand.u32 $0x7, v0;
	v1 =	vmul.u32 $0x8, v1;
	[dreg:$0x3] =	wrdreg s26;
	s26 =	simm.s32 $0x2080;
	s6 =	simm.s32 $0x5880  }
.LBB2_1:
0x10: {  	[dreg:$0x4] =	wrdreg s0  }
0x11: {  	s19 =	rddreg [dreg:$0x2]  }
0x12: {  	[tilespmem:s2], [sflag:$0x2] =	stream.linear.gather [hbm4b:s19+s2], $0x10, $0x38;
	[tilespmem:$0x6480] =	vst v63  }
0x13: {  	_ =	swait.ge [sflag:s20], $0x10  }
0x14: {  	p0 =	por $0x1, $0x1;
	[sflag:s20] =	ssyncset.done $0x0  }
0x15: {  	s0 =	simm.s32 $0x4880;
	s19 =	simm.s32 $0x0;
	[sflag:s20] =	ssyncadd.s32 $0xFFFFFFF0  }
.LBB2_2:
0x16: {  	s22 =	sshll.u32 s19, $0x3  }
0x17: {  	s22 =	sand.u32 $0x3FFFFFF8, s22  }
0x18: {  	v2 =	vld.msk [tilespmem:s22+$0x0], $0xff;
	_ =	sdelay $0x4  }
0x19: {  	v3 =	vshrl.u32 v2, $0x3  }
0x1a: {  	v3 =	vmul.u32 $0xC8, v3  }
0x1b: {  	v2 =	vand.u32 $0x7, v2  }
0x1c: {  	v2 =	vor.u32 v2, v3  }
0x1d: {  	v2 =	vperm.xlane v2, v0;
	_ =	sdelay $0x1  }
0x1e: {  	v2 =	vadd.s32 v1, v2;
	_ =	sdelay $0x4  }
0x1f: {  	[tilespmem:s21], [sflag:$0x1] =	stream.indirect_vreg.gather [hbm4b:s3+s2], $0x80, v2, vm1, $0xb8;
	[tilespmem:$0x6480] =	vst v63  }
0x20: {  	s22 =	simm.s32 $0x880  }
0x21: {  	[tilespmem:s22], [sflag:$0x1] =	stream.indirect_vreg.gather [hbm4b:s7+s2], $0x80, v2, vm1, $0xb8;
	[tilespmem:$0x6480] =	vst v63  }
0x22: {  	_ = 	snop  }
0x23: {  	[tilespmem:s24], [sflag:$0x1] =	stream.indirect_vreg.gather [hbm4b:s8+s2], $0x80, v2, vm1, $0xb8;
	[tilespmem:$0x6480] =	vst v63  }
0x24: {  	_ = 	snop  }
0x25: {  	[tilespmem:s25], [sflag:$0x1] =	stream.indirect_vreg.gather [hbm4b:s9+s2], $0x80, v2, vm1, $0xb8;
	[tilespmem:$0x6480] =	vst v63  }
0x26: {  	_ = 	snop  }
0x27: {  	[tilespmem:s26], [sflag:$0x1] =	stream.indirect_vreg.gather [hbm4b:s10+s2], $0x80, v2, vm1, $0xb8;
	[tilespmem:$0x6480] =	vst v63  }
0x28: {  	_ = 	snop  }
0x29: {  	[tilespmem:s28], [sflag:$0x1] =	stream.indirect_vreg.gather [hbm4b:s11+s2], $0x80, v2, vm1, $0xb8;
	[tilespmem:$0x6480] =	vst v63  }
0x2a: {  	_ = 	snop  }
0x2b: {  	[tilespmem:s29], [sflag:$0x1] =	stream.indirect_vreg.gather [hbm4b:s12+s2], $0x80, v2, vm1, $0xb8;
	[tilespmem:$0x6480] =	vst v63  }
0x2c: {  	_ = 	snop  }
0x2d: {  	[tilespmem:s30], [sflag:$0x1] =	stream.indirect_vreg.gather [hbm4b:s13+s2], $0x80, v2, vm1, $0xb8;
	[tilespmem:$0x6480] =	vst v63  }
0x2e: {  	_ = 	snop  }
0x2f: {  	[tilespmem:s31], [sflag:$0x1] =	stream.indirect_vreg.gather [hbm4b:s14+s2], $0x80, v2, vm1, $0xb8;
	[tilespmem:$0x6480] =	vst v63  }
0x30: {  	_ = 	snop  }
0x31: {  	[tilespmem:s0], [sflag:$0x1] =	stream.indirect_vreg.gather [hbm4b:s15+s2], $0x80, v2, vm1, $0xb8;
	[tilespmem:$0x6480] =	vst v63  }
0x32: {  	_ = 	snop  }
0x33: {  	[tilespmem:s1], [sflag:$0x1] =	stream.indirect_vreg.gather [hbm4b:s16+s2], $0x80, v2, vm1, $0xb8;
	[tilespmem:$0x6480] =	vst v63  }
0x34: {  	_ = 	snop  }
0x35: {  	[tilespmem:s6], [sflag:$0x1] =	stream.indirect_vreg.gather [hbm4b:s17+s2], $0x80, v2, vm1, $0xb8;
	[tilespmem:$0x6480] =	vst v63  }
0x36: {  	s19 =	sor.u32 s4, s19;
	s22 =	simm.s32 $0x1  }
0x37: {  	[tilespmem:s23], [sflag:$0x1] =	stream.indirect_vreg.gather [hbm4b:s18+s2], $0x80, v2, vm0, $0xb8;
	[tilespmem:$0x6480] =	vst v63  }
0x38: {  	s19 =	smul.u32 $0xC80, s19;
	_ =	swait.ge [sflag:s22], $0x6400  }
0x39: {  	p1 =	por p0, p0;
	[sflag:s22] =	ssyncset.done $0x0  }
.Ltmp0:
0x3a: {  	s19 =	sadd.s32 s5, s19;
	[sflag:s22] =	ssyncadd.s32 $0xFFFF9C00;
	(pc) =	sbr.rel @p1 .LBB2_2-.Ltmp0, $4  }
0x3b: {  	[hbm4b:s19+s2] =	stream.linear.scatter [tilespmem:s21], [sflag:$0x2], $0x6400, $0x38;
	[tilespmem:$0x6480] =	vst v63  }
0x3c: {  	_ =	swait.ge [sflag:s20], $0x6400  }
0x3d: {  	[sflag:s20] =	ssyncset.done $0x0  }
0x3e: {  	p0 =	por $0x0, $0x0;
	s19 =	simm.s32 $0x1;
	[sflag:s20] =	ssyncadd.s32 $0xFFFF9C00  }
0x3f: {  	s0 =	rddreg [dreg:$0x4]  }
0x40: {  	s19 =	rddreg [dreg:$0x3];
	s0 =	sadd.s32 $0x1, s0  }
0x41: {  	p0 =	sne.s32 s0, s19  }
.Ltmp1:
0x42: {  	_ = 	snop;
	(pc) =	sbr.rel @p0 .LBB2_1-.Ltmp1, $1  }
0x43: {  	_ =	sdelay $0x3  }
0x44: {  	_ =	sfence.sel $0x180000  }
0x45: {  	[bflag:$0x0] =	sbarrier.arrive $0xFFFF  }
0x46: {  	_ =	strace $0x9000004D  }
0x47: {  	s0 =	stileid.u32;
	[bflag:$0x2] =	sbarrier.arrive $0xFFFF  }
0x48: {  	p0 =	sne.s32 s0, $0x0;
	s0 =	rddreg [dreg:$0x1]  }
0x49: {  	s0 =	sadd.s32 @!p0 $0x100000, s0  }
0x4a: {  	[sflag:s0] =	ssyncadd.tile.s32 @!p0 $0x1;
	_ =	shalt  }
.Lfunc_end2:
_tile_overlayer_lowered:
.L_overlay_start_2:
0x4b: {  	(tag) =	ssettag $0x2  }
0x4c: {  	s0 =	rddreg [dreg:$0x0];
	s2 =	stileid.u32  }
0x4d: {  	s1 =	rddreg [dreg:$0x1];
	p0 =	sne.s32 s2, $0x0  }
0x4e: {  	s3 =	rddreg [dreg:$0x2];
	[bflag:$0x3] =	sbarrier.arrive $0xFFFF;
	s2 =	simm.s32 @!p0 $0x1C02  }
0x4f: {  	[timem:s3], [sflag:s2] =	dma.local @!p0 [hbm:s0], s1  }
0x50: {  	s0 =	simm.s32 @!p0 $0x2  }
0x51: {  	_ =	swait.ge @!p0 [sflag:s0], s1  }
0x52: {  	s1 =	ssub.s32 @!p0 $0x0, s1;
	[sflag:s0] =	ssyncset.done @!p0 $0x0  }
0x53: {  	[sflag:s0] =	ssyncadd.s32 @!p0 s1  }
0x54: {  	[bflag:$0x3] =	sbarrier.arrive $0xFFFF  }
0x55: {  	_ =	shalt  }

// kernel: kernel.16.cloned.1.call-start
scs
__scs_entry_jumppad:
0x0: {  	(pc) =	sbr.rel $0x88, $3  }
0x1: {  	(tag) =	ssettag $0x0;
	lr =	simm.s32 $0x1  }
0x2: {  	[smem:$0x3F9B] =	sst lr;
	_ =	strace $0xD0000000  }
0x3: {  	_ = 	snop  }
0x4: {  	_ = 	snop  }
0x5: {  	_ = 	snop  }
0x6: {  	_ = 	snop  }
0x7: {  	_ = 	snop  }
__scs_overlays_trampoline_lowered:
0x8: {  	[smem:$0x3FAA] =	sst s0  }
0x9: {  	[smem:$0x3FAB] =	sst s1  }
0xa: {  	[smem:$0x3FAC] =	sst s2  }
0xb: {  	[smem:$0x3FAD] =	sst s3  }
0xc: {  	[smem:$0x3FAE] =	sst s4  }
0xd: {  	[smem:$0x3FAF] =	sst s5  }
0xe: {  	[smem:$0x3FB0] =	sst s6  }
0xf: {  	[smem:$0x3FB1] =	sst s7  }
0x10: {  	[smem:$0x3FB2] =	sst s8  }
0x11: {  	[smem:$0x3FB3] =	sst s9;
	s0 =	simm.s32 @!p0 $0x0  }
0x12: {  	s1 =	sld [smem:$0x3F99];
	s0 =	simm.s32 @p0 $0x1  }
0x13: {  	[smem:$0x3FB4] =	sst s0;
	s0 =	simm.s32 @!p1 $0x0  }
0x14: {  	s2 =	sld [smem:$0x3F98];
	s0 =	simm.s32 @p1 $0x1  }
0x15: {  	[smem:$0x3FB5] =	sst s0;
	s0 =	simm.s32 @!p2 $0x0  }
0x16: {  	s3 =	sld [smem:$0x3FDB];
	s0 =	simm.s32 @p2 $0x1  }
0x17: {  	s4 =	simm.s32 $0x1BF5;
	[smem:$0x3FB7] =	sst s0  }
0x18: {  	s0 =	sld [smem:$0x3F9A];
	_ =	swait.ge [sflag:s4], $0x0  }
0x19: {  	s7 =	sld [smem:$0x3F9B]  }
0x1a: {  	s8 =	sadd.s32 $0xFFFFE003, lr  }
0x1b: {  	s9 =	sadd.s32 $0xFFFFFEF7, lr;
	s5 =	simm.s32 $0xFFFFFFFF;
	p2 =	slt.u32 s8, $0xFFFFF086  }
0x1c: {  	p1 =	slt.u32 s9, $0xF7A;
	s5 =	simm.s32 @!p2 $0x0  }
0x1d: {  	s5 =	simm.s32 @p1 $0x1;
	p0 =	seq.s32 s7, s2  }
0x1e: {  	s7 =	smul.u32 @!p0 $0xF7A, s2;
	p2 =	seq.s32 @!p0 s5, $0x0  }
0x1f: {  	s9 =	smul.u32 $0xF7A, s1;
	s8 =	simm.s32 @!p0 $0x1BF5;
	p2 =	por !p2, p0  }
0x20: {  	[sflag:s8] =	ssyncset.s32 @!p0 $0xFFFFF086;
	s6 =	sadd.s32 @!p0 s3, s7;
	s7 =	simm.s32 @!p0 $0x108  }
0x21: {  	s3 =	sadd.s32 s3, s9;
	s6 =	sadd.s32 @!p0 $0x88, s6;
	s7 =	simm.s32 @p2 $0x1082  }
0x22: {  	[simem:s7], [sflag:s8] =	dma.local @!p0 [hbm:s6], $0xF7A  }
0x23: {  	s9 =	sor.u32 $0xD0000000, s2;
	s6 =	simm.s32 $0x108;
	_ =	swait.ge @!p0 [sflag:s8], $0x0  }
0x24: {  	s3 =	sadd.s32 $0x88, s3;
	s6 =	simm.s32 @!p1 $0x1082;
	[sflag:s4] =	ssyncset.s32 $0xFFFFF086  }
0x25: {  	[simem:s6], [sflag:s4] =	dma.local [hbm:s3], $0xF7A  }
0x26: {  	[smem:$0x3F9B] =	sst s1;
	(tag) =	ssettag s2;
	_ =	strace s9  }
0x27: {  	s1 =	sld [smem:$0x3FAB]  }
0x28: {  	s2 =	sld [smem:$0x3FAC]  }
0x29: {  	s4 =	sld [smem:$0x3FAE]  }
0x2a: {  	p0 =	seq.s32 s5, $0x0;
	s5 =	sld [smem:$0x3FAF]  }
0x2b: {  	s6 =	sld [smem:$0x3FB0]  }
0x2c: {  	s7 =	sld [smem:$0x3FB1]  }
0x2d: {  	s3 =	simm.s32 $0x108;
	s8 =	sld [smem:$0x3FB2]  }
0x2e: {  	s3 =	simm.s32 @!p0 $0x1082;
	s9 =	sld [smem:$0x3FB3]  }
0x2f: {  	lr =	sadd.s32 s0, s3;
	s0 =	sld [smem:$0x3FAA]  }
0x30: {  	s3 =	sld [smem:$0x3FAD]  }
0x31: {  	[smem:$0x3FB6] =	sst s10  }
0x32: {  	s10 =	sld [smem:$0x3FB4];
	_ =	sdelay $0x3  }
0x33: {  	p0 =	seq.s32 s10, $0x1;
	s10 =	sld [smem:$0x3FB6];
	_ =	sdelay $0x3  }
0x34: {  	[smem:$0x3FB6] =	sst s10  }
0x35: {  	s10 =	sld [smem:$0x3FB5];
	_ =	sdelay $0x3  }
0x36: {  	p1 =	seq.s32 s10, $0x1;
	s10 =	sld [smem:$0x3FB6];
	_ =	sdelay $0x3  }
0x37: {  	[smem:$0x3FB6] =	sst s10  }
0x38: {  	s10 =	sld [smem:$0x3FB7]  }
0x39: {  	_ = 	snop;
	(pc) =	sbr.ind lr, $3  }
0x3a: {  	_ = 	snop  }
0x3b: {  	_ = 	snop  }
0x3c: {  	p2 =	seq.s32 s10, $0x1;
	s10 =	sld [smem:$0x3FB6]  }
0x3d: {  	_ =	shalt  }
0x3e: {  	_ =	shalt  }
0x3f: {  	_ =	shalt  }
0x40: {  	_ =	shalt  }
0x41: {  	_ =	shalt  }
0x42: {  	_ =	shalt  }
0x43: {  	_ =	shalt  }
0x44: {  	_ =	shalt  }
0x45: {  	_ =	shalt  }
0x46: {  	_ =	shalt  }
0x47: {  	_ =	shalt  }
0x48: {  	_ =	shalt  }
0x49: {  	_ =	shalt  }
0x4a: {  	_ =	shalt  }
0x4b: {  	_ =	shalt  }
0x4c: {  	_ =	shalt  }
0x4d: {  	_ =	shalt  }
0x4e: {  	_ =	shalt  }
0x4f: {  	_ =	shalt  }
0x50: {  	_ =	shalt  }
0x51: {  	_ =	shalt  }
0x52: {  	_ =	shalt  }
0x53: {  	_ =	shalt  }
0x54: {  	_ =	shalt  }
0x55: {  	_ =	shalt  }
0x56: {  	_ =	shalt  }
0x57: {  	_ =	shalt  }
0x58: {  	_ =	shalt  }
0x59: {  	_ =	shalt  }
0x5a: {  	_ =	shalt  }
0x5b: {  	_ =	shalt  }
0x5c: {  	_ =	shalt  }
0x5d: {  	_ =	shalt  }
0x5e: {  	_ =	shalt  }
0x5f: {  	_ =	shalt  }
0x60: {  	_ =	shalt  }
0x61: {  	_ =	shalt  }
0x62: {  	_ =	shalt  }
0x63: {  	_ =	shalt  }
0x64: {  	_ =	shalt  }
0x65: {  	_ =	shalt  }
0x66: {  	_ =	shalt  }
0x67: {  	_ =	shalt  }
0x68: {  	_ =	shalt  }
0x69: {  	_ =	shalt  }
0x6a: {  	_ =	shalt  }
0x6b: {  	_ =	shalt  }
0x6c: {  	_ =	shalt  }
0x6d: {  	_ =	shalt  }
0x6e: {  	_ =	shalt  }
0x6f: {  	_ =	shalt  }
0x70: {  	_ =	shalt  }
0x71: {  	_ =	shalt  }
0x72: {  	_ =	shalt  }
0x73: {  	_ =	shalt  }
0x74: {  	_ =	shalt  }
0x75: {  	_ =	shalt  }
0x76: {  	_ =	shalt  }
0x77: {  	_ =	shalt  }
0x78: {  	_ =	shalt  }
0x79: {  	_ =	shalt  }
0x7a: {  	_ =	shalt  }
0x7b: {  	_ =	shalt  }
0x7c: {  	_ =	shalt  }
0x7d: {  	_ =	shalt  }
0x7e: {  	_ =	shalt  }
0x7f: {  	_ =	shalt  }
0x80: {  	_ =	shalt  }
0x81: {  	_ =	shalt  }
0x82: {  	_ =	shalt  }
0x83: {  	_ =	shalt  }
0x84: {  	_ =	shalt  }
0x85: {  	_ =	shalt  }
0x86: {  	_ =	shalt  }
0x87: {  	_ =	shalt  }
.Lfunc_end0:
.L_simem_size_0:
called_computation.2_lowered:
.L_overlay_start_0:
0x88: {  	s2 =	sld [smem:$0x3FD9]  }
0x89: {  	s3 =	sld [smem:$0x3FFE];
	_ =	sdelay $0x1  }
0x8a: {  	s1 =	srdreg.scid  }
0x8b: {  	s0 =	sand.u32 $0x1, s1  }
0x8c: {  	s17 =	sshll.u32 s0, $0xA;
	s2 =	sadd.s32 s3, s2  }
0x8d: {  	s2 =	sadd.s32 s2, s17  }
0x8e: {  	[smem:$0x3FC2] =	sst s2  }
0x8f: {  	_ = 	snop  }
0x90: {  	(tm) =	ssettm $0x1  }
0x91: {  	s18 =	sld [smem:$0x3FFB];
	_ =	sdelay $0x3  }
0x92: {  	_ =	strace s18  }
0x93: {  	s2 =	sld [smem:$0x3FFC];
	_ =	sdelay $0x3  }
0x94: {  	_ =	strace s2  }
0x95: {  	s2 =	sld [smem:$0x3FFD];
	_ =	sdelay $0x3  }
0x96: {  	_ =	strace s2  }
0x97: {  	_ =	strace $0x8FFFFFFF  }
0x98: {  	s19 =	sld [smem:$0x3FDB];
	_ =	sdelay $0x1  }
0x99: {  	s20 =	simm.s32 $_scs_section_size  }
0x9a: {  	s4 =	simm.s32 $_size__tile_overlayer_lowered;
	s5 =	simm.s32 $_tile_overlayer_lowered  }
0x9b: {  	s6 =	simm.s32 $0x1BFF;
	s21 =	sshll.u32 s5, $0x1;
	s3 =	sadd.s32 s20, s19  }
0x9c: {  	s22 =	simm.s32 $0x0;
	s4 =	sshll.u32 s4, $0x1;
	s5 =	sadd.s32 s21, s3  }
0x9d: {  	[timem:s22], [sflag:s6] =	dma.local [hbm:s5], s4  }
0x9e: {  	_ =	swait.ge [sflag:s6], s4  }
0x9f: {  	s4 =	ssub.s32 $0x0, s4;
	[sflag:s6] =	ssyncset.done $0x0  }
0xa0: {  	[sflag:s6] =	ssyncadd.s32 s4;
	_ =	sdelay $0x1  }
0xa1: {  	s23 =	simm.s32 $0x1B8B  }
0xa2: {  	_ =	swait.ge [sflag:s23], $0x1  }
0xa3: {  	[sflag:s23] =	ssyncset.done $0x0  }
0xa4: {  	[sflag:s23] =	ssyncadd.s32 $0xFFFFFFFF  }
0xa5: {  	s4 =	sld [smem:$0x0]  }
0xa6: {  	s5 =	sand.u32 $0xFFFFFFFE, s1  }
0xa7: {  	p0 =	sne.s32 s1, s5  }
0xa8: {  	s5 =	sshll.u32 @p0 s5, $0xE  }
0xa9: {  	s5 =	sadd.s32 @p0 $0x11B8D, s5;
	s6 =	sshll.u32 @p0 s4, $0x11  }
0xaa: {  	s5 =	sor.u32 @p0 s6, s5  }
0xab: {  	[sflag:s5] =	ssyncadd.remote.s32 @p0 $0x1;
	_ =	sdelay $0x1  }
0xac: {  	s5 =	simm.s32 @p0 $0x1B8D  }
0xad: {  	_ =	swait.eq @p0 [sflag:s5], $0x1  }
0xae: {  	[sflag:s5] =	ssyncadd.s32 @p0 $0xFFFFFFFF  }
0xaf: {  	s6 =	sshll.u32 @!p0 s1, $0xE  }
0xb0: {  	s6 =	sor.u32 @!p0 $0x4000, s6;
	s5 =	simm.s32 @!p0 $0x1B8D  }
0xb1: {  	s4 =	sshll.u32 @!p0 s4, $0x11;
	s6 =	sadd.s32 @!p0 $0x11B8D, s6;
	_ =	swait.eq @!p0 [sflag:s5], $0x1  }
0xb2: {  	s4 =	sor.u32 @!p0 s4, s6;
	[sflag:s5] =	ssyncadd.s32 @!p0 $0xFFFFFFFF  }
0xb3: {  	s25 =	simm.s32 $0x1B8E;
	s24 =	sld [smem:$0x3FFE];
	[sflag:s4] =	ssyncadd.remote.s32 @!p0 $0x1  }
0xb4: {  	s26 =	simm.s32 $execute0_lowered;
	[smem:$0x3FD2] =	sst s25  }
0xb5: {  	s5 =	sshll.u32 s26, $0x1;
	_ =	strace $0x80000049;
	[dreg:$0x1] =	wrdreg $0xFFFFFFFF  }
0xb6: {  	s28 =	simm.s32 $_size_execute0_lowered;
	s3 =	sadd.s32 s3, s5;
	[dreg:$0x0] =	wrdreg $0x0  }
0xb7: {  	s5 =	sshll.u32 s28, $0x1;
	[dreg:$0x2] =	wrdreg s3  }
0xb8: {  	[dreg:$0x3] =	wrdreg s5  }
0xb9: {  	[dreg:$0x4] =	wrdreg $0xC0  }
0xba: {  	_ =	task [dreg:s22], $0x5FFFF  }
0xbb: {  	[dreg:$0x1] =	wrdreg $0xFFFFFFFF  }
0xbc: {  	[dreg:$0x0] =	wrdreg $0x60  }
0xbd: {  	[dreg:$0x2] =	wrdreg s24  }
0xbe: {  	[dreg:$0x3] =	wrdreg $0xB  }
0xbf: {  	_ =	task.clear_ibuf [dreg:s22], $0x4FFFF;
	_ =	strace $0x90000049  }
0xc0: {  	s29 =	simm.s32 $0xB;
	_ =	strace $0x8000004B  }
0xc1: {  	_ =	swait.ge [sflag:s29], $0x1  }
0xc2: {  	[sflag:s29] =	ssyncadd.s32 $0xFFFFFFFF  }
0xc3: {  	_ =	strace $0x9000004B  }
0xc4: {  	_ =	sfence  }
0xc5: {  	s30 =	sld [smem:$0x0];
	_ =	sdelay $0x2  }
0xc6: {  	s31 =	sshll.u32 s1, $0xD;
	s1 =	sshrl.u32 s1, $0x2  }
0xc7: {  	s4 =	sand.u32 $0x4000, s31;
	s1 =	sadd.s32 s1, s30  }
0xc8: {  	s0 =	sor.u32 s4, s0;
	s1 =	sshll.u32 s1, $0x11  }
0xc9: {  	s0 =	sor.u32 s1, s0  }
0xca: {  	s0 =	sadd.s32 $0x8F2B, s0  }
0xcb: {  	[sflag:s0] =	ssyncadd.remote.s32 $0x1  }
0xcc: {  	_ =	sfence.sel $0xFFFF  }
0xcd: {  	[dreg:$0x0] =	wrdreg $0xFFFFFFFF;
	(pc) =	sbr.abs _section_cstart, $3  }
0xce: {  	[dreg:$0x1] =	wrdreg $0xFFFFFFFF  }
0xcf: {  	_ =	task.clear_ibuf [dreg:s22], $0x2FFFF;
	_ =	strace $0x9FFFFFFF  }
0xd0: {  	(tm) =	ssettm $0x7FFFFFFF  }
0xd1: {  	_ =	shalt  }
tec
execute0_lowered:
.L_overlay_start_1:
0x0: {  	(tag) =	ssettag $0x1  }
0x1: {  	s0 =	rddreg [dreg:$0x0];
	s2 =	simm.s32 $0x0;
	s1 =	srdreg.scid  }
0x2: {  	s3 =	stileid.u32;
	s20 =	simm.s32 $0x2;
	s21 =	simm.s32 $0x80  }
0x3: {  	s24 =	simm.s32 $0x1080;
	s25 =	simm.s32 $0x1880;
	s28 =	simm.s32 $0x2880  }
0x4: {  	s29 =	simm.s32 $0x3080;
	s30 =	simm.s32 $0x3880;
	s31 =	simm.s32 $0x4080  }
0x5: {  	s23 =	simm.s32 $0x6080;
	[smem:$0x7FF] =	sst s2;
	s1 =	sand.u32 $0x1, s1  }
0x6: {  	s4 =	sshll.u32 s3, $0x2;
	s3 =	sadd.s32 $0x1E00, s0;
	s8 =	sadd.s32 $0x2000, s0  }
0x7: {  	s9 =	sadd.s32 $0x2100, s0;
	s10 =	sadd.s32 $0x2200, s0;
	s11 =	sadd.s32 $0x2300, s0  }
0x8: {  	s12 =	sadd.s32 $0x2400, s0;
	s13 =	sadd.s32 $0x2500, s0;
	s14 =	sadd.s32 $0x2600, s0  }
0x9: {  	s15 =	sadd.s32 $0x2700, s0;
	s16 =	sadd.s32 $0x2800, s0;
	s17 =	sadd.s32 $0x2900, s0  }
0xa: {  	s18 =	sadd.s32 $0x2A00, s0;
	s5 =	sshll.u32 s1, $0x1;
	s1 =	ssub.s32 $0x2, s1  }
0xb: {  	_ =	strace $0x8000004A;
	s4 =	sor.u32 s5, s4;
	s7 =	sshrl.u32 s1, $0x1  }
0xc: {  	s5 =	sadd.s32 $0x3D600, s0;
	s6 =	sadd.s32 s4, s0;
	s1 =	ssub.s32 s1, s7  }
0xd: {  	v0 =	vlaneseq.u32;
	s7 =	sadd.s32 $0x1F00, s0;
	s0 =	simm.s32 $0x0;
	s6 =	sadd.s32 $0x3D400, s6  }
0xe: {  	vm0 =	vmmov $0xff;
	v1 =	vshrl.u32 v0, $0x3;
	s26 =	smax.u32 s1, $0x1;
	s1 =	simm.s32 $0x5080;
	[dreg:$0x2] =	wrdreg s6  }
0xf: {  	vm1 =	vmmov $0xffff;
	v0 =	vand.u32 $0x7, v0;
	v1 =	vmul.u32 $0x8, v1;
	[dreg:$0x3] =	wrdreg s26;
	s26 =	simm.s32 $0x2080;
	s6 =	simm.s32 $0x5880  }
.LBB2_1:
0x10: {  	[dreg:$0x4] =	wrdreg s0  }
0x11: {  	s19 =	rddreg [dreg:$0x2]  }
0x12: {  	[tilespmem:s2], [sflag:$0x2] =	stream.linear.gather [hbm4b:s19+s2], $0x10, $0x38;
	[tilespmem:$0x6480] =	vst v63  }
0x13: {  	_ =	swait.ge [sflag:s20], $0x10  }
0x14: {  	p0 =	por $0x1, $0x1;
	[sflag:s20] =	ssyncset.done $0x0  }
0x15: {  	s0 =	simm.s32 $0x4880;
	s19 =	simm.s32 $0x0;
	[sflag:s20] =	ssyncadd.s32 $0xFFFFFFF0  }
.LBB2_2:
0x16: {  	s22 =	sshll.u32 s19, $0x3  }
0x17: {  	s22 =	sand.u32 $0x3FFFFFF8, s22  }
0x18: {  	v2 =	vld.msk [tilespmem:s22+$0x0], $0xff;
	_ =	sdelay $0x4  }
0x19: {  	v3 =	vshrl.u32 v2, $0x3  }
0x1a: {  	v3 =	vmul.u32 $0xC8, v3  }
0x1b: {  	v2 =	vand.u32 $0x7, v2  }
0x1c: {  	v2 =	vor.u32 v2, v3  }
0x1d: {  	v2 =	vperm.xlane v2, v0;
	_ =	sdelay $0x1  }
0x1e: {  	v2 =	vadd.s32 v1, v2;
	_ =	sdelay $0x4  }
0x1f: {  	[tilespmem:s21], [sflag:$0x1] =	stream.indirect_vreg.gather [hbm4b:s3+s2], $0x80, v2, vm1, $0xb8;
	[tilespmem:$0x6480] =	vst v63  }
0x20: {  	s22 =	simm.s32 $0x880  }
0x21: {  	[tilespmem:s22], [sflag:$0x1] =	stream.indirect_vreg.gather [hbm4b:s7+s2], $0x80, v2, vm1, $0xb8;
	[tilespmem:$0x6480] =	vst v63  }
0x22: {  	_ = 	snop  }
0x23: {  	[tilespmem:s24], [sflag:$0x1] =	stream.indirect_vreg.gather [hbm4b:s8+s2], $0x80, v2, vm1, $0xb8;
	[tilespmem:$0x6480] =	vst v63  }
0x24: {  	_ = 	snop  }
0x25: {  	[tilespmem:s25], [sflag:$0x1] =	stream.indirect_vreg.gather [hbm4b:s9+s2], $0x80, v2, vm1, $0xb8;
	[tilespmem:$0x6480] =	vst v63  }
0x26: {  	_ = 	snop  }
0x27: {  	[tilespmem:s26], [sflag:$0x1] =	stream.indirect_vreg.gather [hbm4b:s10+s2], $0x80, v2, vm1, $0xb8;
	[tilespmem:$0x6480] =	vst v63  }
0x28: {  	_ = 	snop  }
0x29: {  	[tilespmem:s28], [sflag:$0x1] =	stream.indirect_vreg.gather [hbm4b:s11+s2], $0x80, v2, vm1, $0xb8;
	[tilespmem:$0x6480] =	vst v63  }
0x2a: {  	_ = 	snop  }
0x2b: {  	[tilespmem:s29], [sflag:$0x1] =	stream.indirect_vreg.gather [hbm4b:s12+s2], $0x80, v2, vm1, $0xb8;
	[tilespmem:$0x6480] =	vst v63  }
0x2c: {  	_ = 	snop  }
0x2d: {  	[tilespmem:s30], [sflag:$0x1] =	stream.indirect_vreg.gather [hbm4b:s13+s2], $0x80, v2, vm1, $0xb8;
	[tilespmem:$0x6480] =	vst v63  }
0x2e: {  	_ = 	snop  }
0x2f: {  	[tilespmem:s31], [sflag:$0x1] =	stream.indirect_vreg.gather [hbm4b:s14+s2], $0x80, v2, vm1, $0xb8;
	[tilespmem:$0x6480] =	vst v63  }
0x30: {  	_ = 	snop  }
0x31: {  	[tilespmem:s0], [sflag:$0x1] =	stream.indirect_vreg.gather [hbm4b:s15+s2], $0x80, v2, vm1, $0xb8;
	[tilespmem:$0x6480] =	vst v63  }
0x32: {  	_ = 	snop  }
0x33: {  	[tilespmem:s1], [sflag:$0x1] =	stream.indirect_vreg.gather [hbm4b:s16+s2], $0x80, v2, vm1, $0xb8;
	[tilespmem:$0x6480] =	vst v63  }
0x34: {  	_ = 	snop  }
0x35: {  	[tilespmem:s6], [sflag:$0x1] =	stream.indirect_vreg.gather [hbm4b:s17+s2], $0x80, v2, vm1, $0xb8;
	[tilespmem:$0x6480] =	vst v63  }
0x36: {  	s19 =	sor.u32 s4, s19;
	s22 =	simm.s32 $0x1  }
0x37: {  	[tilespmem:s23], [sflag:$0x1] =	stream.indirect_vreg.gather [hbm4b:s18+s2], $0x80, v2, vm0, $0xb8;
	[tilespmem:$0x6480] =	vst v63  }
0x38: {  	s19 =	smul.u32 $0xC80, s19;
	_ =	swait.ge [sflag:s22], $0x6400  }
0x39: {  	p1 =	por p0, p0;
	[sflag:s22] =	ssyncset.done $0x0  }
.Ltmp0:
0x3a: {  	s19 =	sadd.s32 s5, s19;
	[sflag:s22] =	ssyncadd.s32 $0xFFFF9C00;
	(pc) =	sbr.rel @p1 .LBB2_2-.Ltmp0, $4  }
0x3b: {  	[hbm4b:s19+s2] =	stream.linear.scatter [tilespmem:s21], [sflag:$0x2], $0x6400, $0x38;
	[tilespmem:$0x6480] =	vst v63  }
0x3c: {  	_ =	swait.ge [sflag:s20], $0x6400  }
0x3d: {  	[sflag:s20] =	ssyncset.done $0x0  }
0x3e: {  	p0 =	por $0x0, $0x0;
	s19 =	simm.s32 $0x1;
	[sflag:s20] =	ssyncadd.s32 $0xFFFF9C00  }
0x3f: {  	s0 =	rddreg [dreg:$0x4]  }
0x40: {  	s19 =	rddreg [dreg:$0x3];
	s0 =	sadd.s32 $0x1, s0  }
0x41: {  	p0 =	sne.s32 s0, s19  }
.Ltmp1:
0x42: {  	_ = 	snop;
	(pc) =	sbr.rel @p0 .LBB2_1-.Ltmp1, $1  }
0x43: {  	_ =	sdelay $0x3  }
0x44: {  	_ =	sfence.sel $0x180000  }
0x45: {  	[bflag:$0x0] =	sbarrier.arrive $0xFFFF  }
0x46: {  	_ =	strace $0x9000004A  }
0x47: {  	s0 =	stileid.u32;
	[bflag:$0x2] =	sbarrier.arrive $0xFFFF  }
0x48: {  	p0 =	sne.s32 s0, $0x0;
	s0 =	rddreg [dreg:$0x1]  }
0x49: {  	s0 =	sadd.s32 @!p0 $0x100000, s0  }
0x4a: {  	[sflag:s0] =	ssyncadd.tile.s32 @!p0 $0x1;
	_ =	shalt  }
.Lfunc_end2:
_tile_overlayer_lowered:
.L_overlay_start_2:
0x4b: {  	(tag) =	ssettag $0x2  }
0x4c: {  	s0 =	rddreg [dreg:$0x0];
	s2 =	stileid.u32  }
0x4d: {  	s1 =	rddreg [dreg:$0x1];
	p0 =	sne.s32 s2, $0x0  }
0x4e: {  	s3 =	rddreg [dreg:$0x2];
	[bflag:$0x3] =	sbarrier.arrive $0xFFFF;
	s2 =	simm.s32 @!p0 $0x1C02  }
0x4f: {  	[timem:s3], [sflag:s2] =	dma.local @!p0 [hbm:s0], s1  }
0x50: {  	s0 =	simm.s32 @!p0 $0x2  }
0x51: {  	_ =	swait.ge @!p0 [sflag:s0], s1  }
0x52: {  	s1 =	ssub.s32 @!p0 $0x0, s1;
	[sflag:s0] =	ssyncset.done @!p0 $0x0  }
0x53: {  	[sflag:s0] =	ssyncadd.s32 @!p0 s1  }
0x54: {  	[bflag:$0x3] =	sbarrier.arrive $0xFFFF  }
0x55: {  	_ =	shalt  }

// kernel: kernel.19.cloned.1.call-start
scs
__scs_entry_jumppad:
0x0: {  	(pc) =	sbr.rel $0x88, $3  }
0x1: {  	(tag) =	ssettag $0x0;
	lr =	simm.s32 $0x1  }
0x2: {  	[smem:$0x3F9B] =	sst lr;
	_ =	strace $0xD0000000  }
0x3: {  	_ = 	snop  }
0x4: {  	_ = 	snop  }
0x5: {  	_ = 	snop  }
0x6: {  	_ = 	snop  }
0x7: {  	_ = 	snop  }
__scs_overlays_trampoline_lowered:
0x8: {  	[smem:$0x3FAA] =	sst s0  }
0x9: {  	[smem:$0x3FAB] =	sst s1  }
0xa: {  	[smem:$0x3FAC] =	sst s2  }
0xb: {  	[smem:$0x3FAD] =	sst s3  }
0xc: {  	[smem:$0x3FAE] =	sst s4  }
0xd: {  	[smem:$0x3FAF] =	sst s5  }
0xe: {  	[smem:$0x3FB0] =	sst s6  }
0xf: {  	[smem:$0x3FB1] =	sst s7  }
0x10: {  	[smem:$0x3FB2] =	sst s8  }
0x11: {  	[smem:$0x3FB3] =	sst s9;
	s0 =	simm.s32 @!p0 $0x0  }
0x12: {  	s1 =	sld [smem:$0x3F99];
	s0 =	simm.s32 @p0 $0x1  }
0x13: {  	[smem:$0x3FB4] =	sst s0;
	s0 =	simm.s32 @!p1 $0x0  }
0x14: {  	s2 =	sld [smem:$0x3F98];
	s0 =	simm.s32 @p1 $0x1  }
0x15: {  	[smem:$0x3FB5] =	sst s0;
	s0 =	simm.s32 @!p2 $0x0  }
0x16: {  	s3 =	sld [smem:$0x3FDB];
	s0 =	simm.s32 @p2 $0x1  }
0x17: {  	s4 =	simm.s32 $0x1BF5;
	[smem:$0x3FB7] =	sst s0  }
0x18: {  	s0 =	sld [smem:$0x3F9A];
	_ =	swait.ge [sflag:s4], $0x0  }
0x19: {  	s7 =	sld [smem:$0x3F9B]  }
0x1a: {  	s8 =	sadd.s32 $0xFFFFE003, lr  }
0x1b: {  	s9 =	sadd.s32 $0xFFFFFEF7, lr;
	s5 =	simm.s32 $0xFFFFFFFF;
	p2 =	slt.u32 s8, $0xFFFFF086  }
0x1c: {  	p1 =	slt.u32 s9, $0xF7A;
	s5 =	simm.s32 @!p2 $0x0  }
0x1d: {  	s5 =	simm.s32 @p1 $0x1;
	p0 =	seq.s32 s7, s2  }
0x1e: {  	s7 =	smul.u32 @!p0 $0xF7A, s2;
	p2 =	seq.s32 @!p0 s5, $0x0  }
0x1f: {  	s9 =	smul.u32 $0xF7A, s1;
	s8 =	simm.s32 @!p0 $0x1BF5;
	p2 =	por !p2, p0  }
0x20: {  	[sflag:s8] =	ssyncset.s32 @!p0 $0xFFFFF086;
	s6 =	sadd.s32 @!p0 s3, s7;
	s7 =	simm.s32 @!p0 $0x108  }
0x21: {  	s3 =	sadd.s32 s3, s9;
	s6 =	sadd.s32 @!p0 $0x88, s6;
	s7 =	simm.s32 @p2 $0x1082  }
0x22: {  	[simem:s7], [sflag:s8] =	dma.local @!p0 [hbm:s6], $0xF7A  }
0x23: {  	s9 =	sor.u32 $0xD0000000, s2;
	s6 =	simm.s32 $0x108;
	_ =	swait.ge @!p0 [sflag:s8], $0x0  }
0x24: {  	s3 =	sadd.s32 $0x88, s3;
	s6 =	simm.s32 @!p1 $0x1082;
	[sflag:s4] =	ssyncset.s32 $0xFFFFF086  }
0x25: {  	[simem:s6], [sflag:s4] =	dma.local [hbm:s3], $0xF7A  }
0x26: {  	[smem:$0x3F9B] =	sst s1;
	(tag) =	ssettag s2;
	_ =	strace s9  }
0x27: {  	s1 =	sld [smem:$0x3FAB]  }
0x28: {  	s2 =	sld [smem:$0x3FAC]  }
0x29: {  	s4 =	sld [smem:$0x3FAE]  }
0x2a: {  	p0 =	seq.s32 s5, $0x0;
	s5 =	sld [smem:$0x3FAF]  }
0x2b: {  	s6 =	sld [smem:$0x3FB0]  }
0x2c: {  	s7 =	sld [smem:$0x3FB1]  }
0x2d: {  	s3 =	simm.s32 $0x108;
	s8 =	sld [smem:$0x3FB2]  }
0x2e: {  	s3 =	simm.s32 @!p0 $0x1082;
	s9 =	sld [smem:$0x3FB3]  }
0x2f: {  	lr =	sadd.s32 s0, s3;
	s0 =	sld [smem:$0x3FAA]  }
0x30: {  	s3 =	sld [smem:$0x3FAD]  }
0x31: {  	[smem:$0x3FB6] =	sst s10  }
0x32: {  	s10 =	sld [smem:$0x3FB4];
	_ =	sdelay $0x3  }
0x33: {  	p0 =	seq.s32 s10, $0x1;
	s10 =	sld [smem:$0x3FB6];
	_ =	sdelay $0x3  }
0x34: {  	[smem:$0x3FB6] =	sst s10  }
0x35: {  	s10 =	sld [smem:$0x3FB5];
	_ =	sdelay $0x3  }
0x36: {  	p1 =	seq.s32 s10, $0x1;
	s10 =	sld [smem:$0x3FB6];
	_ =	sdelay $0x3  }
0x37: {  	[smem:$0x3FB6] =	sst s10  }
0x38: {  	s10 =	sld [smem:$0x3FB7]  }
0x39: {  	_ = 	snop;
	(pc) =	sbr.ind lr, $3  }
0x3a: {  	_ = 	snop  }
0x3b: {  	_ = 	snop  }
0x3c: {  	p2 =	seq.s32 s10, $0x1;
	s10 =	sld [smem:$0x3FB6]  }
0x3d: {  	_ =	shalt  }
0x3e: {  	_ =	shalt  }
0x3f: {  	_ =	shalt  }
0x40: {  	_ =	shalt  }
0x41: {  	_ =	shalt  }
0x42: {  	_ =	shalt  }
0x43: {  	_ =	shalt  }
0x44: {  	_ =	shalt  }
0x45: {  	_ =	shalt  }
0x46: {  	_ =	shalt  }
0x47: {  	_ =	shalt  }
0x48: {  	_ =	shalt  }
0x49: {  	_ =	shalt  }
0x4a: {  	_ =	shalt  }
0x4b: {  	_ =	shalt  }
0x4c: {  	_ =	shalt  }
0x4d: {  	_ =	shalt  }
0x4e: {  	_ =	shalt  }
0x4f: {  	_ =	shalt  }
0x50: {  	_ =	shalt  }
0x51: {  	_ =	shalt  }
0x52: {  	_ =	shalt  }
0x53: {  	_ =	shalt  }
0x54: {  	_ =	shalt  }
0x55: {  	_ =	shalt  }
0x56: {  	_ =	shalt  }
0x57: {  	_ =	shalt  }
0x58: {  	_ =	shalt  }
0x59: {  	_ =	shalt  }
0x5a: {  	_ =	shalt  }
0x5b: {  	_ =	shalt  }
0x5c: {  	_ =	shalt  }
0x5d: {  	_ =	shalt  }
0x5e: {  	_ =	shalt  }
0x5f: {  	_ =	shalt  }
0x60: {  	_ =	shalt  }
0x61: {  	_ =	shalt  }
0x62: {  	_ =	shalt  }
0x63: {  	_ =	shalt  }
0x64: {  	_ =	shalt  }
0x65: {  	_ =	shalt  }
0x66: {  	_ =	shalt  }
0x67: {  	_ =	shalt  }
0x68: {  	_ =	shalt  }
0x69: {  	_ =	shalt  }
0x6a: {  	_ =	shalt  }
0x6b: {  	_ =	shalt  }
0x6c: {  	_ =	shalt  }
0x6d: {  	_ =	shalt  }
0x6e: {  	_ =	shalt  }
0x6f: {  	_ =	shalt  }
0x70: {  	_ =	shalt  }
0x71: {  	_ =	shalt  }
0x72: {  	_ =	shalt  }
0x73: {  	_ =	shalt  }
0x74: {  	_ =	shalt  }
0x75: {  	_ =	shalt  }
0x76: {  	_ =	shalt  }
0x77: {  	_ =	shalt  }
0x78: {  	_ =	shalt  }
0x79: {  	_ =	shalt  }
0x7a: {  	_ =	shalt  }
0x7b: {  	_ =	shalt  }
0x7c: {  	_ =	shalt  }
0x7d: {  	_ =	shalt  }
0x7e: {  	_ =	shalt  }
0x7f: {  	_ =	shalt  }
0x80: {  	_ =	shalt  }
0x81: {  	_ =	shalt  }
0x82: {  	_ =	shalt  }
0x83: {  	_ =	shalt  }
0x84: {  	_ =	shalt  }
0x85: {  	_ =	shalt  }
0x86: {  	_ =	shalt  }
0x87: {  	_ =	shalt  }
.Lfunc_end0:
.L_simem_size_0:
called_computation.3_lowered:
.L_overlay_start_0:
0x88: {  	s2 =	sld [smem:$0x3FD9]  }
0x89: {  	s3 =	sld [smem:$0x3FFE];
	_ =	sdelay $0x1  }
0x8a: {  	s1 =	srdreg.scid  }
0x8b: {  	s0 =	sand.u32 $0x1, s1  }
0x8c: {  	s16 =	sshll.u32 s0, $0xA;
	s2 =	sadd.s32 s3, s2  }
0x8d: {  	s2 =	sadd.s32 s2, s16  }
0x8e: {  	[smem:$0x3FC2] =	sst s2  }
0x8f: {  	_ = 	snop  }
0x90: {  	(tm) =	ssettm $0x1  }
0x91: {  	s17 =	sld [smem:$0x3FFB];
	_ =	sdelay $0x3  }
0x92: {  	_ =	strace s17  }
0x93: {  	s2 =	sld [smem:$0x3FFC];
	_ =	sdelay $0x3  }
0x94: {  	_ =	strace s2  }
0x95: {  	s2 =	sld [smem:$0x3FFD];
	_ =	sdelay $0x3  }
0x96: {  	_ =	strace s2  }
0x97: {  	_ =	strace $0x8FFFFFFF  }
0x98: {  	s18 =	sld [smem:$0x3FDB];
	_ =	sdelay $0x1  }
0x99: {  	s19 =	simm.s32 $_scs_section_size  }
0x9a: {  	s4 =	simm.s32 $_size__tile_overlayer_lowered;
	s5 =	simm.s32 $_tile_overlayer_lowered  }
0x9b: {  	s22 =	simm.s32 $0x1BFF;
	s21 =	sshll.u32 s5, $0x1;
	s2 =	sadd.s32 s19, s18  }
0x9c: {  	s6 =	simm.s32 $0x0;
	s20 =	sshll.u32 s4, $0x1;
	s4 =	sadd.s32 s21, s2  }
0x9d: {  	[timem:s6], [sflag:s22] =	dma.local [hbm:s4], s20  }
0x9e: {  	_ =	swait.ge [sflag:s22], s20  }
0x9f: {  	s3 =	ssub.s32 $0x0, s20;
	[sflag:s22] =	ssyncset.done $0x0  }
0xa0: {  	[sflag:s22] =	ssyncadd.s32 s3;
	_ =	sdelay $0x1  }
0xa1: {  	s23 =	simm.s32 $0x1B8B  }
0xa2: {  	_ =	swait.ge [sflag:s23], $0x1  }
0xa3: {  	[sflag:s23] =	ssyncset.done $0x0  }
0xa4: {  	s25 =	simm.s32 $0x1B8E;
	s24 =	sld [smem:$0x3FFE];
	[sflag:s23] =	ssyncadd.s32 $0xFFFFFFFF  }
0xa5: {  	s26 =	simm.s32 $execute0_lowered;
	[smem:$0x3FD2] =	sst s25  }
0xa6: {  	s4 =	sshll.u32 s26, $0x1;
	_ =	strace $0x80000046;
	[dreg:$0x1] =	wrdreg $0xFFFFFFFF  }
0xa7: {  	s28 =	simm.s32 $_size_execute0_lowered;
	s2 =	sadd.s32 s2, s4;
	[dreg:$0x0] =	wrdreg $0x0  }
0xa8: {  	s4 =	sshll.u32 s28, $0x1;
	[dreg:$0x2] =	wrdreg s2  }
0xa9: {  	[dreg:$0x3] =	wrdreg s4  }
0xaa: {  	[dreg:$0x4] =	wrdreg $0xC0  }
0xab: {  	_ =	task [dreg:s6], $0x5FFFF  }
0xac: {  	[dreg:$0x1] =	wrdreg $0xFFFFFFFF  }
0xad: {  	[dreg:$0x0] =	wrdreg $0x60  }
0xae: {  	[dreg:$0x2] =	wrdreg s24  }
0xaf: {  	[dreg:$0x3] =	wrdreg $0xC  }
0xb0: {  	_ =	task.clear_ibuf [dreg:s6], $0x4FFFF;
	_ =	strace $0x90000046  }
0xb1: {  	s29 =	simm.s32 $0xC;
	_ =	strace $0x80000048  }
0xb2: {  	_ =	swait.ge [sflag:s29], $0x1  }
0xb3: {  	[sflag:s29] =	ssyncadd.s32 $0xFFFFFFFF  }
0xb4: {  	_ =	strace $0x90000048  }
0xb5: {  	_ =	sfence  }
0xb6: {  	s30 =	sld [smem:$0x0];
	_ =	sdelay $0x2  }
0xb7: {  	s31 =	sshll.u32 s1, $0xD;
	s1 =	sshrl.u32 s1, $0x2  }
0xb8: {  	s3 =	sand.u32 $0x4000, s31;
	s1 =	sadd.s32 s1, s30  }
0xb9: {  	s0 =	sor.u32 s3, s0;
	s1 =	sshll.u32 s1, $0x11  }
0xba: {  	s0 =	sor.u32 s1, s0  }
0xbb: {  	s0 =	sadd.s32 $0x8F2B, s0  }
0xbc: {  	[sflag:s0] =	ssyncadd.remote.s32 $0x1  }
0xbd: {  	_ =	sfence.sel $0xFFFF  }
0xbe: {  	[dreg:$0x0] =	wrdreg $0xFFFFFFFF;
	(pc) =	sbr.abs _section_cstart, $3  }
0xbf: {  	[dreg:$0x1] =	wrdreg $0xFFFFFFFF  }
0xc0: {  	_ =	task.clear_ibuf [dreg:s6], $0x2FFFF;
	_ =	strace $0x9FFFFFFF  }
0xc1: {  	(tm) =	ssettm $0x7FFFFFFF  }
tec
execute0_lowered:
.L_overlay_start_1:
0x0: {  	(tag) =	ssettag $0x1  }
0x1: {  	s0 =	rddreg [dreg:$0x0];
	s2 =	simm.s32 $0x0;
	s1 =	srdreg.scid  }
0x2: {  	s3 =	stileid.u32;
	s20 =	simm.s32 $0x2;
	s21 =	simm.s32 $0x80  }
0x3: {  	s24 =	simm.s32 $0x1080;
	s25 =	simm.s32 $0x1880;
	s28 =	simm.s32 $0x2880  }
0x4: {  	s29 =	simm.s32 $0x3080;
	s30 =	simm.s32 $0x3880;
	s31 =	simm.s32 $0x4080  }
0x5: {  	s23 =	simm.s32 $0x6080;
	[smem:$0x7FF] =	sst s2;
	s1 =	sand.u32 $0x1, s1  }
0x6: {  	s4 =	sshll.u32 s3, $0x2;
	s3 =	sadd.s32 $0x1E00, s0;
	s8 =	sadd.s32 $0x2000, s0  }
0x7: {  	s9 =	sadd.s32 $0x2100, s0;
	s10 =	sadd.s32 $0x2200, s0;
	s11 =	sadd.s32 $0x2300, s0  }
0x8: {  	s12 =	sadd.s32 $0x2400, s0;
	s13 =	sadd.s32 $0x2500, s0;
	s14 =	sadd.s32 $0x2600, s0  }
0x9: {  	s15 =	sadd.s32 $0x2700, s0;
	s16 =	sadd.s32 $0x2800, s0;
	s17 =	sadd.s32 $0x2900, s0  }
0xa: {  	s18 =	sadd.s32 $0x2A00, s0;
	s5 =	sshll.u32 s1, $0x1;
	s1 =	ssub.s32 $0x2, s1  }
0xb: {  	_ =	strace $0x80000047;
	s4 =	sor.u32 s5, s4;
	s7 =	sshrl.u32 s1, $0x1  }
0xc: {  	s5 =	sadd.s32 $0xB400, s0;
	s6 =	sadd.s32 s4, s0;
	s1 =	ssub.s32 s1, s7  }
0xd: {  	v0 =	vlaneseq.u32;
	s7 =	sadd.s32 $0x1F00, s0;
	s0 =	simm.s32 $0x0;
	s6 =	sadd.s32 $0x1C00, s6  }
0xe: {  	vm0 =	vmmov $0xff;
	v1 =	vshrl.u32 v0, $0x3;
	s26 =	smax.u32 s1, $0x1;
	s1 =	simm.s32 $0x5080;
	[dreg:$0x2] =	wrdreg s6  }
0xf: {  	vm1 =	vmmov $0xffff;
	v0 =	vand.u32 $0x7, v0;
	v1 =	vmul.u32 $0x8, v1;
	[dreg:$0x3] =	wrdreg s26;
	s26 =	simm.s32 $0x2080;
	s6 =	simm.s32 $0x5880  }
.LBB2_1:
0x10: {  	[dreg:$0x4] =	wrdreg s0  }
0x11: {  	s19 =	rddreg [dreg:$0x2]  }
0x12: {  	[tilespmem:s2], [sflag:$0x2] =	stream.linear.gather [hbm4b:s19+s2], $0x10, $0x38;
	[tilespmem:$0x6480] =	vst v63  }
0x13: {  	_ =	swait.ge [sflag:s20], $0x10  }
0x14: {  	p0 =	por $0x1, $0x1;
	[sflag:s20] =	ssyncset.done $0x0  }
0x15: {  	s0 =	simm.s32 $0x4880;
	s19 =	simm.s32 $0x0;
	[sflag:s20] =	ssyncadd.s32 $0xFFFFFFF0  }
.LBB2_2:
0x16: {  	s22 =	sshll.u32 s19, $0x3  }
0x17: {  	s22 =	sand.u32 $0x3FFFFFF8, s22  }
0x18: {  	v2 =	vld.msk [tilespmem:s22+$0x0], $0xff;
	_ =	sdelay $0x4  }
0x19: {  	v3 =	vshrl.u32 v2, $0x3  }
0x1a: {  	v3 =	vmul.u32 $0xC8, v3  }
0x1b: {  	v2 =	vand.u32 $0x7, v2  }
0x1c: {  	v2 =	vor.u32 v2, v3  }
0x1d: {  	v2 =	vperm.xlane v2, v0;
	_ =	sdelay $0x1  }
0x1e: {  	v2 =	vadd.s32 v1, v2;
	_ =	sdelay $0x4  }
0x1f: {  	[tilespmem:s21], [sflag:$0x1] =	stream.indirect_vreg.gather [hbm4b:s3+s2], $0x80, v2, vm1, $0xb8;
	[tilespmem:$0x6480] =	vst v63  }
0x20: {  	s22 =	simm.s32 $0x880  }
0x21: {  	[tilespmem:s22], [sflag:$0x1] =	stream.indirect_vreg.gather [hbm4b:s7+s2], $0x80, v2, vm1, $0xb8;
	[tilespmem:$0x6480] =	vst v63  }
0x22: {  	_ = 	snop  }
0x23: {  	[tilespmem:s24], [sflag:$0x1] =	stream.indirect_vreg.gather [hbm4b:s8+s2], $0x80, v2, vm1, $0xb8;
	[tilespmem:$0x6480] =	vst v63  }
0x24: {  	_ = 	snop  }
0x25: {  	[tilespmem:s25], [sflag:$0x1] =	stream.indirect_vreg.gather [hbm4b:s9+s2], $0x80, v2, vm1, $0xb8;
	[tilespmem:$0x6480] =	vst v63  }
0x26: {  	_ = 	snop  }
0x27: {  	[tilespmem:s26], [sflag:$0x1] =	stream.indirect_vreg.gather [hbm4b:s10+s2], $0x80, v2, vm1, $0xb8;
	[tilespmem:$0x6480] =	vst v63  }
0x28: {  	_ = 	snop  }
0x29: {  	[tilespmem:s28], [sflag:$0x1] =	stream.indirect_vreg.gather [hbm4b:s11+s2], $0x80, v2, vm1, $0xb8;
	[tilespmem:$0x6480] =	vst v63  }
0x2a: {  	_ = 	snop  }
0x2b: {  	[tilespmem:s29], [sflag:$0x1] =	stream.indirect_vreg.gather [hbm4b:s12+s2], $0x80, v2, vm1, $0xb8;
	[tilespmem:$0x6480] =	vst v63  }
0x2c: {  	_ = 	snop  }
0x2d: {  	[tilespmem:s30], [sflag:$0x1] =	stream.indirect_vreg.gather [hbm4b:s13+s2], $0x80, v2, vm1, $0xb8;
	[tilespmem:$0x6480] =	vst v63  }
0x2e: {  	_ = 	snop  }
0x2f: {  	[tilespmem:s31], [sflag:$0x1] =	stream.indirect_vreg.gather [hbm4b:s14+s2], $0x80, v2, vm1, $0xb8;
	[tilespmem:$0x6480] =	vst v63  }
0x30: {  	_ = 	snop  }
0x31: {  	[tilespmem:s0], [sflag:$0x1] =	stream.indirect_vreg.gather [hbm4b:s15+s2], $0x80, v2, vm1, $0xb8;
	[tilespmem:$0x6480] =	vst v63  }
0x32: {  	_ = 	snop  }
0x33: {  	[tilespmem:s1], [sflag:$0x1] =	stream.indirect_vreg.gather [hbm4b:s16+s2], $0x80, v2, vm1, $0xb8;
	[tilespmem:$0x6480] =	vst v63  }
0x34: {  	_ = 	snop  }
0x35: {  	[tilespmem:s6], [sflag:$0x1] =	stream.indirect_vreg.gather [hbm4b:s17+s2], $0x80, v2, vm1, $0xb8;
	[tilespmem:$0x6480] =	vst v63  }
0x36: {  	s19 =	sor.u32 s4, s19;
	s22 =	simm.s32 $0x1  }
0x37: {  	[tilespmem:s23], [sflag:$0x1] =	stream.indirect_vreg.gather [hbm4b:s18+s2], $0x80, v2, vm0, $0xb8;
	[tilespmem:$0x6480] =	vst v63  }
0x38: {  	s19 =	smul.u32 $0xC80, s19;
	_ =	swait.ge [sflag:s22], $0x6400  }
0x39: {  	p1 =	por p0, p0;
	[sflag:s22] =	ssyncset.done $0x0  }
.Ltmp0:
0x3a: {  	s19 =	sadd.s32 s5, s19;
	[sflag:s22] =	ssyncadd.s32 $0xFFFF9C00;
	(pc) =	sbr.rel @p1 .LBB2_2-.Ltmp0, $4  }
0x3b: {  	[hbm4b:s19+s2] =	stream.linear.scatter [tilespmem:s21], [sflag:$0x2], $0x6400, $0x38;
	[tilespmem:$0x6480] =	vst v63  }
0x3c: {  	_ =	swait.ge [sflag:s20], $0x6400  }
0x3d: {  	[sflag:s20] =	ssyncset.done $0x0  }
0x3e: {  	p0 =	por $0x0, $0x0;
	s19 =	simm.s32 $0x1;
	[sflag:s20] =	ssyncadd.s32 $0xFFFF9C00  }
0x3f: {  	s0 =	rddreg [dreg:$0x4]  }
0x40: {  	s19 =	rddreg [dreg:$0x3];
	s0 =	sadd.s32 $0x1, s0  }
0x41: {  	p0 =	sne.s32 s0, s19  }
.Ltmp1:
0x42: {  	_ = 	snop;
	(pc) =	sbr.rel @p0 .LBB2_1-.Ltmp1, $1  }
0x43: {  	_ =	sdelay $0x3  }
0x44: {  	_ =	sfence.sel $0x180000  }
0x45: {  	[bflag:$0x0] =	sbarrier.arrive $0xFFFF  }
0x46: {  	_ =	strace $0x90000047  }
0x47: {  	s0 =	stileid.u32;
	[bflag:$0x2] =	sbarrier.arrive $0xFFFF  }
0x48: {  	p0 =	sne.s32 s0, $0x0;
	s0 =	rddreg [dreg:$0x1]  }
0x49: {  	s0 =	sadd.s32 @!p0 $0x100000, s0  }
0x4a: {  	[sflag:s0] =	ssyncadd.tile.s32 @!p0 $0x1;
	_ =	shalt  }
.Lfunc_end2:
_tile_overlayer_lowered:
.L_overlay_start_2:
0x4b: {  	(tag) =	ssettag $0x2  }
0x4c: {  	s0 =	rddreg [dreg:$0x0];
	s2 =	stileid.u32  }
0x4d: {  	s1 =	rddreg [dreg:$0x1];
	p0 =	sne.s32 s2, $0x0  }
0x4e: {  	s3 =	rddreg [dreg:$0x2];
	[bflag:$0x3] =	sbarrier.arrive $0xFFFF;
	s2 =	simm.s32 @!p0 $0x1C02  }
0x4f: {  	[timem:s3], [sflag:s2] =	dma.local @!p0 [hbm:s0], s1  }
0x50: {  	s0 =	simm.s32 @!p0 $0x2  }
0x51: {  	_ =	swait.ge @!p0 [sflag:s0], s1  }
0x52: {  	s1 =	ssub.s32 @!p0 $0x0, s1;
	[sflag:s0] =	ssyncset.done @!p0 $0x0  }
0x53: {  	[sflag:s0] =	ssyncadd.s32 @!p0 s1  }
0x54: {  	[bflag:$0x3] =	sbarrier.arrive $0xFFFF  }
0x55: {  	_ =	shalt  }

</sc_bundles>
